<compile_context>
chip_gen: v7x
topology: tpu7x:2x2x1
jax: 0.10.2.dev20260603
libtpu: 0.0.44.dev20260713+nightly
codegen_flags: <defaults>
</compile_context>

<pallas_src>
import functools

import jax
import jax.numpy as jnp
from jax import lax
from jax.experimental import pallas as pl
from jax.experimental.pallas import tpu as pltpu
from jax.experimental.pallas import tpu_sc as plsc

L = 16
UNROLL = 8


def _make_sc_kernel(B, C, HW, num_bins):
    try:
        info = plsc.get_sparse_core_info()
        NC, NS = info.num_cores, info.num_subcores
    except Exception:
        NC, NS = 2, 16
    NW = NC * NS
    assert (B * HW) % NW == 0
    PW = (B * HW) // NW
    WPB = NW // B
    assert WPB * B == NW and WPB * PW == HW
    P = 4096
    while PW % (2 * P) != 0:
        P //= 2
    NT = PW // (2 * P)
    VV = ((num_bins + L - 1) // L) * L

    mesh = plsc.VectorSubcoreMesh(
        core_axis_name="c", subcore_axis_name="s", num_cores=NC, num_subcores=NS
    )

    @functools.partial(
        pl.kernel,
        out_type=jax.ShapeDtypeStruct((B * C * HW,), jnp.float32),
        mesh=mesh,
        compiler_params=pltpu.CompilerParams(needs_layout_passes=False),
        scratch_types=[
            pltpu.VMEM((2 * C * P,), jnp.float32),
            pltpu.VMEM((2 * C * P,), jnp.float32),
            pltpu.VMEM((C * VV,), jnp.float32),
            pltpu.SemaphoreType.DMA,
            pltpu.SemaphoreType.DMA,
            pltpu.SemaphoreType.DMA,
            pltpu.SemaphoreType.DMA,
        ],
    )
    def k(x_hbm, vf_hbm, out_hbm, in_v, out_v, vf_v,
          sem_in0, sem_in1, sem_out0, sem_out1):
        wid = lax.axis_index("s") * NC + lax.axis_index("c")
        b = wid // WPB
        q = wid % WPB
        pltpu.sync_copy(vf_hbm, vf_v)
        sems_in = (sem_in0, sem_in1)
        sems_out = (sem_out0, sem_out1)

        def issue_in(i, buf):
            for c in range(C):
                pltpu.async_copy(
                    x_hbm.at[pl.ds((b * C + c) * HW + q * PW + i * P, P)],
                    in_v.at[pl.ds((buf * C + c) * P, P)],
                    sems_in[buf],
                )

        def issue_out(i, buf):
            for c in range(C):
                pltpu.async_copy(
                    out_v.at[pl.ds((buf * C + c) * P, P)],
                    out_hbm.at[pl.ds((b * C + c) * HW + q * PW + i * P, P)],
                    sems_out[buf],
                )

        def drain_in(buf):
            for c in range(C):
                pltpu.make_async_copy(
                    x_hbm.at[pl.ds(0, P)],
                    in_v.at[pl.ds((buf * C + c) * P, P)],
                    sems_in[buf],
                ).wait()

        def drain_out(buf):
            for c in range(C):
                pltpu.make_async_copy(
                    out_v.at[pl.ds((buf * C + c) * P, P)],
                    out_hbm.at[pl.ds(0, P)],
                    sems_out[buf],
                ).wait()

        def compute_chunk(buf):
            base = buf * C * P

            @plsc.parallel_loop(0, P, L, unroll=UNROLL)
            def body(off):
                ls = [in_v[pl.ds(base + c * P + off, L)] for c in range(C)]
                m = ls[0]
                for c in range(1, C):
                    m = jnp.maximum(m, ls[c])
                es = [jnp.exp(l - m) for l in ls]
                s = es[0]
                for c in range(1, C):
                    s = s + es[c]
                rs = 1.0 / s
                cals = []
                for c in range(C):
                    p = es[c] * rs
                    bi = jnp.minimum((p * num_bins).astype(jnp.int32),
                                     num_bins - 1)
                    cals.append(plsc.load_gather(vf_v, [bi + c * VV]))
                s2 = cals[0]
                for c in range(1, C):
                    s2 = s2 + cals[c]
                s2 = jnp.where(s2 == 0.0, 1.0, s2)
                rs2 = 1.0 / s2
                for c in range(C):
                    out_v[pl.ds(base + c * P + off, L)] = cals[c] * rs2

        issue_in(0, 0)
        issue_in(1, 1)

        def pair_body(t, _):
            for buf in range(2):
                i = 2 * t + buf
                drain_in(buf)

                @pl.when(t > 0)
                def _():
                    drain_out(buf)

                compute_chunk(buf)
                issue_out(i, buf)

                @pl.when(t < NT - 1)
                def _():
                    issue_in(i + 2, buf)

            return 0

        lax.fori_loop(0, NT, pair_body, 0)
        drain_out(0)
        drain_out(1)

    return k


def kernel(logits, val_freqs):
    B, C, H, W = logits.shape
    num_classes, num_bins = val_freqs.shape
    assert num_classes == C
    HW = H * W
    VV = ((num_bins + L - 1) // L) * L
    vf_pad = jnp.pad(val_freqs, ((0, 0), (0, VV - num_bins))).reshape(-1)
    k = _make_sc_kernel(B, C, HW, num_bins)
    out = k(logits.reshape(-1), vf_pad)
    return out.reshape(B, C, H, W)

# --- scband reference (transcript-rebuilt; emitter-appended) ---
"""Pipeline reference for scband-histogram-binning-28080496181345 (READ-ONLY COPY).

The authoritative reference and input builder live on the scoring server;
editing this copy changes nothing except your own understanding.
"""

import jax, jax.numpy as jnp
import numpy as np

NUM_BINS = 15
NUM_CLASSES = 4


def setup_inputs(seed: int = 0) -> dict:
    key = jax.random.key(seed)
    k1, k2 = jax.random.split(key)
    logits = jax.random.normal(k1, (8, NUM_CLASSES, 512, 512), dtype=jnp.float32)
    # val_freqs plays the role of the per-class binwise calibrated frequencies
    # loaded from the stats pickle in the original module: shape [num_classes, num_bins].
    val_freqs = jax.random.uniform(k2, (NUM_CLASSES, NUM_BINS), dtype=jnp.float32)
    return {"logits": logits, "val_freqs": val_freqs}


def reference(logits, val_freqs):
    num_classes, num_bins = val_freqs.shape
    # softmax over the class dimension
    probs = jax.nn.softmax(logits, axis=1)  # [B, C, H, W]
    # find_bins: uniform bins on [0, 1] with width 1/num_bins;
    # ownership = floor(conf / width), clipped into [0, num_bins-1]
    bin_idx = jnp.clip(jnp.floor(probs * num_bins).astype(jnp.int32), 0, num_bins - 1)
    # per-class gather: calibrated[b, c, h, w] = val_freqs[c, bin_idx[b, c, h, w]]
    c_idx = jnp.arange(num_classes, dtype=jnp.int32)[None, :, None, None]
    calibrated = val_freqs[c_idx, bin_idx]  # [B, C, H, W]
    # normalize=True branch: renormalize over class dim, guarding zero sums
    s = jnp.sum(calibrated, axis=1, keepdims=True)
    s = jnp.where(s == 0.0, 1.0, s)
    return calibrated / s

if __name__ == "__main__":
    import jax
    _d = setup_inputs()
    print(jax.jit(kernel)(*tuple(_d.values())))

</pallas_src>

<mosaic_0001>
#map = affine_map<(d0, d1) -> (0)>
module attributes {stable_mosaic.version = 14 : i64} {
  func.func @k(%arg0: i32, %arg1: i32, %arg2: memref<8388608xf32, #tpu.memory_space<hbm>>, %arg3: memref<64xf32, #tpu.memory_space<hbm>>, %arg4: memref<8388608xf32, #tpu.memory_space<hbm>>, %arg5: memref<32768xf32, #tpu.memory_space<vmem>>, %arg6: memref<32768xf32, #tpu.memory_space<vmem>>, %arg7: memref<64xf32, #tpu.memory_space<vmem>>, %arg8: memref<!tpu.dma_semaphore, #tpu.memory_space<semaphore_mem>>, %arg9: memref<!tpu.dma_semaphore, #tpu.memory_space<semaphore_mem>>, %arg10: memref<!tpu.dma_semaphore, #tpu.memory_space<semaphore_mem>>, %arg11: memref<!tpu.dma_semaphore, #tpu.memory_space<semaphore_mem>>) attributes {dimension_semantics = [#tpu.dimension_semantics<core_parallel>, #tpu.dimension_semantics<subcore_parallel>], iteration_bounds = array<i64: 2, 16>, scalar_prefetch = 0 : i64, scratch_operands = 7 : i64, tpu.core_type = #tpu.core_type<sc_vector_subcore>, window_params = [{transform_indices = #map}, {transform_indices = #map}, {transform_indices = #map}]} {
    %mul3A = arith.constant 2 : i32
    %mul3A_0 = arith.muli %arg1, %mul3A : i32
    %add3A = arith.addi %mul3A_0, %arg0 : i32
    %jit3A = arith.constant 4 : i32
    %div3A = arith.divsi %add3A, %jit3A : i32
    %sign3A = arith.constant 0 : i32
    %sign3A_1 = arith.cmpi sgt, %add3A, %sign3A : i32
    %sign3A_2 = arith.extui %sign3A_1 : i1 to i32
    %sign3A_3 = arith.constant 0 : i32
    %sign3A_4 = arith.cmpi slt, %add3A, %sign3A_3 : i32
    %sign3A_5 = arith.extui %sign3A_4 : i1 to i32
    %sign3A_6 = arith.subi %sign3A_2, %sign3A_5 : i32
    %sign3A_7 = arith.constant 0 : i32
    %sign3A_8 = arith.cmpi sgt, %jit3A, %sign3A_7 : i32
    %sign3A_9 = arith.extui %sign3A_8 : i1 to i32
    %sign3A_10 = arith.constant 0 : i32
    %sign3A_11 = arith.cmpi slt, %jit3A, %sign3A_10 : i32
    %sign3A_12 = arith.extui %sign3A_11 : i1 to i32
    %sign3A_13 = arith.subi %sign3A_9, %sign3A_12 : i32
    %ne3A = arith.cmpi ne, %sign3A_6, %sign3A_13 : i32
    %rem3A = arith.remsi %add3A, %jit3A : i32
    %ne3A_14 = arith.constant 0 : i32
    %ne3A_15 = arith.cmpi ne, %rem3A, %ne3A_14 : i32
    %and3A = arith.andi %ne3A, %ne3A_15 : i1
    %sub3A = arith.constant 1 : i32
    %sub3A_16 = arith.subi %div3A, %sub3A : i32
    %select_n3A = arith.select %and3A, %sub3A_16, %div3A : i32
    %jit3A_17 = arith.constant 4 : i32
    %eq3A = arith.constant 0 : i32
    %eq3A_18 = arith.cmpi eq, %jit3A_17, %eq3A : i32
    %jit3A_19 = arith.constant 1 : i32
    %select_n3A_20 = arith.select %eq3A_18, %jit3A_19, %jit3A_17 : i32
    %rem3A_21 = arith.remsi %add3A, %select_n3A_20 : i32
    %ne3A_22 = arith.constant 0 : i32
    %ne3A_23 = arith.cmpi ne, %rem3A_21, %ne3A_22 : i32
    %lt3A = arith.constant 0 : i32
    %lt3A_24 = arith.cmpi slt, %rem3A_21, %lt3A : i32
    %lt3A_25 = arith.constant 0 : i32
    %lt3A_26 = arith.cmpi slt, %select_n3A_20, %lt3A_25 : i32
    %ne3A_27 = arith.xori %lt3A_24, %lt3A_26 : i1
    %and3A_28 = arith.andi %ne3A_27, %ne3A_23 : i1
    %add3A_29 = arith.addi %rem3A_21, %select_n3A_20 : i32
    %select_n3A_30 = arith.select %and3A_28, %add3A_29, %rem3A_21 : i32
    "tpu.region"() ({
      %run_scoped3A = tpu.sem_alloc : memref<!tpu.dma_semaphore, #tpu.memory_space<semaphore_mem>>
      tpu.enqueue_dma source(%arg3 : memref<64xf32, #tpu.memory_space<hbm>>) target(%arg7 : memref<64xf32, #tpu.memory_space<vmem>>) target_semaphore(%run_scoped3A : memref<!tpu.dma_semaphore, #tpu.memory_space<semaphore_mem>>)
      tpu.wait_dma2 semaphore(%run_scoped3A : memref<!tpu.dma_semaphore, #tpu.memory_space<semaphore_mem>>) src(%arg3 : memref<64xf32, #tpu.memory_space<hbm>>) dst(%arg7 : memref<64xf32, #tpu.memory_space<vmem>>)
      tpu.yield
    }) : () -> ()
    %mul3A_31 = arith.constant 4 : i32
    %mul3A_32 = arith.muli %select_n3A, %mul3A_31 : i32
    %add3A_33 = arith.constant 0 : i32
    %add3A_34 = arith.addi %mul3A_32, %add3A_33 : i32
    %mul3A_35 = arith.constant 262144 : i32
    %mul3A_36 = arith.muli %add3A_34, %mul3A_35 : i32
    %mul3A_37 = arith.constant 65536 : i32
    %mul3A_38 = arith.muli %select_n3A_30, %mul3A_37 : i32
    %add3A_39 = arith.addi %mul3A_36, %mul3A_38 : i32
    %add3A_40 = arith.constant 0 : i32
    %add3A_41 = arith.addi %add3A_39, %add3A_40 : i32
    %dma_start3A = arith.constant 0 : i32
    %dma_start3A_42 = tpu.memref_slice %arg5[%dma_start3A] : memref<32768xf32, #tpu.memory_space<vmem>> -> memref<4096xf32, #tpu.memory_space<vmem>>
    %dma_start3A_43 = tpu.memref_slice %arg2[%add3A_41] : memref<8388608xf32, #tpu.memory_space<hbm>> -> memref<4096xf32, #tpu.memory_space<hbm>>
    %dma_start3A_44 = arith.constant 0 : i32
    %dma_start3A_45 = tpu.memref_slice %arg5[%dma_start3A_44] : memref<32768xf32, #tpu.memory_space<vmem>> -> memref<4096xf32, #tpu.memory_space<vmem>>
    %dma_start3A_46 = tpu.memref_slice %arg2[%add3A_41] : memref<8388608xf32, #tpu.memory_space<hbm>> -> memref<4096xf32, #tpu.memory_space<hbm>>
    tpu.enqueue_dma source(%dma_start3A_46 : memref<4096xf32, #tpu.memory_space<hbm>>) target(%dma_start3A_45 : memref<4096xf32, #tpu.memory_space<vmem>>) target_semaphore(%arg8 : memref<!tpu.dma_semaphore, #tpu.memory_space<semaphore_mem>>)
    %mul3A_47 = arith.constant 4 : i32
    %mul3A_48 = arith.muli %select_n3A, %mul3A_47 : i32
    %add3A_49 = arith.constant 1 : i32
    %add3A_50 = arith.addi %mul3A_48, %add3A_49 : i32
    %mul3A_51 = arith.constant 262144 : i32
    %mul3A_52 = arith.muli %add3A_50, %mul3A_51 : i32
    %mul3A_53 = arith.constant 65536 : i32
    %mul3A_54 = arith.muli %select_n3A_30, %mul3A_53 : i32
    %add3A_55 = arith.addi %mul3A_52, %mul3A_54 : i32
    %add3A_56 = arith.constant 0 : i32
    %add3A_57 = arith.addi %add3A_55, %add3A_56 : i32
    %dma_start3A_58 = arith.constant 4096 : i32
    %dma_start3A_59 = tpu.memref_slice %arg5[%dma_start3A_58] : memref<32768xf32, #tpu.memory_space<vmem>> -> memref<4096xf32, #tpu.memory_space<vmem>>
    %dma_start3A_60 = tpu.memref_slice %arg2[%add3A_57] : memref<8388608xf32, #tpu.memory_space<hbm>> -> memref<4096xf32, #tpu.memory_space<hbm>>
    %dma_start3A_61 = arith.constant 4096 : i32
    %dma_start3A_62 = tpu.memref_slice %arg5[%dma_start3A_61] : memref<32768xf32, #tpu.memory_space<vmem>> -> memref<4096xf32, #tpu.memory_space<vmem>>
    %dma_start3A_63 = tpu.memref_slice %arg2[%add3A_57] : memref<8388608xf32, #tpu.memory_space<hbm>> -> memref<4096xf32, #tpu.memory_space<hbm>>
    tpu.enqueue_dma source(%dma_start3A_63 : memref<4096xf32, #tpu.memory_space<hbm>>) target(%dma_start3A_62 : memref<4096xf32, #tpu.memory_space<vmem>>) target_semaphore(%arg8 : memref<!tpu.dma_semaphore, #tpu.memory_space<semaphore_mem>>)
    %mul3A_64 = arith.constant 4 : i32
    %mul3A_65 = arith.muli %select_n3A, %mul3A_64 : i32
    %add3A_66 = arith.constant 2 : i32
    %add3A_67 = arith.addi %mul3A_65, %add3A_66 : i32
    %mul3A_68 = arith.constant 262144 : i32
    %mul3A_69 = arith.muli %add3A_67, %mul3A_68 : i32
    %mul3A_70 = arith.constant 65536 : i32
    %mul3A_71 = arith.muli %select_n3A_30, %mul3A_70 : i32
    %add3A_72 = arith.addi %mul3A_69, %mul3A_71 : i32
    %add3A_73 = arith.constant 0 : i32
    %add3A_74 = arith.addi %add3A_72, %add3A_73 : i32
    %dma_start3A_75 = arith.constant 8192 : i32
    %dma_start3A_76 = tpu.memref_slice %arg5[%dma_start3A_75] : memref<32768xf32, #tpu.memory_space<vmem>> -> memref<4096xf32, #tpu.memory_space<vmem>>
    %dma_start3A_77 = tpu.memref_slice %arg2[%add3A_74] : memref<8388608xf32, #tpu.memory_space<hbm>> -> memref<4096xf32, #tpu.memory_space<hbm>>
    %dma_start3A_78 = arith.constant 8192 : i32
    %dma_start3A_79 = tpu.memref_slice %arg5[%dma_start3A_78] : memref<32768xf32, #tpu.memory_space<vmem>> -> memref<4096xf32, #tpu.memory_space<vmem>>
    %dma_start3A_80 = tpu.memref_slice %arg2[%add3A_74] : memref<8388608xf32, #tpu.memory_space<hbm>> -> memref<4096xf32, #tpu.memory_space<hbm>>
    tpu.enqueue_dma source(%dma_start3A_80 : memref<4096xf32, #tpu.memory_space<hbm>>) target(%dma_start3A_79 : memref<4096xf32, #tpu.memory_space<vmem>>) target_semaphore(%arg8 : memref<!tpu.dma_semaphore, #tpu.memory_space<semaphore_mem>>)
    %mul3A_81 = arith.constant 4 : i32
    %mul3A_82 = arith.muli %select_n3A, %mul3A_81 : i32
    %add3A_83 = arith.constant 3 : i32
    %add3A_84 = arith.addi %mul3A_82, %add3A_83 : i32
    %mul3A_85 = arith.constant 262144 : i32
    %mul3A_86 = arith.muli %add3A_84, %mul3A_85 : i32
    %mul3A_87 = arith.constant 65536 : i32
    %mul3A_88 = arith.muli %select_n3A_30, %mul3A_87 : i32
    %add3A_89 = arith.addi %mul3A_86, %mul3A_88 : i32
    %add3A_90 = arith.constant 0 : i32
    %add3A_91 = arith.addi %add3A_89, %add3A_90 : i32
    %dma_start3A_92 = arith.constant 12288 : i32
    %dma_start3A_93 = tpu.memref_slice %arg5[%dma_start3A_92] : memref<32768xf32, #tpu.memory_space<vmem>> -> memref<4096xf32, #tpu.memory_space<vmem>>
    %dma_start3A_94 = tpu.memref_slice %arg2[%add3A_91] : memref<8388608xf32, #tpu.memory_space<hbm>> -> memref<4096xf32, #tpu.memory_space<hbm>>
    %dma_start3A_95 = arith.constant 12288 : i32
    %dma_start3A_96 = tpu.memref_slice %arg5[%dma_start3A_95] : memref<32768xf32, #tpu.memory_space<vmem>> -> memref<4096xf32, #tpu.memory_space<vmem>>
    %dma_start3A_97 = tpu.memref_slice %arg2[%add3A_91] : memref<8388608xf32, #tpu.memory_space<hbm>> -> memref<4096xf32, #tpu.memory_space<hbm>>
    tpu.enqueue_dma source(%dma_start3A_97 : memref<4096xf32, #tpu.memory_space<hbm>>) target(%dma_start3A_96 : memref<4096xf32, #tpu.memory_space<vmem>>) target_semaphore(%arg8 : memref<!tpu.dma_semaphore, #tpu.memory_space<semaphore_mem>>)
    %mul3A_98 = arith.constant 4 : i32
    %mul3A_99 = arith.muli %select_n3A, %mul3A_98 : i32
    %add3A_100 = arith.constant 0 : i32
    %add3A_101 = arith.addi %mul3A_99, %add3A_100 : i32
    %mul3A_102 = arith.constant 262144 : i32
    %mul3A_103 = arith.muli %add3A_101, %mul3A_102 : i32
    %mul3A_104 = arith.constant 65536 : i32
    %mul3A_105 = arith.muli %select_n3A_30, %mul3A_104 : i32
    %add3A_106 = arith.addi %mul3A_103, %mul3A_105 : i32
    %add3A_107 = arith.constant 4096 : i32
    %add3A_108 = arith.addi %add3A_106, %add3A_107 : i32
    %dma_start3A_109 = arith.constant 16384 : i32
    %dma_start3A_110 = tpu.memref_slice %arg5[%dma_start3A_109] : memref<32768xf32, #tpu.memory_space<vmem>> -> memref<4096xf32, #tpu.memory_space<vmem>>
    %dma_start3A_111 = tpu.memref_slice %arg2[%add3A_108] : memref<8388608xf32, #tpu.memory_space<hbm>> -> memref<4096xf32, #tpu.memory_space<hbm>>
    %dma_start3A_112 = arith.constant 16384 : i32
    %dma_start3A_113 = tpu.memref_slice %arg5[%dma_start3A_112] : memref<32768xf32, #tpu.memory_space<vmem>> -> memref<4096xf32, #tpu.memory_space<vmem>>
    %dma_start3A_114 = tpu.memref_slice %arg2[%add3A_108] : memref<8388608xf32, #tpu.memory_space<hbm>> -> memref<4096xf32, #tpu.memory_space<hbm>>
    tpu.enqueue_dma source(%dma_start3A_114 : memref<4096xf32, #tpu.memory_space<hbm>>) target(%dma_start3A_113 : memref<4096xf32, #tpu.memory_space<vmem>>) target_semaphore(%arg9 : memref<!tpu.dma_semaphore, #tpu.memory_space<semaphore_mem>>)
    %mul3A_115 = arith.constant 4 : i32
    %mul3A_116 = arith.muli %select_n3A, %mul3A_115 : i32
    %add3A_117 = arith.constant 1 : i32
    %add3A_118 = arith.addi %mul3A_116, %add3A_117 : i32
    %mul3A_119 = arith.constant 262144 : i32
    %mul3A_120 = arith.muli %add3A_118, %mul3A_119 : i32
    %mul3A_121 = arith.constant 65536 : i32
    %mul3A_122 = arith.muli %select_n3A_30, %mul3A_121 : i32
    %add3A_123 = arith.addi %mul3A_120, %mul3A_122 : i32
    %add3A_124 = arith.constant 4096 : i32
    %add3A_125 = arith.addi %add3A_123, %add3A_124 : i32
    %dma_start3A_126 = arith.constant 20480 : i32
    %dma_start3A_127 = tpu.memref_slice %arg5[%dma_start3A_126] : memref<32768xf32, #tpu.memory_space<vmem>> -> memref<4096xf32, #tpu.memory_space<vmem>>
    %dma_start3A_128 = tpu.memref_slice %arg2[%add3A_125] : memref<8388608xf32, #tpu.memory_space<hbm>> -> memref<4096xf32, #tpu.memory_space<hbm>>
    %dma_start3A_129 = arith.constant 20480 : i32
    %dma_start3A_130 = tpu.memref_slice %arg5[%dma_start3A_129] : memref<32768xf32, #tpu.memory_space<vmem>> -> memref<4096xf32, #tpu.memory_space<vmem>>
    %dma_start3A_131 = tpu.memref_slice %arg2[%add3A_125] : memref<8388608xf32, #tpu.memory_space<hbm>> -> memref<4096xf32, #tpu.memory_space<hbm>>
    tpu.enqueue_dma source(%dma_start3A_131 : memref<4096xf32, #tpu.memory_space<hbm>>) target(%dma_start3A_130 : memref<4096xf32, #tpu.memory_space<vmem>>) target_semaphore(%arg9 : memref<!tpu.dma_semaphore, #tpu.memory_space<semaphore_mem>>)
    %mul3A_132 = arith.constant 4 : i32
    %mul3A_133 = arith.muli %select_n3A, %mul3A_132 : i32
    %add3A_134 = arith.constant 2 : i32
    %add3A_135 = arith.addi %mul3A_133, %add3A_134 : i32
    %mul3A_136 = arith.constant 262144 : i32
    %mul3A_137 = arith.muli %add3A_135, %mul3A_136 : i32
    %mul3A_138 = arith.constant 65536 : i32
    %mul3A_139 = arith.muli %select_n3A_30, %mul3A_138 : i32
    %add3A_140 = arith.addi %mul3A_137, %mul3A_139 : i32
    %add3A_141 = arith.constant 4096 : i32
    %add3A_142 = arith.addi %add3A_140, %add3A_141 : i32
    %dma_start3A_143 = arith.constant 24576 : i32
    %dma_start3A_144 = tpu.memref_slice %arg5[%dma_start3A_143] : memref<32768xf32, #tpu.memory_space<vmem>> -> memref<4096xf32, #tpu.memory_space<vmem>>
    %dma_start3A_145 = tpu.memref_slice %arg2[%add3A_142] : memref<8388608xf32, #tpu.memory_space<hbm>> -> memref<4096xf32, #tpu.memory_space<hbm>>
    %dma_start3A_146 = arith.constant 24576 : i32
    %dma_start3A_147 = tpu.memref_slice %arg5[%dma_start3A_146] : memref<32768xf32, #tpu.memory_space<vmem>> -> memref<4096xf32, #tpu.memory_space<vmem>>
    %dma_start3A_148 = tpu.memref_slice %arg2[%add3A_142] : memref<8388608xf32, #tpu.memory_space<hbm>> -> memref<4096xf32, #tpu.memory_space<hbm>>
    tpu.enqueue_dma source(%dma_start3A_148 : memref<4096xf32, #tpu.memory_space<hbm>>) target(%dma_start3A_147 : memref<4096xf32, #tpu.memory_space<vmem>>) target_semaphore(%arg9 : memref<!tpu.dma_semaphore, #tpu.memory_space<semaphore_mem>>)
    %mul3A_149 = arith.constant 4 : i32
    %mul3A_150 = arith.muli %select_n3A, %mul3A_149 : i32
    %add3A_151 = arith.constant 3 : i32
    %add3A_152 = arith.addi %mul3A_150, %add3A_151 : i32
    %mul3A_153 = arith.constant 262144 : i32
    %mul3A_154 = arith.muli %add3A_152, %mul3A_153 : i32
    %mul3A_155 = arith.constant 65536 : i32
    %mul3A_156 = arith.muli %select_n3A_30, %mul3A_155 : i32
    %add3A_157 = arith.addi %mul3A_154, %mul3A_156 : i32
    %add3A_158 = arith.constant 4096 : i32
    %add3A_159 = arith.addi %add3A_157, %add3A_158 : i32
    %dma_start3A_160 = arith.constant 28672 : i32
    %dma_start3A_161 = tpu.memref_slice %arg5[%dma_start3A_160] : memref<32768xf32, #tpu.memory_space<vmem>> -> memref<4096xf32, #tpu.memory_space<vmem>>
    %dma_start3A_162 = tpu.memref_slice %arg2[%add3A_159] : memref<8388608xf32, #tpu.memory_space<hbm>> -> memref<4096xf32, #tpu.memory_space<hbm>>
    %dma_start3A_163 = arith.constant 28672 : i32
    %dma_start3A_164 = tpu.memref_slice %arg5[%dma_start3A_163] : memref<32768xf32, #tpu.memory_space<vmem>> -> memref<4096xf32, #tpu.memory_space<vmem>>
    %dma_start3A_165 = tpu.memref_slice %arg2[%add3A_159] : memref<8388608xf32, #tpu.memory_space<hbm>> -> memref<4096xf32, #tpu.memory_space<hbm>>
    tpu.enqueue_dma source(%dma_start3A_165 : memref<4096xf32, #tpu.memory_space<hbm>>) target(%dma_start3A_164 : memref<4096xf32, #tpu.memory_space<vmem>>) target_semaphore(%arg9 : memref<!tpu.dma_semaphore, #tpu.memory_space<semaphore_mem>>)
    %scan3A = arith.constant 0 : i32
    %scan3A_166 = arith.constant 0 : i32
    %scan3A_167 = arith.constant 8 : i32
    %scan3A_168 = arith.addi %scan3A_166, %scan3A_167 : i32
    %scan3A_169 = arith.constant 1 : i32
    %scan3A_170 = scf.for %scan3A_235 = %scan3A_166 to %scan3A_168 step %scan3A_169 iter_args(%scan3A_236 = %scan3A) -> (i32)  : i32 {
      %mul3A_237 = arith.constant 2 : i32
      %mul3A_238 = arith.muli %mul3A_237, %scan3A_235 : i32
      %add3A_239 = arith.constant 0 : i32
      %add3A_240 = arith.addi %mul3A_238, %add3A_239 : i32
      %dma_wait3A_241 = arith.constant 0 : i32
      %dma_wait3A_242 = tpu.memref_slice %arg5[%dma_wait3A_241] : memref<32768xf32, #tpu.memory_space<vmem>> -> memref<4096xf32, #tpu.memory_space<vmem>>
      %dma_wait3A_243 = arith.constant 0 : i32
      %dma_wait3A_244 = tpu.memref_slice %arg2[%dma_wait3A_243] : memref<8388608xf32, #tpu.memory_space<hbm>> -> memref<4096xf32, #tpu.memory_space<hbm>>
      %dma_wait3A_245 = arith.constant 0 : i32
      %dma_wait3A_246 = tpu.memref_slice %arg5[%dma_wait3A_245] : memref<32768xf32, #tpu.memory_space<vmem>> -> memref<4096xf32, #tpu.memory_space<vmem>>
      %dma_wait3A_247 = arith.constant 0 : i32
      %dma_wait3A_248 = tpu.memref_slice %arg2[%dma_wait3A_247] : memref<8388608xf32, #tpu.memory_space<hbm>> -> memref<4096xf32, #tpu.memory_space<hbm>>
      tpu.wait_dma2 semaphore(%arg8 : memref<!tpu.dma_semaphore, #tpu.memory_space<semaphore_mem>>) src(%dma_wait3A_248 : memref<4096xf32, #tpu.memory_space<hbm>>) dst(%dma_wait3A_246 : memref<4096xf32, #tpu.memory_space<vmem>>)
      %dma_wait3A_249 = arith.constant 4096 : i32
      %dma_wait3A_250 = tpu.memref_slice %arg5[%dma_wait3A_249] : memref<32768xf32, #tpu.memory_space<vmem>> -> memref<4096xf32, #tpu.memory_space<vmem>>
      %dma_wait3A_251 = arith.constant 0 : i32
      %dma_wait3A_252 = tpu.memref_slice %arg2[%dma_wait3A_251] : memref<8388608xf32, #tpu.memory_space<hbm>> -> memref<4096xf32, #tpu.memory_space<hbm>>
      %dma_wait3A_253 = arith.constant 4096 : i32
      %dma_wait3A_254 = tpu.memref_slice %arg5[%dma_wait3A_253] : memref<32768xf32, #tpu.memory_space<vmem>> -> memref<4096xf32, #tpu.memory_space<vmem>>
      %dma_wait3A_255 = arith.constant 0 : i32
      %dma_wait3A_256 = tpu.memref_slice %arg2[%dma_wait3A_255] : memref<8388608xf32, #tpu.memory_space<hbm>> -> memref<4096xf32, #tpu.memory_space<hbm>>
      tpu.wait_dma2 semaphore(%arg8 : memref<!tpu.dma_semaphore, #tpu.memory_space<semaphore_mem>>) src(%dma_wait3A_256 : memref<4096xf32, #tpu.memory_space<hbm>>) dst(%dma_wait3A_254 : memref<4096xf32, #tpu.memory_space<vmem>>)
      %dma_wait3A_257 = arith.constant 8192 : i32
      %dma_wait3A_258 = tpu.memref_slice %arg5[%dma_wait3A_257] : memref<32768xf32, #tpu.memory_space<vmem>> -> memref<4096xf32, #tpu.memory_space<vmem>>
      %dma_wait3A_259 = arith.constant 0 : i32
      %dma_wait3A_260 = tpu.memref_slice %arg2[%dma_wait3A_259] : memref<8388608xf32, #tpu.memory_space<hbm>> -> memref<4096xf32, #tpu.memory_space<hbm>>
      %dma_wait3A_261 = arith.constant 8192 : i32
      %dma_wait3A_262 = tpu.memref_slice %arg5[%dma_wait3A_261] : memref<32768xf32, #tpu.memory_space<vmem>> -> memref<4096xf32, #tpu.memory_space<vmem>>
      %dma_wait3A_263 = arith.constant 0 : i32
      %dma_wait3A_264 = tpu.memref_slice %arg2[%dma_wait3A_263] : memref<8388608xf32, #tpu.memory_space<hbm>> -> memref<4096xf32, #tpu.memory_space<hbm>>
      tpu.wait_dma2 semaphore(%arg8 : memref<!tpu.dma_semaphore, #tpu.memory_space<semaphore_mem>>) src(%dma_wait3A_264 : memref<4096xf32, #tpu.memory_space<hbm>>) dst(%dma_wait3A_262 : memref<4096xf32, #tpu.memory_space<vmem>>)
      %dma_wait3A_265 = arith.constant 12288 : i32
      %dma_wait3A_266 = tpu.memref_slice %arg5[%dma_wait3A_265] : memref<32768xf32, #tpu.memory_space<vmem>> -> memref<4096xf32, #tpu.memory_space<vmem>>
      %dma_wait3A_267 = arith.constant 0 : i32
      %dma_wait3A_268 = tpu.memref_slice %arg2[%dma_wait3A_267] : memref<8388608xf32, #tpu.memory_space<hbm>> -> memref<4096xf32, #tpu.memory_space<hbm>>
      %dma_wait3A_269 = arith.constant 12288 : i32
      %dma_wait3A_270 = tpu.memref_slice %arg5[%dma_wait3A_269] : memref<32768xf32, #tpu.memory_space<vmem>> -> memref<4096xf32, #tpu.memory_space<vmem>>
      %dma_wait3A_271 = arith.constant 0 : i32
      %dma_wait3A_272 = tpu.memref_slice %arg2[%dma_wait3A_271] : memref<8388608xf32, #tpu.memory_space<hbm>> -> memref<4096xf32, #tpu.memory_space<hbm>>
      tpu.wait_dma2 semaphore(%arg8 : memref<!tpu.dma_semaphore, #tpu.memory_space<semaphore_mem>>) src(%dma_wait3A_272 : memref<4096xf32, #tpu.memory_space<hbm>>) dst(%dma_wait3A_270 : memref<4096xf32, #tpu.memory_space<vmem>>)
      %gt3A = arith.constant 0 : i32
      %gt3A_273 = arith.cmpi sgt, %scan3A_235, %gt3A : i32
      %convert_element_type3A = arith.extui %gt3A_273 : i1 to i32
      %cond3A = arith.constant 0 : i32
      %cond3A_274 = arith.cmpi ne, %convert_element_type3A, %cond3A : i32
      scf.if %cond3A_274 {
        %dma_wait3A_476 = arith.constant 0 : i32
        %dma_wait3A_477 = tpu.memref_slice %arg6[%dma_wait3A_476] : memref<32768xf32, #tpu.memory_space<vmem>> -> memref<4096xf32, #tpu.memory_space<vmem>>
        %dma_wait3A_478 = arith.constant 0 : i32
        %dma_wait3A_479 = tpu.memref_slice %arg4[%dma_wait3A_478] : memref<8388608xf32, #tpu.memory_space<hbm>> -> memref<4096xf32, #tpu.memory_space<hbm>>
        %dma_wait3A_480 = arith.constant 0 : i32
        %dma_wait3A_481 = tpu.memref_slice %arg4[%dma_wait3A_480] : memref<8388608xf32, #tpu.memory_space<hbm>> -> memref<4096xf32, #tpu.memory_space<hbm>>
        %dma_wait3A_482 = arith.constant 0 : i32
        %dma_wait3A_483 = tpu.memref_slice %arg6[%dma_wait3A_482] : memref<32768xf32, #tpu.memory_space<vmem>> -> memref<4096xf32, #tpu.memory_space<vmem>>
        tpu.wait_dma2 semaphore(%arg10 : memref<!tpu.dma_semaphore, #tpu.memory_space<semaphore_mem>>) src(%dma_wait3A_483 : memref<4096xf32, #tpu.memory_space<vmem>>) dst(%dma_wait3A_481 : memref<4096xf32, #tpu.memory_space<hbm>>)
        %dma_wait3A_484 = arith.constant 4096 : i32
        %dma_wait3A_485 = tpu.memref_slice %arg6[%dma_wait3A_484] : memref<32768xf32, #tpu.memory_space<vmem>> -> memref<4096xf32, #tpu.memory_space<vmem>>
        %dma_wait3A_486 = arith.constant 0 : i32
        %dma_wait3A_487 = tpu.memref_slice %arg4[%dma_wait3A_486] : memref<8388608xf32, #tpu.memory_space<hbm>> -> memref<4096xf32, #tpu.memory_space<hbm>>
        %dma_wait3A_488 = arith.constant 0 : i32
        %dma_wait3A_489 = tpu.memref_slice %arg4[%dma_wait3A_488] : memref<8388608xf32, #tpu.memory_space<hbm>> -> memref<4096xf32, #tpu.memory_space<hbm>>
        %dma_wait3A_490 = arith.constant 4096 : i32
        %dma_wait3A_491 = tpu.memref_slice %arg6[%dma_wait3A_490] : memref<32768xf32, #tpu.memory_space<vmem>> -> memref<4096xf32, #tpu.memory_space<vmem>>
        tpu.wait_dma2 semaphore(%arg10 : memref<!tpu.dma_semaphore, #tpu.memory_space<semaphore_mem>>) src(%dma_wait3A_491 : memref<4096xf32, #tpu.memory_space<vmem>>) dst(%dma_wait3A_489 : memref<4096xf32, #tpu.memory_space<hbm>>)
        %dma_wait3A_492 = arith.constant 8192 : i32
        %dma_wait3A_493 = tpu.memref_slice %arg6[%dma_wait3A_492] : memref<32768xf32, #tpu.memory_space<vmem>> -> memref<4096xf32, #tpu.memory_space<vmem>>
        %dma_wait3A_494 = arith.constant 0 : i32
        %dma_wait3A_495 = tpu.memref_slice %arg4[%dma_wait3A_494] : memref<8388608xf32, #tpu.memory_space<hbm>> -> memref<4096xf32, #tpu.memory_space<hbm>>
        %dma_wait3A_496 = arith.constant 0 : i32
        %dma_wait3A_497 = tpu.memref_slice %arg4[%dma_wait3A_496] : memref<8388608xf32, #tpu.memory_space<hbm>> -> memref<4096xf32, #tpu.memory_space<hbm>>
        %dma_wait3A_498 = arith.constant 8192 : i32
        %dma_wait3A_499 = tpu.memref_slice %arg6[%dma_wait3A_498] : memref<32768xf32, #tpu.memory_space<vmem>> -> memref<4096xf32, #tpu.memory_space<vmem>>
        tpu.wait_dma2 semaphore(%arg10 : memref<!tpu.dma_semaphore, #tpu.memory_space<semaphore_mem>>) src(%dma_wait3A_499 : memref<4096xf32, #tpu.memory_space<vmem>>) dst(%dma_wait3A_497 : memref<4096xf32, #tpu.memory_space<hbm>>)
        %dma_wait3A_500 = arith.constant 12288 : i32
        %dma_wait3A_501 = tpu.memref_slice %arg6[%dma_wait3A_500] : memref<32768xf32, #tpu.memory_space<vmem>> -> memref<4096xf32, #tpu.memory_space<vmem>>
        %dma_wait3A_502 = arith.constant 0 : i32
        %dma_wait3A_503 = tpu.memref_slice %arg4[%dma_wait3A_502] : memref<8388608xf32, #tpu.memory_space<hbm>> -> memref<4096xf32, #tpu.memory_space<hbm>>
        %dma_wait3A_504 = arith.constant 0 : i32
        %dma_wait3A_505 = tpu.memref_slice %arg4[%dma_wait3A_504] : memref<8388608xf32, #tpu.memory_space<hbm>> -> memref<4096xf32, #tpu.memory_space<hbm>>
        %dma_wait3A_506 = arith.constant 12288 : i32
        %dma_wait3A_507 = tpu.memref_slice %arg6[%dma_wait3A_506] : memref<32768xf32, #tpu.memory_space<vmem>> -> memref<4096xf32, #tpu.memory_space<vmem>>
        tpu.wait_dma2 semaphore(%arg10 : memref<!tpu.dma_semaphore, #tpu.memory_space<semaphore_mem>>) src(%dma_wait3A_507 : memref<4096xf32, #tpu.memory_space<vmem>>) dst(%dma_wait3A_505 : memref<4096xf32, #tpu.memory_space<hbm>>)
      } else {
      }
      %parallel_loop3A = arith.constant 0 : i32
      %parallel_loop3A_275 = arith.constant 4096 : i32
      %parallel_loop3A_276 = arith.constant 16 : i32
      scf.for %parallel_loop3A_476 = %parallel_loop3A to %parallel_loop3A_275 step %parallel_loop3A_276  : i32 {
        %parallel_loop3A_477 = arith.constant 0 : i32
        %parallel_loop3A_478 = arith.addi %parallel_loop3A_477, %parallel_loop3A_476 : i32
        %parallel_loop3A_479 = arith.index_cast %parallel_loop3A_478 : i32 to index
        %parallel_loop3A_480 = tpu.vector_load %arg5[%parallel_loop3A_479] {strides = array<i32>} : memref<32768xf32, #tpu.memory_space<vmem>>, vector<16xf32>,
        %parallel_loop3A_481 = arith.constant 4096 : i32
        %parallel_loop3A_482 = arith.addi %parallel_loop3A_481, %parallel_loop3A_476 : i32
        %parallel_loop3A_483 = arith.index_cast %parallel_loop3A_482 : i32 to index
        %parallel_loop3A_484 = tpu.vector_load %arg5[%parallel_loop3A_483] {strides = array<i32>} : memref<32768xf32, #tpu.memory_space<vmem>>, vector<16xf32>,
        %parallel_loop3A_485 = arith.constant 8192 : i32
        %parallel_loop3A_486 = arith.addi %parallel_loop3A_485, %parallel_loop3A_476 : i32
        %parallel_loop3A_487 = arith.index_cast %parallel_loop3A_486 : i32 to index
        %parallel_loop3A_488 = tpu.vector_load %arg5[%parallel_loop3A_487] {strides = array<i32>} : memref<32768xf32, #tpu.memory_space<vmem>>, vector<16xf32>,
        %parallel_loop3A_489 = arith.constant 12288 : i32
        %parallel_loop3A_490 = arith.addi %parallel_loop3A_489, %parallel_loop3A_476 : i32
        %parallel_loop3A_491 = arith.index_cast %parallel_loop3A_490 : i32 to index
        %parallel_loop3A_492 = tpu.vector_load %arg5[%parallel_loop3A_491] {strides = array<i32>} : memref<32768xf32, #tpu.memory_space<vmem>>, vector<16xf32>,
        %parallel_loop3A_493 = arith.maximumf %parallel_loop3A_480, %parallel_loop3A_484 : vector<16xf32>
        %parallel_loop3A_494 = arith.maximumf %parallel_loop3A_493, %parallel_loop3A_488 : vector<16xf32>
        %parallel_loop3A_495 = arith.maximumf %parallel_loop3A_494, %parallel_loop3A_492 : vector<16xf32>
        %parallel_loop3A_496 = arith.subf %parallel_loop3A_480, %parallel_loop3A_495 : vector<16xf32>
        %parallel_loop3A_497 = math.exp %parallel_loop3A_496 : vector<16xf32>
        %parallel_loop3A_498 = arith.subf %parallel_loop3A_484, %parallel_loop3A_495 : vector<16xf32>
        %parallel_loop3A_499 = math.exp %parallel_loop3A_498 : vector<16xf32>
        %parallel_loop3A_500 = arith.subf %parallel_loop3A_488, %parallel_loop3A_495 : vector<16xf32>
        %parallel_loop3A_501 = math.exp %parallel_loop3A_500 : vector<16xf32>
        %parallel_loop3A_502 = arith.subf %parallel_loop3A_492, %parallel_loop3A_495 : vector<16xf32>
        %parallel_loop3A_503 = math.exp %parallel_loop3A_502 : vector<16xf32>
        %parallel_loop3A_504 = arith.addf %parallel_loop3A_497, %parallel_loop3A_499 : vector<16xf32>
        %parallel_loop3A_505 = arith.addf %parallel_loop3A_504, %parallel_loop3A_501 : vector<16xf32>
        %parallel_loop3A_506 = arith.addf %parallel_loop3A_505, %parallel_loop3A_503 : vector<16xf32>
        %parallel_loop3A_507 = arith.constant 1.000000e+00 : f32
        %parallel_loop3A_508 = vector.broadcast %parallel_loop3A_507 : f32 to vector<16xf32>
        %parallel_loop3A_509 = arith.divf %parallel_loop3A_508, %parallel_loop3A_506 : vector<16xf32>
        %parallel_loop3A_510 = arith.mulf %parallel_loop3A_497, %parallel_loop3A_509 : vector<16xf32>
        %parallel_loop3A_511 = arith.constant 1.500000e+01 : f32
        %parallel_loop3A_512 = vector.broadcast %parallel_loop3A_511 : f32 to vector<16xf32>
        %parallel_loop3A_513 = arith.mulf %parallel_loop3A_510, %parallel_loop3A_512 : vector<16xf32>
        %parallel_loop3A_514 = arith.fptosi %parallel_loop3A_513 : vector<16xf32> to vector<16xi32>
        %parallel_loop3A_515 = arith.constant 14 : i32
        %parallel_loop3A_516 = vector.broadcast %parallel_loop3A_515 : i32 to vector<16xi32>
        %parallel_loop3A_517 = arith.minsi %parallel_loop3A_514, %parallel_loop3A_516 : vector<16xi32>
        %parallel_loop3A_518 = arith.constant 0 : i32
        %parallel_loop3A_519 = vector.broadcast %parallel_loop3A_518 : i32 to vector<16xi32>
        %parallel_loop3A_520 = arith.addi %parallel_loop3A_517, %parallel_loop3A_519 : vector<16xi32>
        %parallel_loop3A_521 = tpu.vector_load_idx %arg7[%parallel_loop3A_520] : memref<64xf32, #tpu.memory_space<vmem>>[vector<16xi32>], vector<16xf32>,
        %parallel_loop3A_522 = arith.mulf %parallel_loop3A_499, %parallel_loop3A_509 : vector<16xf32>
        %parallel_loop3A_523 = arith.constant 1.500000e+01 : f32
        %parallel_loop3A_524 = vector.broadcast %parallel_loop3A_523 : f32 to vector<16xf32>
        %parallel_loop3A_525 = arith.mulf %parallel_loop3A_522, %parallel_loop3A_524 : vector<16xf32>
        %parallel_loop3A_526 = arith.fptosi %parallel_loop3A_525 : vector<16xf32> to vector<16xi32>
        %parallel_loop3A_527 = arith.constant 14 : i32
        %parallel_loop3A_528 = vector.broadcast %parallel_loop3A_527 : i32 to vector<16xi32>
        %parallel_loop3A_529 = arith.minsi %parallel_loop3A_526, %parallel_loop3A_528 : vector<16xi32>
        %parallel_loop3A_530 = arith.constant 16 : i32
        %parallel_loop3A_531 = vector.broadcast %parallel_loop3A_530 : i32 to vector<16xi32>
        %parallel_loop3A_532 = arith.addi %parallel_loop3A_529, %parallel_loop3A_531 : vector<16xi32>
        %parallel_loop3A_533 = tpu.vector_load_idx %arg7[%parallel_loop3A_532] : memref<64xf32, #tpu.memory_space<vmem>>[vector<16xi32>], vector<16xf32>,
        %parallel_loop3A_534 = arith.mulf %parallel_loop3A_501, %parallel_loop3A_509 : vector<16xf32>
        %parallel_loop3A_535 = arith.constant 1.500000e+01 : f32
        %parallel_loop3A_536 = vector.broadcast %parallel_loop3A_535 : f32 to vector<16xf32>
        %parallel_loop3A_537 = arith.mulf %parallel_loop3A_534, %parallel_loop3A_536 : vector<16xf32>
        %parallel_loop3A_538 = arith.fptosi %parallel_loop3A_537 : vector<16xf32> to vector<16xi32>
        %parallel_loop3A_539 = arith.constant 14 : i32
        %parallel_loop3A_540 = vector.broadcast %parallel_loop3A_539 : i32 to vector<16xi32>
        %parallel_loop3A_541 = arith.minsi %parallel_loop3A_538, %parallel_loop3A_540 : vector<16xi32>
        %parallel_loop3A_542 = arith.constant 32 : i32
        %parallel_loop3A_543 = vector.broadcast %parallel_loop3A_542 : i32 to vector<16xi32>
        %parallel_loop3A_544 = arith.addi %parallel_loop3A_541, %parallel_loop3A_543 : vector<16xi32>
        %parallel_loop3A_545 = tpu.vector_load_idx %arg7[%parallel_loop3A_544] : memref<64xf32, #tpu.memory_space<vmem>>[vector<16xi32>], vector<16xf32>,
        %parallel_loop3A_546 = arith.mulf %parallel_loop3A_503, %parallel_loop3A_509 : vector<16xf32>
        %parallel_loop3A_547 = arith.constant 1.500000e+01 : f32
        %parallel_loop3A_548 = vector.broadcast %parallel_loop3A_547 : f32 to vector<16xf32>
        %parallel_loop3A_549 = arith.mulf %parallel_loop3A_546, %parallel_loop3A_548 : vector<16xf32>
        %parallel_loop3A_550 = arith.fptosi %parallel_loop3A_549 : vector<16xf32> to vector<16xi32>
        %parallel_loop3A_551 = arith.constant 14 : i32
        %parallel_loop3A_552 = vector.broadcast %parallel_loop3A_551 : i32 to vector<16xi32>
        %parallel_loop3A_553 = arith.minsi %parallel_loop3A_550, %parallel_loop3A_552 : vector<16xi32>
        %parallel_loop3A_554 = arith.constant 48 : i32
        %parallel_loop3A_555 = vector.broadcast %parallel_loop3A_554 : i32 to vector<16xi32>
        %parallel_loop3A_556 = arith.addi %parallel_loop3A_553, %parallel_loop3A_555 : vector<16xi32>
        %parallel_loop3A_557 = tpu.vector_load_idx %arg7[%parallel_loop3A_556] : memref<64xf32, #tpu.memory_space<vmem>>[vector<16xi32>], vector<16xf32>,
        %parallel_loop3A_558 = arith.addf %parallel_loop3A_521, %parallel_loop3A_533 : vector<16xf32>
        %parallel_loop3A_559 = arith.addf %parallel_loop3A_558, %parallel_loop3A_545 : vector<16xf32>
        %parallel_loop3A_560 = arith.addf %parallel_loop3A_559, %parallel_loop3A_557 : vector<16xf32>
        %parallel_loop3A_561 = arith.constant 0.000000e+00 : f32
        %parallel_loop3A_562 = vector.broadcast %parallel_loop3A_561 : f32 to vector<16xf32>
        %parallel_loop3A_563 = arith.cmpf oeq, %parallel_loop3A_560, %parallel_loop3A_562 : vector<16xf32>
        %parallel_loop3A_564 = arith.constant 1.000000e+00 : f32
        %parallel_loop3A_565 = vector.broadcast %parallel_loop3A_564 : f32 to vector<16xf32>
        %parallel_loop3A_566 = arith.select %parallel_loop3A_563, %parallel_loop3A_565, %parallel_loop3A_560 : vector<16xi1>, vector<16xf32>
        %parallel_loop3A_567 = arith.constant 1.000000e+00 : f32
        %parallel_loop3A_568 = vector.broadcast %parallel_loop3A_567 : f32 to vector<16xf32>
        %parallel_loop3A_569 = arith.divf %parallel_loop3A_568, %parallel_loop3A_566 : vector<16xf32>
        %parallel_loop3A_570 = arith.mulf %parallel_loop3A_521, %parallel_loop3A_569 : vector<16xf32>
        %parallel_loop3A_571 = arith.constant 0 : i32
        %parallel_loop3A_572 = arith.addi %parallel_loop3A_571, %parallel_loop3A_476 : i32
        %parallel_loop3A_573 = arith.index_cast %parallel_loop3A_572 : i32 to index
        %parallel_loop3A_574 = tpu.vector_load %arg6[%parallel_loop3A_573] {strides = array<i32>} : memref<32768xf32, #tpu.memory_space<vmem>>, vector<16xf32>,
        tpu.vector_store %arg6[%parallel_loop3A_573], %parallel_loop3A_570 {strides = array<i32>} : memref<32768xf32, #tpu.memory_space<vmem>>, vector<16xf32>,
        %parallel_loop3A_575 = arith.mulf %parallel_loop3A_533, %parallel_loop3A_569 : vector<16xf32>
        %parallel_loop3A_576 = arith.constant 4096 : i32
        %parallel_loop3A_577 = arith.addi %parallel_loop3A_576, %parallel_loop3A_476 : i32
        %parallel_loop3A_578 = arith.index_cast %parallel_loop3A_577 : i32 to index
        %parallel_loop3A_579 = tpu.vector_load %arg6[%parallel_loop3A_578] {strides = array<i32>} : memref<32768xf32, #tpu.memory_space<vmem>>, vector<16xf32>,
        tpu.vector_store %arg6[%parallel_loop3A_578], %parallel_loop3A_575 {strides = array<i32>} : memref<32768xf32, #tpu.memory_space<vmem>>, vector<16xf32>,
        %parallel_loop3A_580 = arith.mulf %parallel_loop3A_545, %parallel_loop3A_569 : vector<16xf32>
        %parallel_loop3A_581 = arith.constant 8192 : i32
        %parallel_loop3A_582 = arith.addi %parallel_loop3A_581, %parallel_loop3A_476 : i32
        %parallel_loop3A_583 = arith.index_cast %parallel_loop3A_582 : i32 to index
        %parallel_loop3A_584 = tpu.vector_load %arg6[%parallel_loop3A_583] {strides = array<i32>} : memref<32768xf32, #tpu.memory_space<vmem>>, vector<16xf32>,
        tpu.vector_store %arg6[%parallel_loop3A_583], %parallel_loop3A_580 {strides = array<i32>} : memref<32768xf32, #tpu.memory_space<vmem>>, vector<16xf32>,
        %parallel_loop3A_585 = arith.mulf %parallel_loop3A_557, %parallel_loop3A_569 : vector<16xf32>
        %parallel_loop3A_586 = arith.constant 12288 : i32
        %parallel_loop3A_587 = arith.addi %parallel_loop3A_586, %parallel_loop3A_476 : i32
        %parallel_loop3A_588 = arith.index_cast %parallel_loop3A_587 : i32 to index
        %parallel_loop3A_589 = tpu.vector_load %arg6[%parallel_loop3A_588] {strides = array<i32>} : memref<32768xf32, #tpu.memory_space<vmem>>, vector<16xf32>,
        tpu.vector_store %arg6[%parallel_loop3A_588], %parallel_loop3A_585 {strides = array<i32>} : memref<32768xf32, #tpu.memory_space<vmem>>, vector<16xf32>,
      } {sc.loop_unroll_factor = 8 : i64, sc.parallel_access}
      %mul3A_277 = arith.constant 4 : i32
      %mul3A_278 = arith.muli %select_n3A, %mul3A_277 : i32
      %add3A_279 = arith.constant 0 : i32
      %add3A_280 = arith.addi %mul3A_278, %add3A_279 : i32
      %mul3A_281 = arith.constant 262144 : i32
      %mul3A_282 = arith.muli %add3A_280, %mul3A_281 : i32
      %mul3A_283 = arith.constant 65536 : i32
      %mul3A_284 = arith.muli %select_n3A_30, %mul3A_283 : i32
      %add3A_285 = arith.addi %mul3A_282, %mul3A_284 : i32
      %mul3A_286 = arith.constant 4096 : i32
      %mul3A_287 = arith.muli %add3A_240, %mul3A_286 : i32
      %add3A_288 = arith.addi %add3A_285, %mul3A_287 : i32
      %dma_start3A_289 = arith.constant 0 : i32
      %dma_start3A_290 = tpu.memref_slice %arg6[%dma_start3A_289] : memref<32768xf32, #tpu.memory_space<vmem>> -> memref<4096xf32, #tpu.memory_space<vmem>>
      %dma_start3A_291 = tpu.memref_slice %arg4[%add3A_288] : memref<8388608xf32, #tpu.memory_space<hbm>> -> memref<4096xf32, #tpu.memory_space<hbm>>
      %dma_start3A_292 = tpu.memref_slice %arg4[%add3A_288] : memref<8388608xf32, #tpu.memory_space<hbm>> -> memref<4096xf32, #tpu.memory_space<hbm>>
      %dma_start3A_293 = arith.constant 0 : i32
      %dma_start3A_294 = tpu.memref_slice %arg6[%dma_start3A_293] : memref<32768xf32, #tpu.memory_space<vmem>> -> memref<4096xf32, #tpu.memory_space<vmem>>
      tpu.enqueue_dma source(%dma_start3A_294 : memref<4096xf32, #tpu.memory_space<vmem>>) target(%dma_start3A_292 : memref<4096xf32, #tpu.memory_space<hbm>>) target_semaphore(%arg10 : memref<!tpu.dma_semaphore, #tpu.memory_space<semaphore_mem>>)
      %mul3A_295 = arith.constant 4 : i32
      %mul3A_296 = arith.muli %select_n3A, %mul3A_295 : i32
      %add3A_297 = arith.constant 1 : i32
      %add3A_298 = arith.addi %mul3A_296, %add3A_297 : i32
      %mul3A_299 = arith.constant 262144 : i32
      %mul3A_300 = arith.muli %add3A_298, %mul3A_299 : i32
      %mul3A_301 = arith.constant 65536 : i32
      %mul3A_302 = arith.muli %select_n3A_30, %mul3A_301 : i32
      %add3A_303 = arith.addi %mul3A_300, %mul3A_302 : i32
      %mul3A_304 = arith.constant 4096 : i32
      %mul3A_305 = arith.muli %add3A_240, %mul3A_304 : i32
      %add3A_306 = arith.addi %add3A_303, %mul3A_305 : i32
      %dma_start3A_307 = arith.constant 4096 : i32
      %dma_start3A_308 = tpu.memref_slice %arg6[%dma_start3A_307] : memref<32768xf32, #tpu.memory_space<vmem>> -> memref<4096xf32, #tpu.memory_space<vmem>>
      %dma_start3A_309 = tpu.memref_slice %arg4[%add3A_306] : memref<8388608xf32, #tpu.memory_space<hbm>> -> memref<4096xf32, #tpu.memory_space<hbm>>
      %dma_start3A_310 = tpu.memref_slice %arg4[%add3A_306] : memref<8388608xf32, #tpu.memory_space<hbm>> -> memref<4096xf32, #tpu.memory_space<hbm>>
      %dma_start3A_311 = arith.constant 4096 : i32
      %dma_start3A_312 = tpu.memref_slice %arg6[%dma_start3A_311] : memref<32768xf32, #tpu.memory_space<vmem>> -> memref<4096xf32, #tpu.memory_space<vmem>>
      tpu.enqueue_dma source(%dma_start3A_312 : memref<4096xf32, #tpu.memory_space<vmem>>) target(%dma_start3A_310 : memref<4096xf32, #tpu.memory_space<hbm>>) target_semaphore(%arg10 : memref<!tpu.dma_semaphore, #tpu.memory_space<semaphore_mem>>)
      %mul3A_313 = arith.constant 4 : i32
      %mul3A_314 = arith.muli %select_n3A, %mul3A_313 : i32
      %add3A_315 = arith.constant 2 : i32
      %add3A_316 = arith.addi %mul3A_314, %add3A_315 : i32
      %mul3A_317 = arith.constant 262144 : i32
      %mul3A_318 = arith.muli %add3A_316, %mul3A_317 : i32
      %mul3A_319 = arith.constant 65536 : i32
      %mul3A_320 = arith.muli %select_n3A_30, %mul3A_319 : i32
      %add3A_321 = arith.addi %mul3A_318, %mul3A_320 : i32
      %mul3A_322 = arith.constant 4096 : i32
      %mul3A_323 = arith.muli %add3A_240, %mul3A_322 : i32
      %add3A_324 = arith.addi %add3A_321, %mul3A_323 : i32
      %dma_start3A_325 = arith.constant 8192 : i32
      %dma_start3A_326 = tpu.memref_slice %arg6[%dma_start3A_325] : memref<32768xf32, #tpu.memory_space<vmem>> -> memref<4096xf32, #tpu.memory_space<vmem>>
      %dma_start3A_327 = tpu.memref_slice %arg4[%add3A_324] : memref<8388608xf32, #tpu.memory_space<hbm>> -> memref<4096xf32, #tpu.memory_space<hbm>>
      %dma_start3A_328 = tpu.memref_slice %arg4[%add3A_324] : memref<8388608xf32, #tpu.memory_space<hbm>> -> memref<4096xf32, #tpu.memory_space<hbm>>
      %dma_start3A_329 = arith.constant 8192 : i32
      %dma_start3A_330 = tpu.memref_slice %arg6[%dma_start3A_329] : memref<32768xf32, #tpu.memory_space<vmem>> -> memref<4096xf32, #tpu.memory_space<vmem>>
      tpu.enqueue_dma source(%dma_start3A_330 : memref<4096xf32, #tpu.memory_space<vmem>>) target(%dma_start3A_328 : memref<4096xf32, #tpu.memory_space<hbm>>) target_semaphore(%arg10 : memref<!tpu.dma_semaphore, #tpu.memory_space<semaphore_mem>>)
      %mul3A_331 = arith.constant 4 : i32
      %mul3A_332 = arith.muli %select_n3A, %mul3A_331 : i32
      %add3A_333 = arith.constant 3 : i32
      %add3A_334 = arith.addi %mul3A_332, %add3A_333 : i32
      %mul3A_335 = arith.constant 262144 : i32
      %mul3A_336 = arith.muli %add3A_334, %mul3A_335 : i32
      %mul3A_337 = arith.constant 65536 : i32
      %mul3A_338 = arith.muli %select_n3A_30, %mul3A_337 : i32
      %add3A_339 = arith.addi %mul3A_336, %mul3A_338 : i32
      %mul3A_340 = arith.constant 4096 : i32
      %mul3A_341 = arith.muli %add3A_240, %mul3A_340 : i32
      %add3A_342 = arith.addi %add3A_339, %mul3A_341 : i32
      %dma_start3A_343 = arith.constant 12288 : i32
      %dma_start3A_344 = tpu.memref_slice %arg6[%dma_start3A_343] : memref<32768xf32, #tpu.memory_space<vmem>> -> memref<4096xf32, #tpu.memory_space<vmem>>
      %dma_start3A_345 = tpu.memref_slice %arg4[%add3A_342] : memref<8388608xf32, #tpu.memory_space<hbm>> -> memref<4096xf32, #tpu.memory_space<hbm>>
      %dma_start3A_346 = tpu.memref_slice %arg4[%add3A_342] : memref<8388608xf32, #tpu.memory_space<hbm>> -> memref<4096xf32, #tpu.memory_space<hbm>>
      %dma_start3A_347 = arith.constant 12288 : i32
      %dma_start3A_348 = tpu.memref_slice %arg6[%dma_start3A_347] : memref<32768xf32, #tpu.memory_space<vmem>> -> memref<4096xf32, #tpu.memory_space<vmem>>
      tpu.enqueue_dma source(%dma_start3A_348 : memref<4096xf32, #tpu.memory_space<vmem>>) target(%dma_start3A_346 : memref<4096xf32, #tpu.memory_space<hbm>>) target_semaphore(%arg10 : memref<!tpu.dma_semaphore, #tpu.memory_space<semaphore_mem>>)
      %lt3A_349 = arith.constant 7 : i32
      %lt3A_350 = arith.cmpi slt, %scan3A_235, %lt3A_349 : i32
      %convert_element_type3A_351 = arith.extui %lt3A_350 : i1 to i32
      %cond3A_352 = arith.constant 0 : i32
      %cond3A_353 = arith.cmpi ne, %convert_element_type3A_351, %cond3A_352 : i32
      scf.if %cond3A_353 {
        %add3A_476 = arith.constant 2 : i32
        %add3A_477 = arith.addi %add3A_240, %add3A_476 : i32
        %mul3A_478 = arith.constant 4 : i32
        %mul3A_479 = arith.muli %select_n3A, %mul3A_478 : i32
        %add3A_480 = arith.constant 0 : i32
        %add3A_481 = arith.addi %mul3A_479, %add3A_480 : i32
        %mul3A_482 = arith.constant 262144 : i32
        %mul3A_483 = arith.muli %add3A_481, %mul3A_482 : i32
        %mul3A_484 = arith.constant 65536 : i32
        %mul3A_485 = arith.muli %select_n3A_30, %mul3A_484 : i32
        %add3A_486 = arith.addi %mul3A_483, %mul3A_485 : i32
        %mul3A_487 = arith.constant 4096 : i32
        %mul3A_488 = arith.muli %add3A_477, %mul3A_487 : i32
        %add3A_489 = arith.addi %add3A_486, %mul3A_488 : i32
        %dma_start3A_490 = arith.constant 0 : i32
        %dma_start3A_491 = tpu.memref_slice %arg5[%dma_start3A_490] : memref<32768xf32, #tpu.memory_space<vmem>> -> memref<4096xf32, #tpu.memory_space<vmem>>
        %dma_start3A_492 = tpu.memref_slice %arg2[%add3A_489] : memref<8388608xf32, #tpu.memory_space<hbm>> -> memref<4096xf32, #tpu.memory_space<hbm>>
        %dma_start3A_493 = arith.constant 0 : i32
        %dma_start3A_494 = tpu.memref_slice %arg5[%dma_start3A_493] : memref<32768xf32, #tpu.memory_space<vmem>> -> memref<4096xf32, #tpu.memory_space<vmem>>
        %dma_start3A_495 = tpu.memref_slice %arg2[%add3A_489] : memref<8388608xf32, #tpu.memory_space<hbm>> -> memref<4096xf32, #tpu.memory_space<hbm>>
        tpu.enqueue_dma source(%dma_start3A_495 : memref<4096xf32, #tpu.memory_space<hbm>>) target(%dma_start3A_494 : memref<4096xf32, #tpu.memory_space<vmem>>) target_semaphore(%arg8 : memref<!tpu.dma_semaphore, #tpu.memory_space<semaphore_mem>>)
        %mul3A_496 = arith.constant 4 : i32
        %mul3A_497 = arith.muli %select_n3A, %mul3A_496 : i32
        %add3A_498 = arith.constant 1 : i32
        %add3A_499 = arith.addi %mul3A_497, %add3A_498 : i32
        %mul3A_500 = arith.constant 262144 : i32
        %mul3A_501 = arith.muli %add3A_499, %mul3A_500 : i32
        %mul3A_502 = arith.constant 65536 : i32
        %mul3A_503 = arith.muli %select_n3A_30, %mul3A_502 : i32
        %add3A_504 = arith.addi %mul3A_501, %mul3A_503 : i32
        %mul3A_505 = arith.constant 4096 : i32
        %mul3A_506 = arith.muli %add3A_477, %mul3A_505 : i32
        %add3A_507 = arith.addi %add3A_504, %mul3A_506 : i32
        %dma_start3A_508 = arith.constant 4096 : i32
        %dma_start3A_509 = tpu.memref_slice %arg5[%dma_start3A_508] : memref<32768xf32, #tpu.memory_space<vmem>> -> memref<4096xf32, #tpu.memory_space<vmem>>
        %dma_start3A_510 = tpu.memref_slice %arg2[%add3A_507] : memref<8388608xf32, #tpu.memory_space<hbm>> -> memref<4096xf32, #tpu.memory_space<hbm>>
        %dma_start3A_511 = arith.constant 4096 : i32
        %dma_start3A_512 = tpu.memref_slice %arg5[%dma_start3A_511] : memref<32768xf32, #tpu.memory_space<vmem>> -> memref<4096xf32, #tpu.memory_space<vmem>>
        %dma_start3A_513 = tpu.memref_slice %arg2[%add3A_507] : memref<8388608xf32, #tpu.memory_space<hbm>> -> memref<4096xf32, #tpu.memory_space<hbm>>
        tpu.enqueue_dma source(%dma_start3A_513 : memref<4096xf32, #tpu.memory_space<hbm>>) target(%dma_start3A_512 : memref<4096xf32, #tpu.memory_space<vmem>>) target_semaphore(%arg8 : memref<!tpu.dma_semaphore, #tpu.memory_space<semaphore_mem>>)
        %mul3A_514 = arith.constant 4 : i32
        %mul3A_515 = arith.muli %select_n3A, %mul3A_514 : i32
        %add3A_516 = arith.constant 2 : i32
        %add3A_517 = arith.addi %mul3A_515, %add3A_516 : i32
        %mul3A_518 = arith.constant 262144 : i32
        %mul3A_519 = arith.muli %add3A_517, %mul3A_518 : i32
        %mul3A_520 = arith.constant 65536 : i32
        %mul3A_521 = arith.muli %select_n3A_30, %mul3A_520 : i32
        %add3A_522 = arith.addi %mul3A_519, %mul3A_521 : i32
        %mul3A_523 = arith.constant 4096 : i32
        %mul3A_524 = arith.muli %add3A_477, %mul3A_523 : i32
        %add3A_525 = arith.addi %add3A_522, %mul3A_524 : i32
        %dma_start3A_526 = arith.constant 8192 : i32
        %dma_start3A_527 = tpu.memref_slice %arg5[%dma_start3A_526] : memref<32768xf32, #tpu.memory_space<vmem>> -> memref<4096xf32, #tpu.memory_space<vmem>>
        %dma_start3A_528 = tpu.memref_slice %arg2[%add3A_525] : memref<8388608xf32, #tpu.memory_space<hbm>> -> memref<4096xf32, #tpu.memory_space<hbm>>
        %dma_start3A_529 = arith.constant 8192 : i32
        %dma_start3A_530 = tpu.memref_slice %arg5[%dma_start3A_529] : memref<32768xf32, #tpu.memory_space<vmem>> -> memref<4096xf32, #tpu.memory_space<vmem>>
        %dma_start3A_531 = tpu.memref_slice %arg2[%add3A_525] : memref<8388608xf32, #tpu.memory_space<hbm>> -> memref<4096xf32, #tpu.memory_space<hbm>>
        tpu.enqueue_dma source(%dma_start3A_531 : memref<4096xf32, #tpu.memory_space<hbm>>) target(%dma_start3A_530 : memref<4096xf32, #tpu.memory_space<vmem>>) target_semaphore(%arg8 : memref<!tpu.dma_semaphore, #tpu.memory_space<semaphore_mem>>)
        %mul3A_532 = arith.constant 4 : i32
        %mul3A_533 = arith.muli %select_n3A, %mul3A_532 : i32
        %add3A_534 = arith.constant 3 : i32
        %add3A_535 = arith.addi %mul3A_533, %add3A_534 : i32
        %mul3A_536 = arith.constant 262144 : i32
        %mul3A_537 = arith.muli %add3A_535, %mul3A_536 : i32
        %mul3A_538 = arith.constant 65536 : i32
        %mul3A_539 = arith.muli %select_n3A_30, %mul3A_538 : i32
        %add3A_540 = arith.addi %mul3A_537, %mul3A_539 : i32
        %mul3A_541 = arith.constant 4096 : i32
        %mul3A_542 = arith.muli %add3A_477, %mul3A_541 : i32
        %add3A_543 = arith.addi %add3A_540, %mul3A_542 : i32
        %dma_start3A_544 = arith.constant 12288 : i32
        %dma_start3A_545 = tpu.memref_slice %arg5[%dma_start3A_544] : memref<32768xf32, #tpu.memory_space<vmem>> -> memref<4096xf32, #tpu.memory_space<vmem>>
        %dma_start3A_546 = tpu.memref_slice %arg2[%add3A_543] : memref<8388608xf32, #tpu.memory_space<hbm>> -> memref<4096xf32, #tpu.memory_space<hbm>>
        %dma_start3A_547 = arith.constant 12288 : i32
        %dma_start3A_548 = tpu.memref_slice %arg5[%dma_start3A_547] : memref<32768xf32, #tpu.memory_space<vmem>> -> memref<4096xf32, #tpu.memory_space<vmem>>
        %dma_start3A_549 = tpu.memref_slice %arg2[%add3A_543] : memref<8388608xf32, #tpu.memory_space<hbm>> -> memref<4096xf32, #tpu.memory_space<hbm>>
        tpu.enqueue_dma source(%dma_start3A_549 : memref<4096xf32, #tpu.memory_space<hbm>>) target(%dma_start3A_548 : memref<4096xf32, #tpu.memory_space<vmem>>) target_semaphore(%arg8 : memref<!tpu.dma_semaphore, #tpu.memory_space<semaphore_mem>>)
      } else {
      }
      %mul3A_354 = arith.constant 2 : i32
      %mul3A_355 = arith.muli %mul3A_354, %scan3A_235 : i32
      %add3A_356 = arith.constant 1 : i32
      %add3A_357 = arith.addi %mul3A_355, %add3A_356 : i32
      %dma_wait3A_358 = arith.constant 16384 : i32
      %dma_wait3A_359 = tpu.memref_slice %arg5[%dma_wait3A_358] : memref<32768xf32, #tpu.memory_space<vmem>> -> memref<4096xf32, #tpu.memory_space<vmem>>
      %dma_wait3A_360 = arith.constant 0 : i32
      %dma_wait3A_361 = tpu.memref_slice %arg2[%dma_wait3A_360] : memref<8388608xf32, #tpu.memory_space<hbm>> -> memref<4096xf32, #tpu.memory_space<hbm>>
      %dma_wait3A_362 = arith.constant 16384 : i32
      %dma_wait3A_363 = tpu.memref_slice %arg5[%dma_wait3A_362] : memref<32768xf32, #tpu.memory_space<vmem>> -> memref<4096xf32, #tpu.memory_space<vmem>>
      %dma_wait3A_364 = arith.constant 0 : i32
      %dma_wait3A_365 = tpu.memref_slice %arg2[%dma_wait3A_364] : memref<8388608xf32, #tpu.memory_space<hbm>> -> memref<4096xf32, #tpu.memory_space<hbm>>
      tpu.wait_dma2 semaphore(%arg9 : memref<!tpu.dma_semaphore, #tpu.memory_space<semaphore_mem>>) src(%dma_wait3A_365 : memref<4096xf32, #tpu.memory_space<hbm>>) dst(%dma_wait3A_363 : memref<4096xf32, #tpu.memory_space<vmem>>)
      %dma_wait3A_366 = arith.constant 20480 : i32
      %dma_wait3A_367 = tpu.memref_slice %arg5[%dma_wait3A_366] : memref<32768xf32, #tpu.memory_space<vmem>> -> memref<4096xf32, #tpu.memory_space<vmem>>
      %dma_wait3A_368 = arith.constant 0 : i32
      %dma_wait3A_369 = tpu.memref_slice %arg2[%dma_wait3A_368] : memref<8388608xf32, #tpu.memory_space<hbm>> -> memref<4096xf32, #tpu.memory_space<hbm>>
      %dma_wait3A_370 = arith.constant 20480 : i32
      %dma_wait3A_371 = tpu.memref_slice %arg5[%dma_wait3A_370] : memref<32768xf32, #tpu.memory_space<vmem>> -> memref<4096xf32, #tpu.memory_space<vmem>>
      %dma_wait3A_372 = arith.constant 0 : i32
      %dma_wait3A_373 = tpu.memref_slice %arg2[%dma_wait3A_372] : memref<8388608xf32, #tpu.memory_space<hbm>> -> memref<4096xf32, #tpu.memory_space<hbm>>
      tpu.wait_dma2 semaphore(%arg9 : memref<!tpu.dma_semaphore, #tpu.memory_space<semaphore_mem>>) src(%dma_wait3A_373 : memref<4096xf32, #tpu.memory_space<hbm>>) dst(%dma_wait3A_371 : memref<4096xf32, #tpu.memory_space<vmem>>)
      %dma_wait3A_374 = arith.constant 24576 : i32
      %dma_wait3A_375 = tpu.memref_slice %arg5[%dma_wait3A_374] : memref<32768xf32, #tpu.memory_space<vmem>> -> memref<4096xf32, #tpu.memory_space<vmem>>
      %dma_wait3A_376 = arith.constant 0 : i32
      %dma_wait3A_377 = tpu.memref_slice %arg2[%dma_wait3A_376] : memref<8388608xf32, #tpu.memory_space<hbm>> -> memref<4096xf32, #tpu.memory_space<hbm>>
      %dma_wait3A_378 = arith.constant 24576 : i32
      %dma_wait3A_379 = tpu.memref_slice %arg5[%dma_wait3A_378] : memref<32768xf32, #tpu.memory_space<vmem>> -> memref<4096xf32, #tpu.memory_space<vmem>>
      %dma_wait3A_380 = arith.constant 0 : i32
      %dma_wait3A_381 = tpu.memref_slice %arg2[%dma_wait3A_380] : memref<8388608xf32, #tpu.memory_space<hbm>> -> memref<4096xf32, #tpu.memory_space<hbm>>
      tpu.wait_dma2 semaphore(%arg9 : memref<!tpu.dma_semaphore, #tpu.memory_space<semaphore_mem>>) src(%dma_wait3A_381 : memref<4096xf32, #tpu.memory_space<hbm>>) dst(%dma_wait3A_379 : memref<4096xf32, #tpu.memory_space<vmem>>)
      %dma_wait3A_382 = arith.constant 28672 : i32
      %dma_wait3A_383 = tpu.memref_slice %arg5[%dma_wait3A_382] : memref<32768xf32, #tpu.memory_space<vmem>> -> memref<4096xf32, #tpu.memory_space<vmem>>
      %dma_wait3A_384 = arith.constant 0 : i32
      %dma_wait3A_385 = tpu.memref_slice %arg2[%dma_wait3A_384] : memref<8388608xf32, #tpu.memory_space<hbm>> -> memref<4096xf32, #tpu.memory_space<hbm>>
      %dma_wait3A_386 = arith.constant 28672 : i32
      %dma_wait3A_387 = tpu.memref_slice %arg5[%dma_wait3A_386] : memref<32768xf32, #tpu.memory_space<vmem>> -> memref<4096xf32, #tpu.memory_space<vmem>>
      %dma_wait3A_388 = arith.constant 0 : i32
      %dma_wait3A_389 = tpu.memref_slice %arg2[%dma_wait3A_388] : memref<8388608xf32, #tpu.memory_space<hbm>> -> memref<4096xf32, #tpu.memory_space<hbm>>
      tpu.wait_dma2 semaphore(%arg9 : memref<!tpu.dma_semaphore, #tpu.memory_space<semaphore_mem>>) src(%dma_wait3A_389 : memref<4096xf32, #tpu.memory_space<hbm>>) dst(%dma_wait3A_387 : memref<4096xf32, #tpu.memory_space<vmem>>)
      %gt3A_390 = arith.constant 0 : i32
      %gt3A_391 = arith.cmpi sgt, %scan3A_235, %gt3A_390 : i32
      %convert_element_type3A_392 = arith.extui %gt3A_391 : i1 to i32
      %cond3A_393 = arith.constant 0 : i32
      %cond3A_394 = arith.cmpi ne, %convert_element_type3A_392, %cond3A_393 : i32
      scf.if %cond3A_394 {
        %dma_wait3A_476 = arith.constant 16384 : i32
        %dma_wait3A_477 = tpu.memref_slice %arg6[%dma_wait3A_476] : memref<32768xf32, #tpu.memory_space<vmem>> -> memref<4096xf32, #tpu.memory_space<vmem>>
        %dma_wait3A_478 = arith.constant 0 : i32
        %dma_wait3A_479 = tpu.memref_slice %arg4[%dma_wait3A_478] : memref<8388608xf32, #tpu.memory_space<hbm>> -> memref<4096xf32, #tpu.memory_space<hbm>>
        %dma_wait3A_480 = arith.constant 0 : i32
        %dma_wait3A_481 = tpu.memref_slice %arg4[%dma_wait3A_480] : memref<8388608xf32, #tpu.memory_space<hbm>> -> memref<4096xf32, #tpu.memory_space<hbm>>
        %dma_wait3A_482 = arith.constant 16384 : i32
        %dma_wait3A_483 = tpu.memref_slice %arg6[%dma_wait3A_482] : memref<32768xf32, #tpu.memory_space<vmem>> -> memref<4096xf32, #tpu.memory_space<vmem>>
        tpu.wait_dma2 semaphore(%arg11 : memref<!tpu.dma_semaphore, #tpu.memory_space<semaphore_mem>>) src(%dma_wait3A_483 : memref<4096xf32, #tpu.memory_space<vmem>>) dst(%dma_wait3A_481 : memref<4096xf32, #tpu.memory_space<hbm>>)
        %dma_wait3A_484 = arith.constant 20480 : i32
        %dma_wait3A_485 = tpu.memref_slice %arg6[%dma_wait3A_484] : memref<32768xf32, #tpu.memory_space<vmem>> -> memref<4096xf32, #tpu.memory_space<vmem>>
        %dma_wait3A_486 = arith.constant 0 : i32
        %dma_wait3A_487 = tpu.memref_slice %arg4[%dma_wait3A_486] : memref<8388608xf32, #tpu.memory_space<hbm>> -> memref<4096xf32, #tpu.memory_space<hbm>>
        %dma_wait3A_488 = arith.constant 0 : i32
        %dma_wait3A_489 = tpu.memref_slice %arg4[%dma_wait3A_488] : memref<8388608xf32, #tpu.memory_space<hbm>> -> memref<4096xf32, #tpu.memory_space<hbm>>
        %dma_wait3A_490 = arith.constant 20480 : i32
        %dma_wait3A_491 = tpu.memref_slice %arg6[%dma_wait3A_490] : memref<32768xf32, #tpu.memory_space<vmem>> -> memref<4096xf32, #tpu.memory_space<vmem>>
        tpu.wait_dma2 semaphore(%arg11 : memref<!tpu.dma_semaphore, #tpu.memory_space<semaphore_mem>>) src(%dma_wait3A_491 : memref<4096xf32, #tpu.memory_space<vmem>>) dst(%dma_wait3A_489 : memref<4096xf32, #tpu.memory_space<hbm>>)
        %dma_wait3A_492 = arith.constant 24576 : i32
        %dma_wait3A_493 = tpu.memref_slice %arg6[%dma_wait3A_492] : memref<32768xf32, #tpu.memory_space<vmem>> -> memref<4096xf32, #tpu.memory_space<vmem>>
        %dma_wait3A_494 = arith.constant 0 : i32
        %dma_wait3A_495 = tpu.memref_slice %arg4[%dma_wait3A_494] : memref<8388608xf32, #tpu.memory_space<hbm>> -> memref<4096xf32, #tpu.memory_space<hbm>>
        %dma_wait3A_496 = arith.constant 0 : i32
        %dma_wait3A_497 = tpu.memref_slice %arg4[%dma_wait3A_496] : memref<8388608xf32, #tpu.memory_space<hbm>> -> memref<4096xf32, #tpu.memory_space<hbm>>
        %dma_wait3A_498 = arith.constant 24576 : i32
        %dma_wait3A_499 = tpu.memref_slice %arg6[%dma_wait3A_498] : memref<32768xf32, #tpu.memory_space<vmem>> -> memref<4096xf32, #tpu.memory_space<vmem>>
        tpu.wait_dma2 semaphore(%arg11 : memref<!tpu.dma_semaphore, #tpu.memory_space<semaphore_mem>>) src(%dma_wait3A_499 : memref<4096xf32, #tpu.memory_space<vmem>>) dst(%dma_wait3A_497 : memref<4096xf32, #tpu.memory_space<hbm>>)
        %dma_wait3A_500 = arith.constant 28672 : i32
        %dma_wait3A_501 = tpu.memref_slice %arg6[%dma_wait3A_500] : memref<32768xf32, #tpu.memory_space<vmem>> -> memref<4096xf32, #tpu.memory_space<vmem>>
        %dma_wait3A_502 = arith.constant 0 : i32
        %dma_wait3A_503 = tpu.memref_slice %arg4[%dma_wait3A_502] : memref<8388608xf32, #tpu.memory_space<hbm>> -> memref<4096xf32, #tpu.memory_space<hbm>>
        %dma_wait3A_504 = arith.constant 0 : i32
        %dma_wait3A_505 = tpu.memref_slice %arg4[%dma_wait3A_504] : memref<8388608xf32, #tpu.memory_space<hbm>> -> memref<4096xf32, #tpu.memory_space<hbm>>
        %dma_wait3A_506 = arith.constant 28672 : i32
        %dma_wait3A_507 = tpu.memref_slice %arg6[%dma_wait3A_506] : memref<32768xf32, #tpu.memory_space<vmem>> -> memref<4096xf32, #tpu.memory_space<vmem>>
        tpu.wait_dma2 semaphore(%arg11 : memref<!tpu.dma_semaphore, #tpu.memory_space<semaphore_mem>>) src(%dma_wait3A_507 : memref<4096xf32, #tpu.memory_space<vmem>>) dst(%dma_wait3A_505 : memref<4096xf32, #tpu.memory_space<hbm>>)
      } else {
      }
      %parallel_loop3A_395 = arith.constant 0 : i32
      %parallel_loop3A_396 = arith.constant 4096 : i32
      %parallel_loop3A_397 = arith.constant 16 : i32
      scf.for %parallel_loop3A_476 = %parallel_loop3A_395 to %parallel_loop3A_396 step %parallel_loop3A_397  : i32 {
        %parallel_loop3A_477 = arith.constant 16384 : i32
        %parallel_loop3A_478 = arith.addi %parallel_loop3A_477, %parallel_loop3A_476 : i32
        %parallel_loop3A_479 = arith.index_cast %parallel_loop3A_478 : i32 to index
        %parallel_loop3A_480 = tpu.vector_load %arg5[%parallel_loop3A_479] {strides = array<i32>} : memref<32768xf32, #tpu.memory_space<vmem>>, vector<16xf32>,
        %parallel_loop3A_481 = arith.constant 20480 : i32
        %parallel_loop3A_482 = arith.addi %parallel_loop3A_481, %parallel_loop3A_476 : i32
        %parallel_loop3A_483 = arith.index_cast %parallel_loop3A_482 : i32 to index
        %parallel_loop3A_484 = tpu.vector_load %arg5[%parallel_loop3A_483] {strides = array<i32>} : memref<32768xf32, #tpu.memory_space<vmem>>, vector<16xf32>,
        %parallel_loop3A_485 = arith.constant 24576 : i32
        %parallel_loop3A_486 = arith.addi %parallel_loop3A_485, %parallel_loop3A_476 : i32
        %parallel_loop3A_487 = arith.index_cast %parallel_loop3A_486 : i32 to index
        %parallel_loop3A_488 = tpu.vector_load %arg5[%parallel_loop3A_487] {strides = array<i32>} : memref<32768xf32, #tpu.memory_space<vmem>>, vector<16xf32>,
        %parallel_loop3A_489 = arith.constant 28672 : i32
        %parallel_loop3A_490 = arith.addi %parallel_loop3A_489, %parallel_loop3A_476 : i32
        %parallel_loop3A_491 = arith.index_cast %parallel_loop3A_490 : i32 to index
        %parallel_loop3A_492 = tpu.vector_load %arg5[%parallel_loop3A_491] {strides = array<i32>} : memref<32768xf32, #tpu.memory_space<vmem>>, vector<16xf32>,
        %parallel_loop3A_493 = arith.maximumf %parallel_loop3A_480, %parallel_loop3A_484 : vector<16xf32>
        %parallel_loop3A_494 = arith.maximumf %parallel_loop3A_493, %parallel_loop3A_488 : vector<16xf32>
        %parallel_loop3A_495 = arith.maximumf %parallel_loop3A_494, %parallel_loop3A_492 : vector<16xf32>
        %parallel_loop3A_496 = arith.subf %parallel_loop3A_480, %parallel_loop3A_495 : vector<16xf32>
        %parallel_loop3A_497 = math.exp %parallel_loop3A_496 : vector<16xf32>
        %parallel_loop3A_498 = arith.subf %parallel_loop3A_484, %parallel_loop3A_495 : vector<16xf32>
        %parallel_loop3A_499 = math.exp %parallel_loop3A_498 : vector<16xf32>
        %parallel_loop3A_500 = arith.subf %parallel_loop3A_488, %parallel_loop3A_495 : vector<16xf32>
        %parallel_loop3A_501 = math.exp %parallel_loop3A_500 : vector<16xf32>
        %parallel_loop3A_502 = arith.subf %parallel_loop3A_492, %parallel_loop3A_495 : vector<16xf32>
        %parallel_loop3A_503 = math.exp %parallel_loop3A_502 : vector<16xf32>
        %parallel_loop3A_504 = arith.addf %parallel_loop3A_497, %parallel_loop3A_499 : vector<16xf32>
        %parallel_loop3A_505 = arith.addf %parallel_loop3A_504, %parallel_loop3A_501 : vector<16xf32>
        %parallel_loop3A_506 = arith.addf %parallel_loop3A_505, %parallel_loop3A_503 : vector<16xf32>
        %parallel_loop3A_507 = arith.constant 1.000000e+00 : f32
        %parallel_loop3A_508 = vector.broadcast %parallel_loop3A_507 : f32 to vector<16xf32>
        %parallel_loop3A_509 = arith.divf %parallel_loop3A_508, %parallel_loop3A_506 : vector<16xf32>
        %parallel_loop3A_510 = arith.mulf %parallel_loop3A_497, %parallel_loop3A_509 : vector<16xf32>
        %parallel_loop3A_511 = arith.constant 1.500000e+01 : f32
        %parallel_loop3A_512 = vector.broadcast %parallel_loop3A_511 : f32 to vector<16xf32>
        %parallel_loop3A_513 = arith.mulf %parallel_loop3A_510, %parallel_loop3A_512 : vector<16xf32>
        %parallel_loop3A_514 = arith.fptosi %parallel_loop3A_513 : vector<16xf32> to vector<16xi32>
        %parallel_loop3A_515 = arith.constant 14 : i32
        %parallel_loop3A_516 = vector.broadcast %parallel_loop3A_515 : i32 to vector<16xi32>
        %parallel_loop3A_517 = arith.minsi %parallel_loop3A_514, %parallel_loop3A_516 : vector<16xi32>
        %parallel_loop3A_518 = arith.constant 0 : i32
        %parallel_loop3A_519 = vector.broadcast %parallel_loop3A_518 : i32 to vector<16xi32>
        %parallel_loop3A_520 = arith.addi %parallel_loop3A_517, %parallel_loop3A_519 : vector<16xi32>
        %parallel_loop3A_521 = tpu.vector_load_idx %arg7[%parallel_loop3A_520] : memref<64xf32, #tpu.memory_space<vmem>>[vector<16xi32>], vector<16xf32>,
        %parallel_loop3A_522 = arith.mulf %parallel_loop3A_499, %parallel_loop3A_509 : vector<16xf32>
        %parallel_loop3A_523 = arith.constant 1.500000e+01 : f32
        %parallel_loop3A_524 = vector.broadcast %parallel_loop3A_523 : f32 to vector<16xf32>
        %parallel_loop3A_525 = arith.mulf %parallel_loop3A_522, %parallel_loop3A_524 : vector<16xf32>
        %parallel_loop3A_526 = arith.fptosi %parallel_loop3A_525 : vector<16xf32> to vector<16xi32>
        %parallel_loop3A_527 = arith.constant 14 : i32
        %parallel_loop3A_528 = vector.broadcast %parallel_loop3A_527 : i32 to vector<16xi32>
        %parallel_loop3A_529 = arith.minsi %parallel_loop3A_526, %parallel_loop3A_528 : vector<16xi32>
        %parallel_loop3A_530 = arith.constant 16 : i32
        %parallel_loop3A_531 = vector.broadcast %parallel_loop3A_530 : i32 to vector<16xi32>
        %parallel_loop3A_532 = arith.addi %parallel_loop3A_529, %parallel_loop3A_531 : vector<16xi32>
        %parallel_loop3A_533 = tpu.vector_load_idx %arg7[%parallel_loop3A_532] : memref<64xf32, #tpu.memory_space<vmem>>[vector<16xi32>], vector<16xf32>,
        %parallel_loop3A_534 = arith.mulf %parallel_loop3A_501, %parallel_loop3A_509 : vector<16xf32>
        %parallel_loop3A_535 = arith.constant 1.500000e+01 : f32
        %parallel_loop3A_536 = vector.broadcast %parallel_loop3A_535 : f32 to vector<16xf32>
        %parallel_loop3A_537 = arith.mulf %parallel_loop3A_534, %parallel_loop3A_536 : vector<16xf32>
        %parallel_loop3A_538 = arith.fptosi %parallel_loop3A_537 : vector<16xf32> to vector<16xi32>
        %parallel_loop3A_539 = arith.constant 14 : i32
        %parallel_loop3A_540 = vector.broadcast %parallel_loop3A_539 : i32 to vector<16xi32>
        %parallel_loop3A_541 = arith.minsi %parallel_loop3A_538, %parallel_loop3A_540 : vector<16xi32>
        %parallel_loop3A_542 = arith.constant 32 : i32
        %parallel_loop3A_543 = vector.broadcast %parallel_loop3A_542 : i32 to vector<16xi32>
        %parallel_loop3A_544 = arith.addi %parallel_loop3A_541, %parallel_loop3A_543 : vector<16xi32>
        %parallel_loop3A_545 = tpu.vector_load_idx %arg7[%parallel_loop3A_544] : memref<64xf32, #tpu.memory_space<vmem>>[vector<16xi32>], vector<16xf32>,
        %parallel_loop3A_546 = arith.mulf %parallel_loop3A_503, %parallel_loop3A_509 : vector<16xf32>
        %parallel_loop3A_547 = arith.constant 1.500000e+01 : f32
        %parallel_loop3A_548 = vector.broadcast %parallel_loop3A_547 : f32 to vector<16xf32>
        %parallel_loop3A_549 = arith.mulf %parallel_loop3A_546, %parallel_loop3A_548 : vector<16xf32>
        %parallel_loop3A_550 = arith.fptosi %parallel_loop3A_549 : vector<16xf32> to vector<16xi32>
        %parallel_loop3A_551 = arith.constant 14 : i32
        %parallel_loop3A_552 = vector.broadcast %parallel_loop3A_551 : i32 to vector<16xi32>
        %parallel_loop3A_553 = arith.minsi %parallel_loop3A_550, %parallel_loop3A_552 : vector<16xi32>
        %parallel_loop3A_554 = arith.constant 48 : i32
        %parallel_loop3A_555 = vector.broadcast %parallel_loop3A_554 : i32 to vector<16xi32>
        %parallel_loop3A_556 = arith.addi %parallel_loop3A_553, %parallel_loop3A_555 : vector<16xi32>
        %parallel_loop3A_557 = tpu.vector_load_idx %arg7[%parallel_loop3A_556] : memref<64xf32, #tpu.memory_space<vmem>>[vector<16xi32>], vector<16xf32>,
        %parallel_loop3A_558 = arith.addf %parallel_loop3A_521, %parallel_loop3A_533 : vector<16xf32>
        %parallel_loop3A_559 = arith.addf %parallel_loop3A_558, %parallel_loop3A_545 : vector<16xf32>
        %parallel_loop3A_560 = arith.addf %parallel_loop3A_559, %parallel_loop3A_557 : vector<16xf32>
        %parallel_loop3A_561 = arith.constant 0.000000e+00 : f32
        %parallel_loop3A_562 = vector.broadcast %parallel_loop3A_561 : f32 to vector<16xf32>
        %parallel_loop3A_563 = arith.cmpf oeq, %parallel_loop3A_560, %parallel_loop3A_562 : vector<16xf32>
        %parallel_loop3A_564 = arith.constant 1.000000e+00 : f32
        %parallel_loop3A_565 = vector.broadcast %parallel_loop3A_564 : f32 to vector<16xf32>
        %parallel_loop3A_566 = arith.select %parallel_loop3A_563, %parallel_loop3A_565, %parallel_loop3A_560 : vector<16xi1>, vector<16xf32>
        %parallel_loop3A_567 = arith.constant 1.000000e+00 : f32
        %parallel_loop3A_568 = vector.broadcast %parallel_loop3A_567 : f32 to vector<16xf32>
        %parallel_loop3A_569 = arith.divf %parallel_loop3A_568, %parallel_loop3A_566 : vector<16xf32>
        %parallel_loop3A_570 = arith.mulf %parallel_loop3A_521, %parallel_loop3A_569 : vector<16xf32>
        %parallel_loop3A_571 = arith.constant 16384 : i32
        %parallel_loop3A_572 = arith.addi %parallel_loop3A_571, %parallel_loop3A_476 : i32
        %parallel_loop3A_573 = arith.index_cast %parallel_loop3A_572 : i32 to index
        %parallel_loop3A_574 = tpu.vector_load %arg6[%parallel_loop3A_573] {strides = array<i32>} : memref<32768xf32, #tpu.memory_space<vmem>>, vector<16xf32>,
        tpu.vector_store %arg6[%parallel_loop3A_573], %parallel_loop3A_570 {strides = array<i32>} : memref<32768xf32, #tpu.memory_space<vmem>>, vector<16xf32>,
        %parallel_loop3A_575 = arith.mulf %parallel_loop3A_533, %parallel_loop3A_569 : vector<16xf32>
        %parallel_loop3A_576 = arith.constant 20480 : i32
        %parallel_loop3A_577 = arith.addi %parallel_loop3A_576, %parallel_loop3A_476 : i32
        %parallel_loop3A_578 = arith.index_cast %parallel_loop3A_577 : i32 to index
        %parallel_loop3A_579 = tpu.vector_load %arg6[%parallel_loop3A_578] {strides = array<i32>} : memref<32768xf32, #tpu.memory_space<vmem>>, vector<16xf32>,
        tpu.vector_store %arg6[%parallel_loop3A_578], %parallel_loop3A_575 {strides = array<i32>} : memref<32768xf32, #tpu.memory_space<vmem>>, vector<16xf32>,
        %parallel_loop3A_580 = arith.mulf %parallel_loop3A_545, %parallel_loop3A_569 : vector<16xf32>
        %parallel_loop3A_581 = arith.constant 24576 : i32
        %parallel_loop3A_582 = arith.addi %parallel_loop3A_581, %parallel_loop3A_476 : i32
        %parallel_loop3A_583 = arith.index_cast %parallel_loop3A_582 : i32 to index
        %parallel_loop3A_584 = tpu.vector_load %arg6[%parallel_loop3A_583] {strides = array<i32>} : memref<32768xf32, #tpu.memory_space<vmem>>, vector<16xf32>,
        tpu.vector_store %arg6[%parallel_loop3A_583], %parallel_loop3A_580 {strides = array<i32>} : memref<32768xf32, #tpu.memory_space<vmem>>, vector<16xf32>,
        %parallel_loop3A_585 = arith.mulf %parallel_loop3A_557, %parallel_loop3A_569 : vector<16xf32>
        %parallel_loop3A_586 = arith.constant 28672 : i32
        %parallel_loop3A_587 = arith.addi %parallel_loop3A_586, %parallel_loop3A_476 : i32
        %parallel_loop3A_588 = arith.index_cast %parallel_loop3A_587 : i32 to index
        %parallel_loop3A_589 = tpu.vector_load %arg6[%parallel_loop3A_588] {strides = array<i32>} : memref<32768xf32, #tpu.memory_space<vmem>>, vector<16xf32>,
        tpu.vector_store %arg6[%parallel_loop3A_588], %parallel_loop3A_585 {strides = array<i32>} : memref<32768xf32, #tpu.memory_space<vmem>>, vector<16xf32>,
      } {sc.loop_unroll_factor = 8 : i64, sc.parallel_access}
      %mul3A_398 = arith.constant 4 : i32
      %mul3A_399 = arith.muli %select_n3A, %mul3A_398 : i32
      %add3A_400 = arith.constant 0 : i32
      %add3A_401 = arith.addi %mul3A_399, %add3A_400 : i32
      %mul3A_402 = arith.constant 262144 : i32
      %mul3A_403 = arith.muli %add3A_401, %mul3A_402 : i32
      %mul3A_404 = arith.constant 65536 : i32
      %mul3A_405 = arith.muli %select_n3A_30, %mul3A_404 : i32
      %add3A_406 = arith.addi %mul3A_403, %mul3A_405 : i32
      %mul3A_407 = arith.constant 4096 : i32
      %mul3A_408 = arith.muli %add3A_357, %mul3A_407 : i32
      %add3A_409 = arith.addi %add3A_406, %mul3A_408 : i32
      %dma_start3A_410 = arith.constant 16384 : i32
      %dma_start3A_411 = tpu.memref_slice %arg6[%dma_start3A_410] : memref<32768xf32, #tpu.memory_space<vmem>> -> memref<4096xf32, #tpu.memory_space<vmem>>
      %dma_start3A_412 = tpu.memref_slice %arg4[%add3A_409] : memref<8388608xf32, #tpu.memory_space<hbm>> -> memref<4096xf32, #tpu.memory_space<hbm>>
      %dma_start3A_413 = tpu.memref_slice %arg4[%add3A_409] : memref<8388608xf32, #tpu.memory_space<hbm>> -> memref<4096xf32, #tpu.memory_space<hbm>>
      %dma_start3A_414 = arith.constant 16384 : i32
      %dma_start3A_415 = tpu.memref_slice %arg6[%dma_start3A_414] : memref<32768xf32, #tpu.memory_space<vmem>> -> memref<4096xf32, #tpu.memory_space<vmem>>
      tpu.enqueue_dma source(%dma_start3A_415 : memref<4096xf32, #tpu.memory_space<vmem>>) target(%dma_start3A_413 : memref<4096xf32, #tpu.memory_space<hbm>>) target_semaphore(%arg11 : memref<!tpu.dma_semaphore, #tpu.memory_space<semaphore_mem>>)
      %mul3A_416 = arith.constant 4 : i32
      %mul3A_417 = arith.muli %select_n3A, %mul3A_416 : i32
      %add3A_418 = arith.constant 1 : i32
      %add3A_419 = arith.addi %mul3A_417, %add3A_418 : i32
      %mul3A_420 = arith.constant 262144 : i32
      %mul3A_421 = arith.muli %add3A_419, %mul3A_420 : i32
      %mul3A_422 = arith.constant 65536 : i32
      %mul3A_423 = arith.muli %select_n3A_30, %mul3A_422 : i32
      %add3A_424 = arith.addi %mul3A_421, %mul3A_423 : i32
      %mul3A_425 = arith.constant 4096 : i32
      %mul3A_426 = arith.muli %add3A_357, %mul3A_425 : i32
      %add3A_427 = arith.addi %add3A_424, %mul3A_426 : i32
      %dma_start3A_428 = arith.constant 20480 : i32
      %dma_start3A_429 = tpu.memref_slice %arg6[%dma_start3A_428] : memref<32768xf32, #tpu.memory_space<vmem>> -> memref<4096xf32, #tpu.memory_space<vmem>>
      %dma_start3A_430 = tpu.memref_slice %arg4[%add3A_427] : memref<8388608xf32, #tpu.memory_space<hbm>> -> memref<4096xf32, #tpu.memory_space<hbm>>
      %dma_start3A_431 = tpu.memref_slice %arg4[%add3A_427] : memref<8388608xf32, #tpu.memory_space<hbm>> -> memref<4096xf32, #tpu.memory_space<hbm>>
      %dma_start3A_432 = arith.constant 20480 : i32
      %dma_start3A_433 = tpu.memref_slice %arg6[%dma_start3A_432] : memref<32768xf32, #tpu.memory_space<vmem>> -> memref<4096xf32, #tpu.memory_space<vmem>>
      tpu.enqueue_dma source(%dma_start3A_433 : memref<4096xf32, #tpu.memory_space<vmem>>) target(%dma_start3A_431 : memref<4096xf32, #tpu.memory_space<hbm>>) target_semaphore(%arg11 : memref<!tpu.dma_semaphore, #tpu.memory_space<semaphore_mem>>)
      %mul3A_434 = arith.constant 4 : i32
      %mul3A_435 = arith.muli %select_n3A, %mul3A_434 : i32
      %add3A_436 = arith.constant 2 : i32
      %add3A_437 = arith.addi %mul3A_435, %add3A_436 : i32
      %mul3A_438 = arith.constant 262144 : i32
      %mul3A_439 = arith.muli %add3A_437, %mul3A_438 : i32
      %mul3A_440 = arith.constant 65536 : i32
      %mul3A_441 = arith.muli %select_n3A_30, %mul3A_440 : i32
      %add3A_442 = arith.addi %mul3A_439, %mul3A_441 : i32
      %mul3A_443 = arith.constant 4096 : i32
      %mul3A_444 = arith.muli %add3A_357, %mul3A_443 : i32
      %add3A_445 = arith.addi %add3A_442, %mul3A_444 : i32
      %dma_start3A_446 = arith.constant 24576 : i32
      %dma_start3A_447 = tpu.memref_slice %arg6[%dma_start3A_446] : memref<32768xf32, #tpu.memory_space<vmem>> -> memref<4096xf32, #tpu.memory_space<vmem>>
      %dma_start3A_448 = tpu.memref_slice %arg4[%add3A_445] : memref<8388608xf32, #tpu.memory_space<hbm>> -> memref<4096xf32, #tpu.memory_space<hbm>>
      %dma_start3A_449 = tpu.memref_slice %arg4[%add3A_445] : memref<8388608xf32, #tpu.memory_space<hbm>> -> memref<4096xf32, #tpu.memory_space<hbm>>
      %dma_start3A_450 = arith.constant 24576 : i32
      %dma_start3A_451 = tpu.memref_slice %arg6[%dma_start3A_450] : memref<32768xf32, #tpu.memory_space<vmem>> -> memref<4096xf32, #tpu.memory_space<vmem>>
      tpu.enqueue_dma source(%dma_start3A_451 : memref<4096xf32, #tpu.memory_space<vmem>>) target(%dma_start3A_449 : memref<4096xf32, #tpu.memory_space<hbm>>) target_semaphore(%arg11 : memref<!tpu.dma_semaphore, #tpu.memory_space<semaphore_mem>>)
      %mul3A_452 = arith.constant 4 : i32
      %mul3A_453 = arith.muli %select_n3A, %mul3A_452 : i32
      %add3A_454 = arith.constant 3 : i32
      %add3A_455 = arith.addi %mul3A_453, %add3A_454 : i32
      %mul3A_456 = arith.constant 262144 : i32
      %mul3A_457 = arith.muli %add3A_455, %mul3A_456 : i32
      %mul3A_458 = arith.constant 65536 : i32
      %mul3A_459 = arith.muli %select_n3A_30, %mul3A_458 : i32
      %add3A_460 = arith.addi %mul3A_457, %mul3A_459 : i32
      %mul3A_461 = arith.constant 4096 : i32
      %mul3A_462 = arith.muli %add3A_357, %mul3A_461 : i32
      %add3A_463 = arith.addi %add3A_460, %mul3A_462 : i32
      %dma_start3A_464 = arith.constant 28672 : i32
      %dma_start3A_465 = tpu.memref_slice %arg6[%dma_start3A_464] : memref<32768xf32, #tpu.memory_space<vmem>> -> memref<4096xf32, #tpu.memory_space<vmem>>
      %dma_start3A_466 = tpu.memref_slice %arg4[%add3A_463] : memref<8388608xf32, #tpu.memory_space<hbm>> -> memref<4096xf32, #tpu.memory_space<hbm>>
      %dma_start3A_467 = tpu.memref_slice %arg4[%add3A_463] : memref<8388608xf32, #tpu.memory_space<hbm>> -> memref<4096xf32, #tpu.memory_space<hbm>>
      %dma_start3A_468 = arith.constant 28672 : i32
      %dma_start3A_469 = tpu.memref_slice %arg6[%dma_start3A_468] : memref<32768xf32, #tpu.memory_space<vmem>> -> memref<4096xf32, #tpu.memory_space<vmem>>
      tpu.enqueue_dma source(%dma_start3A_469 : memref<4096xf32, #tpu.memory_space<vmem>>) target(%dma_start3A_467 : memref<4096xf32, #tpu.memory_space<hbm>>) target_semaphore(%arg11 : memref<!tpu.dma_semaphore, #tpu.memory_space<semaphore_mem>>)
      %lt3A_470 = arith.constant 7 : i32
      %lt3A_471 = arith.cmpi slt, %scan3A_235, %lt3A_470 : i32
      %convert_element_type3A_472 = arith.extui %lt3A_471 : i1 to i32
      %cond3A_473 = arith.constant 0 : i32
      %cond3A_474 = arith.cmpi ne, %convert_element_type3A_472, %cond3A_473 : i32
      scf.if %cond3A_474 {
        %add3A_476 = arith.constant 2 : i32
        %add3A_477 = arith.addi %add3A_357, %add3A_476 : i32
        %mul3A_478 = arith.constant 4 : i32
        %mul3A_479 = arith.muli %select_n3A, %mul3A_478 : i32
        %add3A_480 = arith.constant 0 : i32
        %add3A_481 = arith.addi %mul3A_479, %add3A_480 : i32
        %mul3A_482 = arith.constant 262144 : i32
        %mul3A_483 = arith.muli %add3A_481, %mul3A_482 : i32
        %mul3A_484 = arith.constant 65536 : i32
        %mul3A_485 = arith.muli %select_n3A_30, %mul3A_484 : i32
        %add3A_486 = arith.addi %mul3A_483, %mul3A_485 : i32
        %mul3A_487 = arith.constant 4096 : i32
        %mul3A_488 = arith.muli %add3A_477, %mul3A_487 : i32
        %add3A_489 = arith.addi %add3A_486, %mul3A_488 : i32
        %dma_start3A_490 = arith.constant 16384 : i32
        %dma_start3A_491 = tpu.memref_slice %arg5[%dma_start3A_490] : memref<32768xf32, #tpu.memory_space<vmem>> -> memref<4096xf32, #tpu.memory_space<vmem>>
        %dma_start3A_492 = tpu.memref_slice %arg2[%add3A_489] : memref<8388608xf32, #tpu.memory_space<hbm>> -> memref<4096xf32, #tpu.memory_space<hbm>>
        %dma_start3A_493 = arith.constant 16384 : i32
        %dma_start3A_494 = tpu.memref_slice %arg5[%dma_start3A_493] : memref<32768xf32, #tpu.memory_space<vmem>> -> memref<4096xf32, #tpu.memory_space<vmem>>
        %dma_start3A_495 = tpu.memref_slice %arg2[%add3A_489] : memref<8388608xf32, #tpu.memory_space<hbm>> -> memref<4096xf32, #tpu.memory_space<hbm>>
        tpu.enqueue_dma source(%dma_start3A_495 : memref<4096xf32, #tpu.memory_space<hbm>>) target(%dma_start3A_494 : memref<4096xf32, #tpu.memory_space<vmem>>) target_semaphore(%arg9 : memref<!tpu.dma_semaphore, #tpu.memory_space<semaphore_mem>>)
        %mul3A_496 = arith.constant 4 : i32
        %mul3A_497 = arith.muli %select_n3A, %mul3A_496 : i32
        %add3A_498 = arith.constant 1 : i32
        %add3A_499 = arith.addi %mul3A_497, %add3A_498 : i32
        %mul3A_500 = arith.constant 262144 : i32
        %mul3A_501 = arith.muli %add3A_499, %mul3A_500 : i32
        %mul3A_502 = arith.constant 65536 : i32
        %mul3A_503 = arith.muli %select_n3A_30, %mul3A_502 : i32
        %add3A_504 = arith.addi %mul3A_501, %mul3A_503 : i32
        %mul3A_505 = arith.constant 4096 : i32
        %mul3A_506 = arith.muli %add3A_477, %mul3A_505 : i32
        %add3A_507 = arith.addi %add3A_504, %mul3A_506 : i32
        %dma_start3A_508 = arith.constant 20480 : i32
        %dma_start3A_509 = tpu.memref_slice %arg5[%dma_start3A_508] : memref<32768xf32, #tpu.memory_space<vmem>> -> memref<4096xf32, #tpu.memory_space<vmem>>
        %dma_start3A_510 = tpu.memref_slice %arg2[%add3A_507] : memref<8388608xf32, #tpu.memory_space<hbm>> -> memref<4096xf32, #tpu.memory_space<hbm>>
        %dma_start3A_511 = arith.constant 20480 : i32
        %dma_start3A_512 = tpu.memref_slice %arg5[%dma_start3A_511] : memref<32768xf32, #tpu.memory_space<vmem>> -> memref<4096xf32, #tpu.memory_space<vmem>>
        %dma_start3A_513 = tpu.memref_slice %arg2[%add3A_507] : memref<8388608xf32, #tpu.memory_space<hbm>> -> memref<4096xf32, #tpu.memory_space<hbm>>
        tpu.enqueue_dma source(%dma_start3A_513 : memref<4096xf32, #tpu.memory_space<hbm>>) target(%dma_start3A_512 : memref<4096xf32, #tpu.memory_space<vmem>>) target_semaphore(%arg9 : memref<!tpu.dma_semaphore, #tpu.memory_space<semaphore_mem>>)
        %mul3A_514 = arith.constant 4 : i32
        %mul3A_515 = arith.muli %select_n3A, %mul3A_514 : i32
        %add3A_516 = arith.constant 2 : i32
        %add3A_517 = arith.addi %mul3A_515, %add3A_516 : i32
        %mul3A_518 = arith.constant 262144 : i32
        %mul3A_519 = arith.muli %add3A_517, %mul3A_518 : i32
        %mul3A_520 = arith.constant 65536 : i32
        %mul3A_521 = arith.muli %select_n3A_30, %mul3A_520 : i32
        %add3A_522 = arith.addi %mul3A_519, %mul3A_521 : i32
        %mul3A_523 = arith.constant 4096 : i32
        %mul3A_524 = arith.muli %add3A_477, %mul3A_523 : i32
        %add3A_525 = arith.addi %add3A_522, %mul3A_524 : i32
        %dma_start3A_526 = arith.constant 24576 : i32
        %dma_start3A_527 = tpu.memref_slice %arg5[%dma_start3A_526] : memref<32768xf32, #tpu.memory_space<vmem>> -> memref<4096xf32, #tpu.memory_space<vmem>>
        %dma_start3A_528 = tpu.memref_slice %arg2[%add3A_525] : memref<8388608xf32, #tpu.memory_space<hbm>> -> memref<4096xf32, #tpu.memory_space<hbm>>
        %dma_start3A_529 = arith.constant 24576 : i32
        %dma_start3A_530 = tpu.memref_slice %arg5[%dma_start3A_529] : memref<32768xf32, #tpu.memory_space<vmem>> -> memref<4096xf32, #tpu.memory_space<vmem>>
        %dma_start3A_531 = tpu.memref_slice %arg2[%add3A_525] : memref<8388608xf32, #tpu.memory_space<hbm>> -> memref<4096xf32, #tpu.memory_space<hbm>>
        tpu.enqueue_dma source(%dma_start3A_531 : memref<4096xf32, #tpu.memory_space<hbm>>) target(%dma_start3A_530 : memref<4096xf32, #tpu.memory_space<vmem>>) target_semaphore(%arg9 : memref<!tpu.dma_semaphore, #tpu.memory_space<semaphore_mem>>)
        %mul3A_532 = arith.constant 4 : i32
        %mul3A_533 = arith.muli %select_n3A, %mul3A_532 : i32
        %add3A_534 = arith.constant 3 : i32
        %add3A_535 = arith.addi %mul3A_533, %add3A_534 : i32
        %mul3A_536 = arith.constant 262144 : i32
        %mul3A_537 = arith.muli %add3A_535, %mul3A_536 : i32
        %mul3A_538 = arith.constant 65536 : i32
        %mul3A_539 = arith.muli %select_n3A_30, %mul3A_538 : i32
        %add3A_540 = arith.addi %mul3A_537, %mul3A_539 : i32
        %mul3A_541 = arith.constant 4096 : i32
        %mul3A_542 = arith.muli %add3A_477, %mul3A_541 : i32
        %add3A_543 = arith.addi %add3A_540, %mul3A_542 : i32
        %dma_start3A_544 = arith.constant 28672 : i32
        %dma_start3A_545 = tpu.memref_slice %arg5[%dma_start3A_544] : memref<32768xf32, #tpu.memory_space<vmem>> -> memref<4096xf32, #tpu.memory_space<vmem>>
        %dma_start3A_546 = tpu.memref_slice %arg2[%add3A_543] : memref<8388608xf32, #tpu.memory_space<hbm>> -> memref<4096xf32, #tpu.memory_space<hbm>>
        %dma_start3A_547 = arith.constant 28672 : i32
        %dma_start3A_548 = tpu.memref_slice %arg5[%dma_start3A_547] : memref<32768xf32, #tpu.memory_space<vmem>> -> memref<4096xf32, #tpu.memory_space<vmem>>
        %dma_start3A_549 = tpu.memref_slice %arg2[%add3A_543] : memref<8388608xf32, #tpu.memory_space<hbm>> -> memref<4096xf32, #tpu.memory_space<hbm>>
        tpu.enqueue_dma source(%dma_start3A_549 : memref<4096xf32, #tpu.memory_space<hbm>>) target(%dma_start3A_548 : memref<4096xf32, #tpu.memory_space<vmem>>) target_semaphore(%arg9 : memref<!tpu.dma_semaphore, #tpu.memory_space<semaphore_mem>>)
      } else {
      }
      %scan3A_475 = arith.constant 0 : i32
      scf.yield %scan3A_475 : i32
    }
    %scan3A_171 = arith.constant 8 : i32
    %dma_wait3A = arith.constant 0 : i32
    %dma_wait3A_172 = tpu.memref_slice %arg6[%dma_wait3A] : memref<32768xf32, #tpu.memory_space<vmem>> -> memref<4096xf32, #tpu.memory_space<vmem>>
    %dma_wait3A_173 = arith.constant 0 : i32
    %dma_wait3A_174 = tpu.memref_slice %arg4[%dma_wait3A_173] : memref<8388608xf32, #tpu.memory_space<hbm>> -> memref<4096xf32, #tpu.memory_space<hbm>>
    %dma_wait3A_175 = arith.constant 0 : i32
    %dma_wait3A_176 = tpu.memref_slice %arg4[%dma_wait3A_175] : memref<8388608xf32, #tpu.memory_space<hbm>> -> memref<4096xf32, #tpu.memory_space<hbm>>
    %dma_wait3A_177 = arith.constant 0 : i32
    %dma_wait3A_178 = tpu.memref_slice %arg6[%dma_wait3A_177] : memref<32768xf32, #tpu.memory_space<vmem>> -> memref<4096xf32, #tpu.memory_space<vmem>>
    tpu.wait_dma2 semaphore(%arg10 : memref<!tpu.dma_semaphore, #tpu.memory_space<semaphore_mem>>) src(%dma_wait3A_178 : memref<4096xf32, #tpu.memory_space<vmem>>) dst(%dma_wait3A_176 : memref<4096xf32, #tpu.memory_space<hbm>>)
    %dma_wait3A_179 = arith.constant 4096 : i32
    %dma_wait3A_180 = tpu.memref_slice %arg6[%dma_wait3A_179] : memref<32768xf32, #tpu.memory_space<vmem>> -> memref<4096xf32, #tpu.memory_space<vmem>>
    %dma_wait3A_181 = arith.constant 0 : i32
    %dma_wait3A_182 = tpu.memref_slice %arg4[%dma_wait3A_181] : memref<8388608xf32, #tpu.memory_space<hbm>> -> memref<4096xf32, #tpu.memory_space<hbm>>
    %dma_wait3A_183 = arith.constant 0 : i32
    %dma_wait3A_184 = tpu.memref_slice %arg4[%dma_wait3A_183] : memref<8388608xf32, #tpu.memory_space<hbm>> -> memref<4096xf32, #tpu.memory_space<hbm>>
    %dma_wait3A_185 = arith.constant 4096 : i32
    %dma_wait3A_186 = tpu.memref_slice %arg6[%dma_wait3A_185] : memref<32768xf32, #tpu.memory_space<vmem>> -> memref<4096xf32, #tpu.memory_space<vmem>>
    tpu.wait_dma2 semaphore(%arg10 : memref<!tpu.dma_semaphore, #tpu.memory_space<semaphore_mem>>) src(%dma_wait3A_186 : memref<4096xf32, #tpu.memory_space<vmem>>) dst(%dma_wait3A_184 : memref<4096xf32, #tpu.memory_space<hbm>>)
    %dma_wait3A_187 = arith.constant 8192 : i32
    %dma_wait3A_188 = tpu.memref_slice %arg6[%dma_wait3A_187] : memref<32768xf32, #tpu.memory_space<vmem>> -> memref<4096xf32, #tpu.memory_space<vmem>>
    %dma_wait3A_189 = arith.constant 0 : i32
    %dma_wait3A_190 = tpu.memref_slice %arg4[%dma_wait3A_189] : memref<8388608xf32, #tpu.memory_space<hbm>> -> memref<4096xf32, #tpu.memory_space<hbm>>
    %dma_wait3A_191 = arith.constant 0 : i32
    %dma_wait3A_192 = tpu.memref_slice %arg4[%dma_wait3A_191] : memref<8388608xf32, #tpu.memory_space<hbm>> -> memref<4096xf32, #tpu.memory_space<hbm>>
    %dma_wait3A_193 = arith.constant 8192 : i32
    %dma_wait3A_194 = tpu.memref_slice %arg6[%dma_wait3A_193] : memref<32768xf32, #tpu.memory_space<vmem>> -> memref<4096xf32, #tpu.memory_space<vmem>>
    tpu.wait_dma2 semaphore(%arg10 : memref<!tpu.dma_semaphore, #tpu.memory_space<semaphore_mem>>) src(%dma_wait3A_194 : memref<4096xf32, #tpu.memory_space<vmem>>) dst(%dma_wait3A_192 : memref<4096xf32, #tpu.memory_space<hbm>>)
    %dma_wait3A_195 = arith.constant 12288 : i32
    %dma_wait3A_196 = tpu.memref_slice %arg6[%dma_wait3A_195] : memref<32768xf32, #tpu.memory_space<vmem>> -> memref<4096xf32, #tpu.memory_space<vmem>>
    %dma_wait3A_197 = arith.constant 0 : i32
    %dma_wait3A_198 = tpu.memref_slice %arg4[%dma_wait3A_197] : memref<8388608xf32, #tpu.memory_space<hbm>> -> memref<4096xf32, #tpu.memory_space<hbm>>
    %dma_wait3A_199 = arith.constant 0 : i32
    %dma_wait3A_200 = tpu.memref_slice %arg4[%dma_wait3A_199] : memref<8388608xf32, #tpu.memory_space<hbm>> -> memref<4096xf32, #tpu.memory_space<hbm>>
    %dma_wait3A_201 = arith.constant 12288 : i32
    %dma_wait3A_202 = tpu.memref_slice %arg6[%dma_wait3A_201] : memref<32768xf32, #tpu.memory_space<vmem>> -> memref<4096xf32, #tpu.memory_space<vmem>>
    tpu.wait_dma2 semaphore(%arg10 : memref<!tpu.dma_semaphore, #tpu.memory_space<semaphore_mem>>) src(%dma_wait3A_202 : memref<4096xf32, #tpu.memory_space<vmem>>) dst(%dma_wait3A_200 : memref<4096xf32, #tpu.memory_space<hbm>>)
    %dma_wait3A_203 = arith.constant 16384 : i32
    %dma_wait3A_204 = tpu.memref_slice %arg6[%dma_wait3A_203] : memref<32768xf32, #tpu.memory_space<vmem>> -> memref<4096xf32, #tpu.memory_space<vmem>>
    %dma_wait3A_205 = arith.constant 0 : i32
    %dma_wait3A_206 = tpu.memref_slice %arg4[%dma_wait3A_205] : memref<8388608xf32, #tpu.memory_space<hbm>> -> memref<4096xf32, #tpu.memory_space<hbm>>
    %dma_wait3A_207 = arith.constant 0 : i32
    %dma_wait3A_208 = tpu.memref_slice %arg4[%dma_wait3A_207] : memref<8388608xf32, #tpu.memory_space<hbm>> -> memref<4096xf32, #tpu.memory_space<hbm>>
    %dma_wait3A_209 = arith.constant 16384 : i32
    %dma_wait3A_210 = tpu.memref_slice %arg6[%dma_wait3A_209] : memref<32768xf32, #tpu.memory_space<vmem>> -> memref<4096xf32, #tpu.memory_space<vmem>>
    tpu.wait_dma2 semaphore(%arg11 : memref<!tpu.dma_semaphore, #tpu.memory_space<semaphore_mem>>) src(%dma_wait3A_210 : memref<4096xf32, #tpu.memory_space<vmem>>) dst(%dma_wait3A_208 : memref<4096xf32, #tpu.memory_space<hbm>>)
    %dma_wait3A_211 = arith.constant 20480 : i32
    %dma_wait3A_212 = tpu.memref_slice %arg6[%dma_wait3A_211] : memref<32768xf32, #tpu.memory_space<vmem>> -> memref<4096xf32, #tpu.memory_space<vmem>>
    %dma_wait3A_213 = arith.constant 0 : i32
    %dma_wait3A_214 = tpu.memref_slice %arg4[%dma_wait3A_213] : memref<8388608xf32, #tpu.memory_space<hbm>> -> memref<4096xf32, #tpu.memory_space<hbm>>
    %dma_wait3A_215 = arith.constant 0 : i32
    %dma_wait3A_216 = tpu.memref_slice %arg4[%dma_wait3A_215] : memref<8388608xf32, #tpu.memory_space<hbm>> -> memref<4096xf32, #tpu.memory_space<hbm>>
    %dma_wait3A_217 = arith.constant 20480 : i32
    %dma_wait3A_218 = tpu.memref_slice %arg6[%dma_wait3A_217] : memref<32768xf32, #tpu.memory_space<vmem>> -> memref<4096xf32, #tpu.memory_space<vmem>>
    tpu.wait_dma2 semaphore(%arg11 : memref<!tpu.dma_semaphore, #tpu.memory_space<semaphore_mem>>) src(%dma_wait3A_218 : memref<4096xf32, #tpu.memory_space<vmem>>) dst(%dma_wait3A_216 : memref<4096xf32, #tpu.memory_space<hbm>>)
    %dma_wait3A_219 = arith.constant 24576 : i32
    %dma_wait3A_220 = tpu.memref_slice %arg6[%dma_wait3A_219] : memref<32768xf32, #tpu.memory_space<vmem>> -> memref<4096xf32, #tpu.memory_space<vmem>>
    %dma_wait3A_221 = arith.constant 0 : i32
    %dma_wait3A_222 = tpu.memref_slice %arg4[%dma_wait3A_221] : memref<8388608xf32, #tpu.memory_space<hbm>> -> memref<4096xf32, #tpu.memory_space<hbm>>
    %dma_wait3A_223 = arith.constant 0 : i32
    %dma_wait3A_224 = tpu.memref_slice %arg4[%dma_wait3A_223] : memref<8388608xf32, #tpu.memory_space<hbm>> -> memref<4096xf32, #tpu.memory_space<hbm>>
    %dma_wait3A_225 = arith.constant 24576 : i32
    %dma_wait3A_226 = tpu.memref_slice %arg6[%dma_wait3A_225] : memref<32768xf32, #tpu.memory_space<vmem>> -> memref<4096xf32, #tpu.memory_space<vmem>>
    tpu.wait_dma2 semaphore(%arg11 : memref<!tpu.dma_semaphore, #tpu.memory_space<semaphore_mem>>) src(%dma_wait3A_226 : memref<4096xf32, #tpu.memory_space<vmem>>) dst(%dma_wait3A_224 : memref<4096xf32, #tpu.memory_space<hbm>>)
    %dma_wait3A_227 = arith.constant 28672 : i32
    %dma_wait3A_228 = tpu.memref_slice %arg6[%dma_wait3A_227] : memref<32768xf32, #tpu.memory_space<vmem>> -> memref<4096xf32, #tpu.memory_space<vmem>>
    %dma_wait3A_229 = arith.constant 0 : i32
    %dma_wait3A_230 = tpu.memref_slice %arg4[%dma_wait3A_229] : memref<8388608xf32, #tpu.memory_space<hbm>> -> memref<4096xf32, #tpu.memory_space<hbm>>
    %dma_wait3A_231 = arith.constant 0 : i32
    %dma_wait3A_232 = tpu.memref_slice %arg4[%dma_wait3A_231] : memref<8388608xf32, #tpu.memory_space<hbm>> -> memref<4096xf32, #tpu.memory_space<hbm>>
    %dma_wait3A_233 = arith.constant 28672 : i32
    %dma_wait3A_234 = tpu.memref_slice %arg6[%dma_wait3A_233] : memref<32768xf32, #tpu.memory_space<vmem>> -> memref<4096xf32, #tpu.memory_space<vmem>>
    tpu.wait_dma2 semaphore(%arg11 : memref<!tpu.dma_semaphore, #tpu.memory_space<semaphore_mem>>) src(%dma_wait3A_234 : memref<4096xf32, #tpu.memory_space<vmem>>) dst(%dma_wait3A_232 : memref<4096xf32, #tpu.memory_space<hbm>>)
    return
  }
}

</mosaic_0001>

<sc_bundles>
// kernel: kernel.3.cloned.1.call-start
scs
__scs_entry_jumppad:
0x0: {  	(pc) =	sbr.rel $0x88, $3  }
0x1: {  	(tag) =	ssettag $0x0;
	lr =	simm.s32 $0x1  }
0x2: {  	[smem:$0x3F9F] =	sst lr;
	_ =	strace $0xD0000000  }
0x3: {  	_ = 	snop  }
0x4: {  	_ = 	snop  }
0x5: {  	_ = 	snop  }
0x6: {  	_ = 	snop  }
0x7: {  	_ = 	snop  }
__scs_overlays_trampoline_lowered:
0x8: {  	[smem:$0x3FAE] =	sst s0  }
0x9: {  	[smem:$0x3FAF] =	sst s1  }
0xa: {  	[smem:$0x3FB0] =	sst s2  }
0xb: {  	[smem:$0x3FB1] =	sst s3  }
0xc: {  	[smem:$0x3FB2] =	sst s4  }
0xd: {  	[smem:$0x3FB3] =	sst s5  }
0xe: {  	[smem:$0x3FB4] =	sst s6  }
0xf: {  	[smem:$0x3FB5] =	sst s7  }
0x10: {  	[smem:$0x3FB6] =	sst s8  }
0x11: {  	[smem:$0x3FB7] =	sst s9;
	s0 =	simm.s32 @!p0 $0x0  }
0x12: {  	s1 =	sld [smem:$0x3F9D];
	s0 =	simm.s32 @p0 $0x1  }
0x13: {  	[smem:$0x3FB8] =	sst s0;
	s0 =	simm.s32 @!p1 $0x0  }
0x14: {  	s2 =	sld [smem:$0x3F9C];
	s0 =	simm.s32 @p1 $0x1  }
0x15: {  	[smem:$0x3FB9] =	sst s0;
	s0 =	simm.s32 @!p2 $0x0  }
0x16: {  	s3 =	sld [smem:$0x3FDB];
	s0 =	simm.s32 @p2 $0x1  }
0x17: {  	s4 =	simm.s32 $0x1BF5;
	[smem:$0x3FBB] =	sst s0  }
0x18: {  	s0 =	sld [smem:$0x3F9E];
	_ =	swait.ge [sflag:s4], $0x0  }
0x19: {  	s7 =	sld [smem:$0x3F9F]  }
0x1a: {  	s8 =	sadd.s32 $0xFFFFE003, lr  }
0x1b: {  	s9 =	sadd.s32 $0xFFFFFEF7, lr;
	s5 =	simm.s32 $0xFFFFFFFF;
	p2 =	slt.u32 s8, $0xFFFFF086  }
0x1c: {  	p1 =	slt.u32 s9, $0xF7A;
	s5 =	simm.s32 @!p2 $0x0  }
0x1d: {  	s5 =	simm.s32 @p1 $0x1;
	p0 =	seq.s32 s7, s2  }
0x1e: {  	s7 =	smul.u32 @!p0 $0xF7A, s2;
	p2 =	seq.s32 @!p0 s5, $0x0  }
0x1f: {  	s9 =	smul.u32 $0xF7A, s1;
	s8 =	simm.s32 @!p0 $0x1BF5;
	p2 =	por !p2, p0  }
0x20: {  	[sflag:s8] =	ssyncset.s32 @!p0 $0xFFFFF086;
	s6 =	sadd.s32 @!p0 s3, s7;
	s7 =	simm.s32 @!p0 $0x108  }
0x21: {  	s3 =	sadd.s32 s3, s9;
	s6 =	sadd.s32 @!p0 $0x88, s6;
	s7 =	simm.s32 @p2 $0x1082  }
0x22: {  	[simem:s7], [sflag:s8] =	dma.local @!p0 [hbm:s6], $0xF7A  }
0x23: {  	s9 =	sor.u32 $0xD0000000, s2;
	s6 =	simm.s32 $0x108;
	_ =	swait.ge @!p0 [sflag:s8], $0x0  }
0x24: {  	s3 =	sadd.s32 $0x88, s3;
	s6 =	simm.s32 @!p1 $0x1082;
	[sflag:s4] =	ssyncset.s32 $0xFFFFF086  }
0x25: {  	[simem:s6], [sflag:s4] =	dma.local [hbm:s3], $0xF7A  }
0x26: {  	[smem:$0x3F9F] =	sst s1;
	(tag) =	ssettag s2;
	_ =	strace s9  }
0x27: {  	s1 =	sld [smem:$0x3FAF]  }
0x28: {  	s2 =	sld [smem:$0x3FB0]  }
0x29: {  	s4 =	sld [smem:$0x3FB2]  }
0x2a: {  	p0 =	seq.s32 s5, $0x0;
	s5 =	sld [smem:$0x3FB3]  }
0x2b: {  	s6 =	sld [smem:$0x3FB4]  }
0x2c: {  	s7 =	sld [smem:$0x3FB5]  }
0x2d: {  	s3 =	simm.s32 $0x108;
	s8 =	sld [smem:$0x3FB6]  }
0x2e: {  	s3 =	simm.s32 @!p0 $0x1082;
	s9 =	sld [smem:$0x3FB7]  }
0x2f: {  	lr =	sadd.s32 s0, s3;
	s0 =	sld [smem:$0x3FAE]  }
0x30: {  	s3 =	sld [smem:$0x3FB1]  }
0x31: {  	[smem:$0x3FBA] =	sst s10  }
0x32: {  	s10 =	sld [smem:$0x3FB8];
	_ =	sdelay $0x3  }
0x33: {  	p0 =	seq.s32 s10, $0x1;
	s10 =	sld [smem:$0x3FBA];
	_ =	sdelay $0x3  }
0x34: {  	[smem:$0x3FBA] =	sst s10  }
0x35: {  	s10 =	sld [smem:$0x3FB9];
	_ =	sdelay $0x3  }
0x36: {  	p1 =	seq.s32 s10, $0x1;
	s10 =	sld [smem:$0x3FBA];
	_ =	sdelay $0x3  }
0x37: {  	[smem:$0x3FBA] =	sst s10  }
0x38: {  	s10 =	sld [smem:$0x3FBB]  }
0x39: {  	_ = 	snop;
	(pc) =	sbr.ind lr, $3  }
0x3a: {  	_ = 	snop  }
0x3b: {  	_ = 	snop  }
0x3c: {  	p2 =	seq.s32 s10, $0x1;
	s10 =	sld [smem:$0x3FBA]  }
0x3d: {  	_ =	shalt  }
0x3e: {  	_ =	shalt  }
0x3f: {  	_ =	shalt  }
0x40: {  	_ =	shalt  }
0x41: {  	_ =	shalt  }
0x42: {  	_ =	shalt  }
0x43: {  	_ =	shalt  }
0x44: {  	_ =	shalt  }
0x45: {  	_ =	shalt  }
0x46: {  	_ =	shalt  }
0x47: {  	_ =	shalt  }
0x48: {  	_ =	shalt  }
0x49: {  	_ =	shalt  }
0x4a: {  	_ =	shalt  }
0x4b: {  	_ =	shalt  }
0x4c: {  	_ =	shalt  }
0x4d: {  	_ =	shalt  }
0x4e: {  	_ =	shalt  }
0x4f: {  	_ =	shalt  }
0x50: {  	_ =	shalt  }
0x51: {  	_ =	shalt  }
0x52: {  	_ =	shalt  }
0x53: {  	_ =	shalt  }
0x54: {  	_ =	shalt  }
0x55: {  	_ =	shalt  }
0x56: {  	_ =	shalt  }
0x57: {  	_ =	shalt  }
0x58: {  	_ =	shalt  }
0x59: {  	_ =	shalt  }
0x5a: {  	_ =	shalt  }
0x5b: {  	_ =	shalt  }
0x5c: {  	_ =	shalt  }
0x5d: {  	_ =	shalt  }
0x5e: {  	_ =	shalt  }
0x5f: {  	_ =	shalt  }
0x60: {  	_ =	shalt  }
0x61: {  	_ =	shalt  }
0x62: {  	_ =	shalt  }
0x63: {  	_ =	shalt  }
0x64: {  	_ =	shalt  }
0x65: {  	_ =	shalt  }
0x66: {  	_ =	shalt  }
0x67: {  	_ =	shalt  }
0x68: {  	_ =	shalt  }
0x69: {  	_ =	shalt  }
0x6a: {  	_ =	shalt  }
0x6b: {  	_ =	shalt  }
0x6c: {  	_ =	shalt  }
0x6d: {  	_ =	shalt  }
0x6e: {  	_ =	shalt  }
0x6f: {  	_ =	shalt  }
0x70: {  	_ =	shalt  }
0x71: {  	_ =	shalt  }
0x72: {  	_ =	shalt  }
0x73: {  	_ =	shalt  }
0x74: {  	_ =	shalt  }
0x75: {  	_ =	shalt  }
0x76: {  	_ =	shalt  }
0x77: {  	_ =	shalt  }
0x78: {  	_ =	shalt  }
0x79: {  	_ =	shalt  }
0x7a: {  	_ =	shalt  }
0x7b: {  	_ =	shalt  }
0x7c: {  	_ =	shalt  }
0x7d: {  	_ =	shalt  }
0x7e: {  	_ =	shalt  }
0x7f: {  	_ =	shalt  }
0x80: {  	_ =	shalt  }
0x81: {  	_ =	shalt  }
0x82: {  	_ =	shalt  }
0x83: {  	_ =	shalt  }
0x84: {  	_ =	shalt  }
0x85: {  	_ =	shalt  }
0x86: {  	_ =	shalt  }
0x87: {  	_ =	shalt  }
.Lfunc_end0:
.L_simem_size_0:
called_computation.1_lowered:
.L_overlay_start_0:
0x88: {  	s2 =	sld [smem:$0x3FD9]  }
0x89: {  	s3 =	sld [smem:$0x3FFE];
	_ =	sdelay $0x1  }
0x8a: {  	s1 =	srdreg.scid  }
0x8b: {  	s0 =	sand.u32 $0x1, s1  }
0x8c: {  	s17 =	sshll.u32 s0, $0xA;
	s2 =	sadd.s32 s3, s2  }
0x8d: {  	s2 =	sadd.s32 s2, s17  }
0x8e: {  	[smem:$0x3FC6] =	sst s2  }
0x8f: {  	_ = 	snop  }
0x90: {  	s2 =	sld [smem:$0x3FD0];
	(tm) =	ssettm $0x1  }
0x91: {  	s18 =	sld [smem:$0x3FFB];
	_ =	sdelay $0x3  }
0x92: {  	_ =	strace s18  }
0x93: {  	s3 =	sld [smem:$0x3FFC];
	_ =	sdelay $0x3  }
0x94: {  	_ =	strace s3  }
0x95: {  	s3 =	sld [smem:$0x3FFD];
	_ =	sdelay $0x3  }
0x96: {  	_ =	strace s3  }
0x97: {  	_ =	strace $0x8FFFFFFF  }
0x98: {  	s19 =	sld [smem:$0x3FDB];
	_ =	sdelay $0x1  }
0x99: {  	s4 =	simm.s32 $_scs_section_size  }
0x9a: {  	s5 =	simm.s32 $_size__tile_overlayer_lowered;
	s6 =	simm.s32 $_tile_overlayer_lowered  }
0x9b: {  	s22 =	simm.s32 $0x1BFF;
	s21 =	sshll.u32 s6, $0x1;
	s3 =	sadd.s32 s4, s19  }
0x9c: {  	s7 =	simm.s32 $0x0;
	s20 =	sshll.u32 s5, $0x1;
	s5 =	sadd.s32 s21, s3  }
0x9d: {  	[timem:s7], [sflag:s22] =	dma.local [hbm:s5], s20  }
0x9e: {  	_ =	swait.ge [sflag:s22], s20  }
0x9f: {  	s4 =	ssub.s32 $0x0, s20;
	[sflag:s22] =	ssyncset.done $0x0  }
0xa0: {  	[sflag:s22] =	ssyncadd.s32 s4;
	_ =	sdelay $0x1  }
0xa1: {  	s23 =	simm.s32 $0x1B8B  }
0xa2: {  	_ =	swait.ge [sflag:s23], $0x1  }
0xa3: {  	[sflag:s23] =	ssyncset.done $0x0  }
0xa4: {  	s25 =	simm.s32 $0x1B8E;
	s24 =	sld [smem:$0x3FFE];
	[sflag:s23] =	ssyncadd.s32 $0xFFFFFFFF  }
0xa5: {  	s26 =	simm.s32 $execute0_lowered;
	[smem:$0x3FD2] =	sst s25  }
0xa6: {  	s5 =	sshll.u32 s26, $0x1;
	_ =	strace $0x80000049;
	[dreg:$0x1] =	wrdreg $0xFFFFFFFF  }
0xa7: {  	s28 =	simm.s32 $_size_execute0_lowered;
	s3 =	sadd.s32 s3, s5;
	[dreg:$0x0] =	wrdreg $0x0  }
0xa8: {  	s5 =	sshll.u32 s28, $0x1;
	[dreg:$0x2] =	wrdreg s3  }
0xa9: {  	[dreg:$0x3] =	wrdreg s5  }
0xaa: {  	[dreg:$0x4] =	wrdreg $0xC0  }
0xab: {  	_ =	task [dreg:s7], $0x5FFFF  }
0xac: {  	[dreg:$0x1] =	wrdreg $0xFFFFFFFF  }
0xad: {  	[dreg:$0x0] =	wrdreg $0x60  }
0xae: {  	[dreg:$0x2] =	wrdreg s2  }
0xaf: {  	[dreg:$0x3] =	wrdreg s24  }
0xb0: {  	[dreg:$0x4] =	wrdreg $0x9  }
0xb1: {  	_ =	task.clear_ibuf [dreg:s7], $0x5FFFF;
	_ =	strace $0x90000049  }
0xb2: {  	s29 =	simm.s32 $0x9;
	_ =	strace $0x8000004B  }
0xb3: {  	_ =	swait.ge [sflag:s29], $0x1  }
0xb4: {  	[sflag:s29] =	ssyncadd.s32 $0xFFFFFFFF  }
0xb5: {  	_ =	strace $0x9000004B  }
0xb6: {  	_ =	sfence  }
0xb7: {  	s30 =	sld [smem:$0x0];
	_ =	sdelay $0x2  }
0xb8: {  	s31 =	sshll.u32 s1, $0xD;
	s1 =	sshrl.u32 s1, $0x2  }
0xb9: {  	s3 =	sand.u32 $0x4000, s31;
	s1 =	sadd.s32 s1, s30  }
0xba: {  	s0 =	sor.u32 s3, s0;
	s1 =	sshll.u32 s1, $0x11  }
0xbb: {  	s0 =	sor.u32 s1, s0  }
0xbc: {  	s0 =	sadd.s32 $0x8F2B, s0  }
0xbd: {  	[sflag:s0] =	ssyncadd.remote.s32 $0x1  }
0xbe: {  	_ =	sfence.sel $0xFFFF  }
0xbf: {  	[dreg:$0x0] =	wrdreg $0xFFFFFFFF;
	(pc) =	sbr.abs _section_cstart, $3  }
0xc0: {  	[dreg:$0x1] =	wrdreg $0xFFFFFFFF  }
0xc1: {  	_ =	task.clear_ibuf [dreg:s7], $0x2FFFF;
	_ =	strace $0x9FFFFFFF  }
0xc2: {  	(tm) =	ssettm $0x7FFFFFFF  }
0xc3: {  	_ =	shalt  }
tec
execute0_lowered:
.L_overlay_start_1:
0x0: {  	(tag) =	ssettag $0x1  }
0x1: {  	s2 =	rddreg [dreg:$0x0];
	s5 =	stileid.u32  }
0x2: {  	s0 =	rddreg [dreg:$0x1];
	s1 =	srdreg.scid  }
0x3: {  	s28 =	simm.s32 $0x7000;
	s29 =	simm.s32 $0x1;
	s30 =	simm.s32 $0x8000  }
0x4: {  	s31 =	simm.s32 $0x9000;
	s13 =	simm.s32 $0x4;
	s3 =	sshll.u32 s5, $0x1  }
0x5: {  	s1 =	sand.u32 $0x1, s1;
	s5 =	sshll.u32 s5, $0x13;
	s15 =	sadd.s32 $0xA00, s0  }
0x6: {  	s6 =	sadd.s32 $0xC00, s0;
	s4 =	sand.u32 $0x2, s3;
	s3 =	simm.s32 $0x0  }
0x7: {  	s5 =	sand.u32 $0x700000, s5;
	s4 =	sor.u32 s1, s4;
	[smem:$0x7FF] =	sst s3  }
0x8: {  	s1 =	ssub.s32 $0x2, s1;
	s4 =	sshll.u32 s4, $0x10;
	_ =	strace $0x8000004A  }
0x9: {  	[dreg:$0x3] =	wrdreg s15;
	s16 =	sshrl.u32 s1, $0x1;
	s4 =	sor.u32 s5, s4  }
0xa: {  	s17 =	ssub.s32 s1, s16;
	s7 =	sshrl.u32 s4, $0x3;
	s8 =	sor.u32 $0x40000, s4  }
0xb: {  	s9 =	sor.u32 $0x80000, s4;
	s10 =	sor.u32 $0xC0000, s4;
	s0 =	smax.u32 s17, $0x1  }
0xc: {  	s11 =	sadd.s32 s2, s7;
	s18 =	sshrl.u32 s8, $0x3;
	[dreg:$0xc] =	wrdreg s0  }
0xd: {  	s19 =	sshrl.u32 s9, $0x3;
	s1 =	sadd.s32 s2, s18;
	[dreg:$0x4] =	wrdreg s11  }
0xe: {  	s20 =	sshrl.u32 s10, $0x3;
	s21 =	sadd.s32 s2, s19;
	[dreg:$0x5] =	wrdreg s1  }
0xf: {  	s14 =	simm.s32 $0x0;
	s22 =	sadd.s32 s2, s20;
	[dreg:$0x6] =	wrdreg s21  }
0x10: {  	s5 =	simm.s32 $0xE000;
	s23 =	sadd.s32 $0x200, s11;
	[dreg:$0x7] =	wrdreg s22  }
0x11: {  	s0 =	simm.s32 $0xB000;
	s24 =	sadd.s32 $0x8200, s11;
	[dreg:$0x8] =	wrdreg s23  }
.Ltmp0:
0x12: {  	s25 =	sadd.s32 $0x10200, s11;
	[dreg:$0x9] =	wrdreg s24;
	(pc) =	sbr.rel .LBB2_1-.Ltmp0, $4  }
0x13: {  	s26 =	sadd.s32 $0x18200, s11;
	s19 =	simm.s32 $0x10000;
	[dreg:$0xa] =	wrdreg s25  }
0x14: {  	s11 =	simm.s32 $0xF000;
	[dreg:$0xb] =	wrdreg s26;
	s24 =	simm.s32 $0x4000  }
0x15: {  	s25 =	simm.s32 $0x5000;
	s26 =	simm.s32 $0x6000;
	s1 =	simm.s32 $0xA000  }
0x16: {  	s21 =	simm.s32 $0x2;
	s22 =	simm.s32 $0xC000;
	s23 =	simm.s32 $0xD000  }
.LBB2_8:
0x17: {  	s7 =	simm.s32 $0x3  }
0x18: {  	_ =	swait.ge [sflag:s7], $0x1000  }
0x19: {  	[sflag:s7] =	ssyncset.done $0x0  }
0x1a: {  	[sflag:s7] =	ssyncadd.s32 $0xFFFFF000  }
0x1b: {  	_ =	swait.ge [sflag:s7], $0x1000  }
0x1c: {  	[sflag:s7] =	ssyncset.done $0x0  }
0x1d: {  	[sflag:s7] =	ssyncadd.s32 $0xFFFFF000  }
0x1e: {  	_ =	swait.ge [sflag:s7], $0x1000  }
0x1f: {  	[sflag:s7] =	ssyncset.done $0x0  }
0x20: {  	[sflag:s7] =	ssyncadd.s32 $0xFFFFF000  }
0x21: {  	_ =	swait.ge [sflag:s7], $0x1000  }
0x22: {  	[sflag:s7] =	ssyncset.done $0x0  }
0x23: {  	[sflag:s7] =	ssyncadd.s32 $0xFFFFF000  }
0x24: {  	_ =	swait.ge [sflag:s13], $0x1000  }
0x25: {  	[sflag:s13] =	ssyncset.done $0x0  }
0x26: {  	[sflag:s13] =	ssyncadd.s32 $0xFFFFF000  }
0x27: {  	_ =	swait.ge [sflag:s13], $0x1000  }
0x28: {  	[sflag:s13] =	ssyncset.done $0x0  }
0x29: {  	[sflag:s13] =	ssyncadd.s32 $0xFFFFF000  }
0x2a: {  	_ =	swait.ge [sflag:s13], $0x1000  }
0x2b: {  	[sflag:s13] =	ssyncset.done $0x0  }
0x2c: {  	[sflag:s13] =	ssyncadd.s32 $0xFFFFF000  }
0x2d: {  	_ =	swait.ge [sflag:s13], $0x1000  }
0x2e: {  	s14 =	sadd.s32 $0x1, s14;
	s20 =	rddreg [dreg:$0xc]  }
0x2f: {  	p0 =	sne.s32 s14, s20  }
.Ltmp1:
0x30: {  	_ = 	snop;
	(pc) =	sbr.rel @!p0 .LBB2_9-.Ltmp1, $3  }
0x31: {  	_ =	sdelay $0x1  }
0x32: {  	[sflag:s13] =	ssyncset.done $0x0  }
0x33: {  	[sflag:s13] =	ssyncadd.s32 $0xFFFFF000  }
.LBB2_1:
0x34: {  	s7 =	rddreg [dreg:$0x3];
	s15 =	simm.s32 $0x5  }
0x35: {  	[tilespmem:s19], [sflag:$0x5] =	stream.linear.gather [hbm4b:s7+s3], $0x80, $0x38;
	[tilespmem:$0x10080] =	vst v63  }
0x36: {  	_ =	swait.ge [sflag:s15], $0x80  }
0x37: {  	[sflag:s15] =	ssyncset.done $0x0  }
0x38: {  	s16 =	rddreg [dreg:$0x4];
	[sflag:s15] =	ssyncadd.s32 $0xFFFFFF80  }
0x39: {  	[tilespmem:s3], [sflag:$0x1] =	stream.linear.gather [hbm4b:s16+s3], $0x1000, $0x38;
	[tilespmem:$0x10080] =	vst v63  }
0x3a: {  	s12 =	simm.s32 $0x1000;
	s17 =	rddreg [dreg:$0x5]  }
0x3b: {  	[tilespmem:s12], [sflag:$0x1] =	stream.linear.gather [hbm4b:s17+s3], $0x1000, $0x38;
	[tilespmem:$0x10080] =	vst v63  }
0x3c: {  	s20 =	simm.s32 $0x2000;
	s18 =	rddreg [dreg:$0x6]  }
0x3d: {  	[tilespmem:s20], [sflag:$0x1] =	stream.linear.gather [hbm4b:s18+s3], $0x1000, $0x38;
	[tilespmem:$0x10080] =	vst v63  }
0x3e: {  	s15 =	simm.s32 $0x3000;
	s12 =	rddreg [dreg:$0x7]  }
0x3f: {  	[tilespmem:s15], [sflag:$0x1] =	stream.linear.gather [hbm4b:s12+s3], $0x1000, $0x38;
	[tilespmem:$0x10080] =	vst v63  }
0x40: {  	s16 =	rddreg [dreg:$0x8]  }
0x41: {  	[tilespmem:s24], [sflag:$0x2] =	stream.linear.gather [hbm4b:s16+s3], $0x1000, $0x38;
	[tilespmem:$0x10080] =	vst v63  }
0x42: {  	s17 =	rddreg [dreg:$0x9]  }
0x43: {  	[tilespmem:s25], [sflag:$0x2] =	stream.linear.gather [hbm4b:s17+s3], $0x1000, $0x38;
	[tilespmem:$0x10080] =	vst v63  }
0x44: {  	s18 =	rddreg [dreg:$0xa]  }
0x45: {  	[tilespmem:s26], [sflag:$0x2] =	stream.linear.gather [hbm4b:s18+s3], $0x1000, $0x38;
	[tilespmem:$0x10080] =	vst v63  }
0x46: {  	s20 =	rddreg [dreg:$0xb];
	s15 =	simm.s32 $0x0  }
0x47: {  	[tilespmem:s28], [sflag:$0x2] =	stream.linear.gather [hbm4b:s20+s3], $0x1000, $0x38;
	[tilespmem:$0x10080] =	vst v63  }
.LBB2_2:
0x48: {  	_ =	swait.ge [sflag:s29], $0x1000  }
0x49: {  	[sflag:s29] =	ssyncset.done $0x0  }
0x4a: {  	[sflag:s29] =	ssyncadd.s32 $0xFFFFF000  }
0x4b: {  	_ =	swait.ge [sflag:s29], $0x1000  }
0x4c: {  	[sflag:s29] =	ssyncset.done $0x0  }
0x4d: {  	[sflag:s29] =	ssyncadd.s32 $0xFFFFF000  }
0x4e: {  	_ =	swait.ge [sflag:s29], $0x1000  }
0x4f: {  	[sflag:s29] =	ssyncset.done $0x0  }
0x50: {  	[sflag:s29] =	ssyncadd.s32 $0xFFFFF000  }
0x51: {  	_ =	swait.ge [sflag:s29], $0x1000  }
0x52: {  	p0 =	seq.s32 s15, $0x0;
	[sflag:s29] =	ssyncset.done $0x0  }
0x53: {  	s7 =	simm.s32 @!p0 $0x3;
	[sflag:s29] =	ssyncadd.s32 $0xFFFFF000  }
0x54: {  	_ =	swait.ge @!p0 [sflag:s7], $0x1000  }
0x55: {  	[sflag:s7] =	ssyncset.done @!p0 $0x0  }
0x56: {  	[sflag:s7] =	ssyncadd.s32 @!p0 $0xFFFFF000  }
0x57: {  	_ =	swait.ge @!p0 [sflag:s7], $0x1000  }
0x58: {  	[sflag:s7] =	ssyncset.done @!p0 $0x0  }
0x59: {  	[sflag:s7] =	ssyncadd.s32 @!p0 $0xFFFFF000  }
0x5a: {  	_ =	swait.ge @!p0 [sflag:s7], $0x1000  }
0x5b: {  	[sflag:s7] =	ssyncset.done @!p0 $0x0  }
0x5c: {  	[sflag:s7] =	ssyncadd.s32 @!p0 $0xFFFFF000  }
0x5d: {  	_ =	swait.ge @!p0 [sflag:s7], $0x1000  }
0x5e: {  	[sflag:s7] =	ssyncset.done @!p0 $0x0  }
0x5f: {  	s18 =	simm.s32 $0x2000;
	[sflag:s7] =	ssyncadd.s32 @!p0 $0xFFFFF000  }
0x60: {  	v0 =	vld [tilespmem:s18+$0xFFFFE070]  }
0x61: {  	v1 =	vld [tilespmem:s18+$0xFFFFF070]  }
0x62: {  	v2 =	vld [tilespmem:s18+$0x70]  }
0x63: {  	v3 =	vld [tilespmem:s18+$0x1070];
	_ =	sdelay $0x2  }
0x64: {  	v4 =	vmax.f32 v0, v1  }
0x65: {  	v4 =	vmax.f32 v4, v2  }
0x66: {  	v4 =	vmax.f32 v4, v3  }
0x67: {  	v0 =	vsub.f32 v0, v4  }
0x68: {  	v1 =	vsub.f32 v1, v4  }
0x69: {  	v0 =	vmul.f32 $1.442695020e+00, v0  }
0x6a: {  	v2 =	vsub.f32 v2, v4;
	v1 =	vmul.f32 $1.442695020e+00, v1  }
0x6b: {  	(erf) = vpow2.f32 v0  }
0x6c: {  	v3 =	vsub.f32 v3, v4;
	v2 =	vmul.f32 $1.442695020e+00, v2;
	(erf) = vpow2.f32 v1;
	_ =	sdelay $0x1  }
0x6d: {  	v3 =	vmul.f32 $1.442695020e+00, v3;
	(erf) = vpow2.f32 v2;
	_ =	sdelay $0x1  }
0x6e: {  	(erf) = vpow2.f32 v3;
	_ =	sdelay $0x3  }
0x6f: {  	v15 =	vpop (erf)  }
0x70: {  	v17 =	vpop (erf)  }
0x71: {  	v5 =	vadd.f32 v17, v15  }
0x72: {  	v20 =	vpop (erf)  }
0x73: {  	v8 =	vld [tilespmem:s18+$0xFFFFF000];
	v5 =	vadd.f32 v5, v20  }
0x74: {  	v10 =	vld [tilespmem:s18+$0xFFFFE010];
	v23 =	vpop (erf)  }
0x75: {  	v11 =	vld [tilespmem:s18+$0xFFFFF030];
	v5 =	vadd.f32 v5, v23  }
0x76: {  	v12 =	vld [tilespmem:s18+$0xFFFFF040]  }
0x77: {  	v13 =	vld [tilespmem:s18+$0xFFFFE050];
	(erf) = vrcp.f32 v5  }
0x78: {  	v14 =	vld [tilespmem:s18+$0xFFFFF050]  }
0x79: {  	v16 =	vld [tilespmem:s18+$0xFFFFE060]  }
0x7a: {  	v18 =	vld [tilespmem:s18+$0xFFFFF060]  }
0x7b: {  	v19 =	vld [tilespmem:s18+$0xFFFFE000]  }
0x7c: {  	v21 =	vld [tilespmem:s18+$0x0]  }
0x7d: {  	v0 =	vld [tilespmem:s18+$0xFFFFF010]  }
0x7e: {  	v22 =	vld [tilespmem:s18+$0x10]  }
0x7f: {  	v7 =	vld [tilespmem:s18+$0x1010]  }
0x80: {  	v26 =	vld [tilespmem:s18+$0x20];
	v36 =	vpop (erf)  }
0x81: {  	v27 =	vld [tilespmem:s18+$0x30];
	v15 =	vmul.f32 v36, v15  }
0x82: {  	v28 =	vld [tilespmem:s18+$0x40];
	v9 =	vmax.f32 v10, v0  }
0x83: {  	v29 =	vld [tilespmem:s18+$0x50];
	v34 =	vmax.f32 v9, v22;
	v15 =	vmul.f32 $1.500000000e+01, v15  }
0x84: {  	v59 =	vld [tilespmem:s18+$0x1050];
	v34 =	vmax.f32 v34, v7  }
0x85: {  	v4 =	vld [tilespmem:s18+$0xFFFFF020];
	v38 =	vsub.f32 v0, v34;
	v0 =	vmul.f32 v36, v20;
	v15 =	vtrunc.f32 v15  }
0x86: {  	v1 =	vld [tilespmem:s18+$0xFFFFE020];
	v17 =	vmul.f32 v36, v17;
	v15 =	vcvt.f32.s32 v15  }
0x87: {  	v31 =	vmax.f32 v13, v14;
	v32 =	vmax.f32 v19, v8;
	v2 =	vld [tilespmem:s18+$0xFFFFE030];
	v0 =	vmul.f32 $1.500000000e+01, v0  }
0x88: {  	v33 =	vmax.f32 v16, v18;
	v3 =	vld [tilespmem:s18+$0xFFFFE040];
	v17 =	vmul.f32 $1.500000000e+01, v17;
	vm0 =	vlt.s32 v15, $0xE  }
0x89: {  	v35 =	vld [tilespmem:s18+$0x1030];
	v32 =	vmax.f32 v32, v21;
	v0 =	vtrunc.f32 v0;
	v15 =	vnsel vm0, $0xE, v15  }
0x8a: {  	v31 =	vmax.f32 v31, v29;
	v5 =	vld [tilespmem:s18+$0x1000];
	v17 =	vtrunc.f32 v17;
	v0 =	vcvt.f32.s32 v0  }
0x8b: {  	v37 =	vld [tilespmem:s18+$0x1040];
	v61 =	vmax.f32 v31, v59;
	v24 =	vmax.f32 v1, v4;
	v17 =	vcvt.f32.s32 v17  }
0x8c: {  	v9 =	vld [tilespmem:s18+$0x1020];
	v25 =	vmax.f32 v2, v11;
	v24 =	vmax.f32 v24, v26;
	vm15 =	vlt.s32 v0, $0xE  }
0x8d: {  	v30 =	vmax.f32 v3, v12;
	vm1 =	vlt.s32 v17, $0xE;
	v0 =	vnsel vm15, $0xE, v0  }
0x8e: {  	v57 =	vmul.f32 v36, v23;
	v17 =	vnsel vm1, $0xE, v17;
	v60 =	vadd.s32 $0x20, v0;
	v0 =	vld.idx.msk [tilespmem:v15+s19+$0x0], $0xffff  }
0x8f: {  	v25 =	vmax.f32 v25, v27;
	v32 =	vmax.f32 v32, v5;
	v17 =	vadd.s32 $0x10, v17  }
0x90: {  	v30 =	vmax.f32 v30, v28;
	v19 =	vsub.f32 v19, v32;
	v20 =	vmul.f32 $1.500000000e+01, v57  }
0x91: {  	v58 =	vmax.f32 v25, v35;
	v30 =	vmax.f32 v30, v37;
	v39 =	vmax.f32 v24, v9  }
0x92: {  	v6 =	vld [tilespmem:s18+$0x60];
	v24 =	vsub.f32 v3, v30;
	v3 =	vmul.f32 $1.442695020e+00, v19;
	v20 =	vtrunc.f32 v20  }
0x93: {  	v40 =	vld [tilespmem:s18+$0x1060];
	v10 =	vsub.f32 v10, v34;
	v2 =	vsub.f32 v2, v58;
	v20 =	vcvt.f32.s32 v20;
	[tilespmem:$0x1FDD0] =	vst v0  }
0x94: {  	v11 =	vsub.f32 v11, v58;
	v8 =	vsub.f32 v8, v32;
	(erf) = vpow2.f32 v3;
	v3 =	vld.idx.msk [tilespmem:v17+s19+$0x0], $0xffff  }
0x95: {  	v10 =	vmul.f32 $1.442695020e+00, v10;
	v31 =	vmul.f32 $1.442695020e+00, v38;
	vm4 =	vlt.s32 v20, $0xE  }
0x96: {  	v25 =	vsub.f32 v12, v30;
	v8 =	vmul.f32 $1.442695020e+00, v8;
	v12 =	vnsel vm4, $0xE, v20  }
0x97: {  	v1 =	vsub.f32 v1, v39;
	v2 =	vmul.f32 $1.442695020e+00, v2;
	v15 =	vadd.s32 $0x30, v12  }
0x98: {  	v4 =	vsub.f32 v4, v39;
	v11 =	vmul.f32 $1.442695020e+00, v11;
	(erf) = vpow2.f32 v8  }
0x99: {  	v1 =	vmul.f32 $1.442695020e+00, v1;
	v8 =	vsub.f32 v13, v61;
	(erf) = vpow2.f32 v10;
	[tilespmem:$0x1FDE0] =	vst v3  }
0x9a: {  	v4 =	vmul.f32 $1.442695020e+00, v4;
	v10 =	vsub.f32 v14, v61;
	(erf) = vpow2.f32 v31;
	v12 =	vld.idx.msk [tilespmem:v60+s19+$0x0], $0xffff  }
0x9b: {  	v33 =	vmax.f32 v33, v6;
	v8 =	vmul.f32 $1.442695020e+00, v8;
	(erf) = vpow2.f32 v1  }
0x9c: {  	v13 =	vmax.f32 v33, v40;
	v10 =	vmul.f32 $1.442695020e+00, v10;
	(erf) = vpow2.f32 v4;
	v19 =	vld.idx.msk [tilespmem:v15+s19+$0x0], $0xffff  }
0x9d: {  	v4 =	vmul.f32 $1.442695020e+00, v24;
	(erf) = vpow2.f32 v2;
	v14 =	vadd.f32 v3, v0  }
0x9e: {  	v1 =	vsub.f32 v16, v13;
	(erf) = vpow2.f32 v11;
	v15 =	vmul.f32 $1.442695020e+00, v25  }
0x9f: {  	v2 =	vsub.f32 v18, v13;
	(erf) = vpow2.f32 v4;
	v11 =	vadd.f32 v12, v14  }
0xa0: {  	v1 =	vmul.f32 $1.442695020e+00, v1;
	v4 =	vsub.f32 v21, v32;
	v24 =	vpop (erf);
	(erf) = vpow2.f32 v15  }
0xa1: {  	v2 =	vmul.f32 $1.442695020e+00, v2;
	v25 =	vpop (erf);
	(erf) = vpow2.f32 v8;
	v11 =	vadd.f32 v19, v11  }
0xa2: {  	v31 =	vpop (erf);
	v8 =	vsub.f32 v22, v34;
	(erf) = vpow2.f32 v10;
	v10 =	vsub.f32 v26, v39  }
0xa3: {  	v16 =	vpop (erf);
	(erf) = vpow2.f32 v1;
	v1 =	vmul.f32 $1.442695020e+00, v4;
	vm5 =	veq.f32 v11, $0.0e+00  }
0xa4: {  	v62 =	vpop (erf);
	v8 =	vmul.f32 $1.442695020e+00, v8;
	(erf) = vpow2.f32 v2;
	v14 =	vsel vm5, $0x3F800000, v11  }
0xa5: {  	v2 =	vsub.f32 v27, v58;
	v10 =	vmul.f32 $1.442695020e+00, v10;
	v11 =	vpop (erf);
	(erf) = vrcp.f32 v14  }
0xa6: {  	v14 =	vsub.f32 v28, v30;
	(erf) = vpow2.f32 v1;
	v63 =	vpop (erf)  }
0xa7: {  	v15 =	vsub.f32 v29, v61;
	v21 =	vmul.f32 $1.442695020e+00, v2;
	(erf) = vpow2.f32 v8;
	v27 =	vpop (erf)  }
0xa8: {  	v8 =	vsub.f32 v6, v13;
	v14 =	vmul.f32 $1.442695020e+00, v14;
	(erf) = vpow2.f32 v10;
	v4 =	vpop (erf)  }
0xa9: {  	v5 =	vsub.f32 v5, v32;
	v15 =	vmul.f32 $1.442695020e+00, v15;
	(erf) = vpow2.f32 v21;
	v10 =	vpop (erf)  }
0xaa: {  	v7 =	vsub.f32 v7, v34;
	v32 =	vmul.f32 $1.442695020e+00, v8;
	(erf) = vpow2.f32 v14;
	v2 =	vpop (erf)  }
0xab: {  	v34 =	vmul.f32 $1.442695020e+00, v5;
	[tilespmem:$0x1FDF0] =	vst v62;
	v14 =	vsub.f32 v9, v39;
	v3 =	vpop (erf);
	(erf) = vpow2.f32 v15  }
0xac: {  	[tilespmem:$0x1FE00] =	vst v63;
	v15 =	vsub.f32 v35, v58;
	v35 =	vmul.f32 $1.442695020e+00, v7;
	v0 =	vpop (erf);
	(erf) = vpow2.f32 v32  }
0xad: {  	v38 =	vsub.f32 v59, v61;
	[tilespmem:$0x1FE10] =	vst v27;
	v14 =	vmul.f32 $1.442695020e+00, v14;
	(erf) = vpow2.f32 v34;
	v1 =	vpop (erf)  }
0xae: {  	v37 =	vsub.f32 v37, v30;
	v13 =	vsub.f32 v40, v13;
	[tilespmem:$0x1FE50] =	vst v4;
	(erf) = vpow2.f32 v35;
	v26 =	vpop (erf)  }
0xaf: {  	[tilespmem:$0x1FEA0] =	vst v2;
	v15 =	vmul.f32 $1.442695020e+00, v15;
	v40 =	vpop (erf);
	(erf) = vpow2.f32 v14  }
0xb0: {  	v17 =	vmul.f32 $1.442695020e+00, v37;
	v13 =	vmul.f32 $1.442695020e+00, v13;
	[tilespmem:$0x1FEC0] =	vst v3;
	v39 =	vpop (erf)  }
0xb1: {  	[tilespmem:$0x1FED0] =	vst v0;
	v14 =	vmul.f32 $1.442695020e+00, v38;
	(erf) = vpow2.f32 v15;
	v38 =	vpop (erf)  }
0xb2: {  	s20 =	simm.s32 $0x2080;
	v43 =	vadd.f32 v25, v24;
	v45 =	vadd.f32 v11, v62;
	[tilespmem:$0x1FEE0] =	vst v1;
	(erf) = vpow2.f32 v17;
	v32 =	vpop (erf)  }
0xb3: {  	v44 =	vadd.f32 v16, v31;
	v46 =	vadd.f32 v27, v63;
	v27 =	vld [tilespmem:s20+$0xFFFFE070];
	(erf) = vpow2.f32 v14;
	v9 =	vpop (erf)  }
0xb4: {  	v47 =	vadd.f32 v10, v4;
	v29 =	vld [tilespmem:s20+$0xFFFFF070];
	(erf) = vpow2.f32 v13;
	v15 =	vpop (erf)  }
0xb5: {  	v48 =	vadd.f32 v3, v2;
	v30 =	vld [tilespmem:s20+$0x70];
	v20 =	vadd.f32 v43, v40;
	v13 =	vpop (erf)  }
0xb6: {  	v18 =	vadd.f32 v44, v39;
	v17 =	vadd.f32 v45, v38;
	v45 =	vpop (erf)  }
0xb7: {  	v28 =	vadd.f32 v1, v0;
	v49 =	vld [tilespmem:s20+$0x1070];
	v20 =	vadd.f32 v20, v45;
	v44 =	vpop (erf)  }
0xb8: {  	v21 =	vadd.f32 v46, v32;
	v18 =	vadd.f32 v18, v44;
	v42 =	vpop (erf)  }
0xb9: {  	v22 =	vadd.f32 v47, v9;
	v50 =	vmax.f32 v27, v29;
	v17 =	vadd.f32 v17, v42  }
0xba: {  	v23 =	vadd.f32 v48, v15;
	v34 =	vmax.f32 v50, v30;
	(erf) = vrcp.f32 v20;
	v41 =	vpop (erf)  }
0xbb: {  	v28 =	vadd.f32 v28, v13;
	v21 =	vadd.f32 v21, v41;
	(erf) = vrcp.f32 v18;
	v20 =	vpop (erf)  }
0xbc: {  	v34 =	vmax.f32 v34, v49;
	(erf) = vrcp.f32 v17;
	v22 =	vadd.f32 v22, v20;
	v18 =	vpop (erf)  }
0xbd: {  	v51 =	vsub.f32 v27, v34;
	(erf) = vrcp.f32 v21;
	v23 =	vadd.f32 v23, v18;
	v17 =	vpop (erf)  }
0xbe: {  	v52 =	vsub.f32 v29, v34;
	v27 =	vadd.f32 v28, v17;
	(erf) = vrcp.f32 v22  }
0xbf: {  	v21 =	vmul.f32 $1.442695020e+00, v51;
	(erf) = vrcp.f32 v23  }
0xc0: {  	v53 =	vsub.f32 v30, v34;
	v22 =	vmul.f32 $1.442695020e+00, v52;
	(erf) = vrcp.f32 v27  }
0xc1: {  	(erf) = vpow2.f32 v21  }
0xc2: {  	v55 =	vsub.f32 v49, v34;
	v54 =	vmul.f32 $1.442695020e+00, v53;
	(erf) = vpow2.f32 v22  }
0xc3: {  	v60 =	vpop (erf)  }
0xc4: {  	v62 =	vmul.f32 $1.442695020e+00, v55;
	v59 =	vpop (erf);
	(erf) = vpow2.f32 v54  }
0xc5: {  	v51 =	vpop (erf)  }
0xc6: {  	(erf) = vpow2.f32 v62;
	v47 =	vpop (erf)  }
0xc7: {  	v23 =	vpop (erf)  }
0xc8: {  	v22 =	vpop (erf)  }
0xc9: {  	v21 =	vpop (erf)  }
0xca: {  	v29 =	vpop (erf)  }
0xcb: {  	v36 =	vld [tilespmem:s20+$0xFFFFF000];
	v30 =	vpop (erf)  }
0xcc: {  	v49 =	vld [tilespmem:s20+$0xFFFFE000];
	v27 =	vadd.f32 v30, v29  }
0xcd: {  	v50 =	vld [tilespmem:s20+$0x0];
	v34 =	vpop (erf)  }
0xce: {  	v28 =	vld [tilespmem:s20+$0x1000];
	v27 =	vadd.f32 v27, v34  }
0xcf: {  	v35 =	vpop (erf)  }
0xd0: {  	v27 =	vadd.f32 v27, v35  }
0xd1: {  	v56 =	vmax.f32 v49, v36  }
0xd2: {  	v56 =	vmax.f32 v56, v50;
	(erf) = vrcp.f32 v27  }
0xd3: {  	v33 =	vmax.f32 v56, v28;
	v11 =	vmul.f32 v51, v11  }
0xd4: {  	v12 =	vmul.f32 v26, v12;
	v49 =	vsub.f32 v49, v33;
	v36 =	vsub.f32 v36, v33  }
0xd5: {  	v42 =	vmul.f32 v51, v42;
	v11 =	vmul.f32 $1.500000000e+01, v11  }
0xd6: {  	v49 =	vmul.f32 $1.442695020e+00, v49;
	v36 =	vmul.f32 $1.442695020e+00, v36  }
0xd7: {  	v37 =	vld [tilespmem:s20+$0xFFFFE010];
	v20 =	vmul.f32 v23, v20;
	v11 =	vtrunc.f32 v11  }
0xd8: {  	v43 =	vld [tilespmem:s20+$0xFFFFF010];
	v15 =	vmul.f32 v22, v15;
	v18 =	vmul.f32 v22, v18  }
0xd9: {  	v46 =	vld [tilespmem:s20+$0xFFFFE020];
	v11 =	vcvt.f32.s32 v11;
	v13 =	vmul.f32 v21, v13  }
0xda: {  	v48 =	vld [tilespmem:s20+$0xFFFFF020];
	v17 =	vmul.f32 v21, v17;
	(erf) = vpow2.f32 v49  }
0xdb: {  	v53 =	vld [tilespmem:s20+$0x20];
	v20 =	vmul.f32 $1.500000000e+01, v20;
	(erf) = vpow2.f32 v36;
	v54 =	vpop (erf)  }
0xdc: {  	v52 =	vld [tilespmem:s20+$0x10];
	v29 =	vmul.f32 v54, v29;
	v30 =	vmul.f32 v54, v30  }
0xdd: {  	v27 =	vld [tilespmem:s20+$0x1010];
	v34 =	vmul.f32 v54, v34;
	v35 =	vmul.f32 v54, v35  }
0xde: {  	v63 =	vmax.f32 v37, v43;
	v29 =	vmul.f32 $1.500000000e+01, v29;
	v30 =	vmul.f32 $1.500000000e+01, v30  }
0xdf: {  	v55 =	vmax.f32 v46, v48;
	v34 =	vmul.f32 $1.500000000e+01, v34;
	v35 =	vmul.f32 $1.500000000e+01, v35  }
0xe0: {  	v4 =	vld [tilespmem:s20+$0x30];
	v55 =	vmax.f32 v55, v53;
	v58 =	vtrunc.f32 v29;
	v61 =	vtrunc.f32 v30  }
0xe1: {  	v8 =	vld [tilespmem:s20+$0x1030];
	v57 =	vmax.f32 v63, v52;
	v34 =	vtrunc.f32 v34;
	v35 =	vtrunc.f32 v35  }
0xe2: {  	v56 =	vld [tilespmem:s20+$0xFFFFE030];
	v29 =	vmax.f32 v57, v27;
	v57 =	vcvt.f32.s32 v58;
	v58 =	vcvt.f32.s32 v61  }
0xe3: {  	v30 =	vld [tilespmem:s20+$0x1020];
	v37 =	vsub.f32 v37, v29;
	v43 =	vsub.f32 v43, v29;
	v34 =	vcvt.f32.s32 v34  }
0xe4: {  	v61 =	vld [tilespmem:s20+$0xFFFFF030];
	v35 =	vcvt.f32.s32 v35;
	vm6 =	vlt.s32 v57, $0xE;
	vm7 =	vlt.s32 v58, $0xE  }
0xe5: {  	v7 =	vld [tilespmem:s20+$0x1040];
	v37 =	vmul.f32 $1.442695020e+00, v37;
	v43 =	vmul.f32 $1.442695020e+00, v43;
	vm8 =	vlt.s32 v34, $0xE  }
0xe6: {  	v63 =	vld [tilespmem:s20+$0xFFFFF040];
	vm9 =	vlt.s32 v35, $0xE;
	v54 =	vnsel vm6, $0xE, v57;
	v57 =	vnsel vm7, $0xE, v58  }
0xe7: {  	v62 =	vld [tilespmem:s20+$0xFFFFE040];
	v34 =	vnsel vm8, $0xE, v34;
	v35 =	vnsel vm9, $0xE, v35;
	v57 =	vadd.s32 $0x10, v57  }
0xe8: {  	v3 =	vmax.f32 v55, v30;
	v55 =	vld [tilespmem:s20+$0x40];
	(erf) = vpow2.f32 v37;
	v34 =	vadd.s32 $0x20, v34  }
0xe9: {  	v6 =	vld [tilespmem:s20+$0x1050];
	v35 =	vadd.s32 $0x30, v35;
	v46 =	vsub.f32 v46, v3;
	v49 =	vmax.f32 v56, v61  }
0xea: {  	v58 =	vld [tilespmem:s20+$0xFFFFE050];
	(erf) = vpow2.f32 v43;
	v53 =	vsub.f32 v53, v3;
	v43 =	vmax.f32 v49, v4  }
0xeb: {  	v49 =	vld [tilespmem:s20+$0xFFFFF050];
	v46 =	vmul.f32 $1.442695020e+00, v46;
	v2 =	vmax.f32 v43, v8;
	v43 =	vsub.f32 v48, v3  }
0xec: {  	v3 =	vsub.f32 v30, v3;
	v36 =	vld.idx.msk [tilespmem:v54+s19+$0x0], $0xffff;
	v54 =	vmax.f32 v62, v63;
	v48 =	vsub.f32 v56, v2  }
0xed: {  	v56 =	vld [tilespmem:s20+$0xFFFFF060];
	v4 =	vsub.f32 v4, v2;
	(erf) = vpow2.f32 v46;
	v46 =	vmax.f32 v54, v55  }
0xee: {  	v37 =	vld.idx.msk [tilespmem:v57+s19+$0x0], $0xffff;
	v57 =	vsub.f32 v61, v2;
	v43 =	vmul.f32 $1.442695020e+00, v43;
	v3 =	vmul.f32 $1.442695020e+00, v3  }
0xef: {  	v61 =	vld [tilespmem:s20+$0x50];
	v2 =	vsub.f32 v8, v2;
	v8 =	vmul.f32 v60, v25;
	v48 =	vmul.f32 $1.442695020e+00, v48  }
0xf0: {  	v54 =	vld [tilespmem:s20+$0xFFFFE060];
	v1 =	vmax.f32 v46, v7;
	v4 =	vmul.f32 $1.442695020e+00, v4;
	(erf) = vpow2.f32 v43  }
0xf1: {  	v46 =	vsub.f32 v62, v1;
	v62 =	vld [tilespmem:s20+$0x60];
	v43 =	vmul.f32 $1.442695020e+00, v57;
	v2 =	vmul.f32 $1.442695020e+00, v2  }
0xf2: {  	v50 =	vsub.f32 v50, v33;
	v8 =	vmul.f32 $1.500000000e+01, v8;
	(erf) = vpow2.f32 v48  }
0xf3: {  	v5 =	vld [tilespmem:s20+$0x1060];
	v57 =	vmax.f32 v58, v49;
	v46 =	vmul.f32 $1.442695020e+00, v46;
	(erf) = vpow2.f32 v43  }
0xf4: {  	v8 =	vtrunc.f32 v8;
	v48 =	vmax.f32 v57, v61;
	v57 =	vsub.f32 v63, v1  }
0xf5: {  	v43 =	vld.idx.msk [tilespmem:v34+s19+$0x0], $0xffff;
	v8 =	vcvt.f32.s32 v8;
	v63 =	vmax.f32 v48, v6;
	v48 =	vmax.f32 v54, v56  }
0xf6: {  	(erf) = vpow2.f32 v46;
	v46 =	vld.idx.msk [tilespmem:v35+s19+$0x0], $0xffff;
	[tilespmem:$0x1FFF0] =	vst v12;
	v12 =	vmul.f32 v59, v31;
	v34 =	vmax.f32 v48, v62  }
0xf7: {  	v48 =	vsub.f32 v58, v63;
	v57 =	vmul.f32 $1.442695020e+00, v57;
	v35 =	vsub.f32 v49, v63  }
0xf8: {  	v6 =	vsub.f32 v6, v63;
	v0 =	vmax.f32 v34, v5;
	v34 =	vadd.f32 v37, v36  }
0xf9: {  	v12 =	vmul.f32 $1.500000000e+01, v12;
	(erf) = vpow2.f32 v57;
	v57 =	vsub.f32 v54, v0  }
0xfa: {  	v48 =	vmul.f32 $1.442695020e+00, v48;
	v35 =	vmul.f32 $1.442695020e+00, v35;
	v34 =	vadd.f32 v43, v34  }
0xfb: {  	v58 =	vsub.f32 v56, v0;
	v6 =	vmul.f32 $1.442695020e+00, v6;
	v49 =	vmul.f32 $1.442695020e+00, v57  }
0xfc: {  	v12 =	vtrunc.f32 v12;
	(erf) = vpow2.f32 v48;
	v34 =	vadd.f32 v46, v34  }
0xfd: {  	v56 =	vmul.f32 $1.442695020e+00, v58;
	v57 =	vsub.f32 v52, v29;
	(erf) = vpow2.f32 v35  }
0xfe: {  	v58 =	vmul.f32 $1.442695020e+00, v50;
	v48 =	vpop (erf);
	(erf) = vpow2.f32 v49;
	vm10 =	veq.f32 v34, $0.0e+00  }
0xff: {  	v35 =	vsub.f32 v55, v1;
	v49 =	vpop (erf);
	(erf) = vpow2.f32 v56;
	v34 =	vsel vm10, $0x3F800000, v34  }
0x100: {  	v14 =	vld [tilespmem:$0x1FDD0];
	v57 =	vmul.f32 $1.442695020e+00, v57;
	v50 =	vpop (erf);
	(erf) = vrcp.f32 v34;
	v34 =	vsub.f32 v61, v63  }
0x101: {  	v61 =	vsub.f32 v62, v0;
	v52 =	vpop (erf);
	(erf) = vpow2.f32 v58;
	v58 =	vmul.f32 $1.442695020e+00, v53  }
0x102: {  	v35 =	vmul.f32 $1.442695020e+00, v35;
	v53 =	vpop (erf);
	(erf) = vpow2.f32 v57  }
0x103: {  	v62 =	vmul.f32 $1.442695020e+00, v61;
	v54 =	vpop (erf);
	(erf) = vpow2.f32 v58  }
0x104: {  	v55 =	vpop (erf);
	(erf) = vpow2.f32 v4;
	v4 =	vmul.f32 $1.442695020e+00, v34  }
0x105: {  	v28 =	vsub.f32 v28, v33;
	v34 =	vmul.f32 v26, v14;
	v14 =	vld [tilespmem:$0x1FDE0];
	v57 =	vpop (erf);
	(erf) = vpow2.f32 v35  }
0x106: {  	vm2 =	vlt.s32 v11, $0xE;
	v35 =	vmul.f32 v26, v19;
	v19 =	vmul.f32 v60, v40;
	v56 =	vpop (erf)  }
0x107: {  	v27 =	vsub.f32 v27, v29;
	(erf) = vpow2.f32 v4;
	v4 =	vmul.f32 $1.442695020e+00, v28;
	v58 =	vpop (erf)  }
0x108: {  	v11 =	vnsel vm2, $0xE, v11;
	(erf) = vpow2.f32 v62;
	v19 =	vmul.f32 $1.500000000e+01, v19;
	v29 =	vpop (erf)  }
0x109: {  	v11 =	vadd.s32 $0x10, v11;
	(erf) = vpow2.f32 v4;
	v4 =	vmul.f32 $1.442695020e+00, v27;
	v30 =	vpop (erf)  }
0x10a: {  	v7 =	vsub.f32 v7, v1;
	v12 =	vcvt.f32.s32 v12;
	v14 =	vmul.f32 v26, v14;
	v26 =	vpop (erf)  }
0x10b: {  	vm11 =	vlt.s32 v8, $0xE;
	v19 =	vtrunc.f32 v19;
	(erf) = vpow2.f32 v4;
	v33 =	vpop (erf)  }
0x10c: {  	v8 =	vnsel vm11, $0xE, v8;
	v4 =	vmul.f32 v60, v24;
	v19 =	vcvt.f32.s32 v19;
	v1 =	vpop (erf)  }
0x10d: {  	v5 =	vsub.f32 v5, v0;
	(erf) = vpow2.f32 v3;
	v3 =	vmul.f32 $1.442695020e+00, v7;
	v62 =	vpop (erf)  }
0x10e: {  	v8 =	vadd.s32 $0x10, v8;
	v7 =	vmul.f32 v60, v45;
	v61 =	vpop (erf);
	(erf) = vpow2.f32 v2  }
0x10f: {  	vm14 =	vlt.s32 v12, $0xE;
	v0 =	vpop (erf);
	(erf) = vpow2.f32 v3;
	v3 =	vmul.f32 $1.442695020e+00, v5  }
0x110: {  	v63 =	vadd.f32 v52, v50;
	v4 =	vmul.f32 $1.500000000e+01, v4;
	(erf) = vpow2.f32 v6  }
0x111: {  	v28 =	vmul.f32 v59, v44;
	vm4 =	vlt.s32 v19, $0xE;
	(erf) = vpow2.f32 v3;
	v3 =	vld [tilespmem:$0x1FDF0]  }
0x112: {  	v7 =	vmul.f32 $1.500000000e+01, v7;
	v19 =	vnsel vm4, $0xE, v19;
	v4 =	vtrunc.f32 v4;
	v45 =	vpop (erf)  }
0x113: {  	v2 =	vadd.f32 v49, v48;
	v5 =	vmul.f32 v59, v16;
	v4 =	vcvt.f32.s32 v4;
	v25 =	vpop (erf)  }
0x114: {  	v16 =	vadd.f32 v54, v53;
	v7 =	vtrunc.f32 v7;
	v6 =	vmul.f32 v59, v39;
	v40 =	vpop (erf)  }
0x115: {  	[tilespmem:$0x1FFE0] =	vst v14;
	v14 =	vld [tilespmem:$0x1FE00];
	v2 =	vadd.f32 v2, v62;
	v39 =	vadd.f32 v57, v55;
	v5 =	vmul.f32 $1.500000000e+01, v5;
	v31 =	vpop (erf)  }
0x116: {  	v7 =	vcvt.f32.s32 v7;
	v24 =	vpop (erf);
	v59 =	vmul.f32 v51, v3;
	v3 =	vadd.f32 v63, v61  }
0x117: {  	v6 =	vmul.f32 $1.500000000e+01, v6;
	v5 =	vtrunc.f32 v5;
	v2 =	vadd.f32 v2, v24;
	v44 =	vpop (erf)  }
0x118: {  	v16 =	vadd.f32 v16, v0;
	v5 =	vcvt.f32.s32 v5;
	v60 =	vadd.f32 v3, v44  }
0x119: {  	vm13 =	vlt.s32 v4, $0xE;
	v6 =	vtrunc.f32 v6;
	(erf) = vrcp.f32 v2  }
0x11a: {  	v4 =	vnsel vm13, $0xE, v4;
	(erf) = vrcp.f32 v60;
	v60 =	vmul.f32 v47, v14;
	v14 =	vld [tilespmem:$0x1FE10]  }
0x11b: {  	vm5 =	vlt.s32 v7, $0xE;
	v6 =	vcvt.f32.s32 v6;
	vm12 =	vlt.s32 v5, $0xE  }
0x11c: {  	v63 =	vmul.f32 v51, v38;
	v2 =	vadd.f32 v39, v45;
	v5 =	vnsel vm12, $0xE, v5;
	v3 =	vpop (erf)  }
0x11d: {  	v51 =	vmul.f32 v47, v32;
	v5 =	vadd.s32 $0x10, v5;
	v16 =	vadd.f32 v16, v3;
	v38 =	vpop (erf)  }
0x11e: {  	v32 =	vadd.f32 v2, v38;
	v2 =	vmul.f32 v47, v41;
	v41 =	vmul.f32 $1.500000000e+01, v59  }
0x11f: {  	v7 =	vnsel vm5, $0xE, v7;
	v59 =	vmul.f32 $1.500000000e+01, v42;
	v39 =	vmul.f32 v47, v14;
	v14 =	vld.idx.msk [tilespmem:v11+s19+$0x0], $0xffff  }
0x120: {  	v42 =	vnsel vm14, $0xE, v12;
	v12 =	vadd.s32 $0x20, v19;
	(erf) = vrcp.f32 v16  }
0x121: {  	vm6 =	vlt.s32 v6, $0xE;
	v16 =	vtrunc.f32 v41;
	v47 =	vmul.f32 $1.500000000e+01, v63  }
0x122: {  	v16 =	vcvt.f32.s32 v16;
	v63 =	vld.idx.msk [tilespmem:v5+s19+$0x0], $0xffff;
	v5 =	vnsel vm6, $0xE, v6;
	v6 =	vadd.s32 $0x30, v7  }
0x123: {  	v28 =	vmul.f32 $1.500000000e+01, v28;
	v41 =	vtrunc.f32 v59;
	v59 =	vld.idx.msk [tilespmem:v4+s19+$0x0], $0xffff;
	v4 =	vadd.s32 $0x20, v5  }
0x124: {  	(erf) = vrcp.f32 v32;
	v32 =	vtrunc.f32 v47;
	vm15 =	vlt.s32 v16, $0xE;
	v47 =	vld.idx.msk [tilespmem:v8+s19+$0x0], $0xffff;
	[tilespmem:$0x1FE20] =	vst v14  }
0x125: {  	v15 =	vmul.f32 $1.500000000e+01, v15;
	v5 =	vadd.f32 v58, v56;
	v16 =	vnsel vm15, $0xE, v16;
	v27 =	vld.idx.msk [tilespmem:v12+s19+$0x0], $0xffff  }
0x126: {  	v28 =	vtrunc.f32 v28;
	v32 =	vcvt.f32.s32 v32;
	v12 =	vld.idx.msk [tilespmem:v42+s19+$0x0], $0xffff  }
0x127: {  	v18 =	vmul.f32 $1.500000000e+01, v18;
	v8 =	vcvt.f32.s32 v28;
	v5 =	vadd.f32 v5, v25;
	v19 =	vld.idx.msk [tilespmem:v6+s19+$0x0], $0xffff  }
0x128: {  	v13 =	vmul.f32 $1.500000000e+01, v13;
	v7 =	vcvt.f32.s32 v41;
	vm8 =	vlt.s32 v32, $0xE;
	v42 =	vpop (erf);
	v41 =	vld.idx.msk [tilespmem:v4+s19+$0x0], $0xffff;
	[tilespmem:$0x1FE40] =	vst v59  }
0x129: {  	vm7 =	vlt.s32 v8, $0xE;
	v11 =	vnsel vm8, $0xE, v32;
	v5 =	vadd.f32 v5, v42;
	[tilespmem:$0x1FE30] =	vst v47  }
0x12a: {  	v17 =	vmul.f32 $1.500000000e+01, v17;
	v8 =	vnsel vm7, $0xE, v8;
	v28 =	vadd.s32 $0x20, v11;
	v11 =	vld.idx.msk [tilespmem:v16+s19+$0x0], $0xffff  }
0x12b: {  	v20 =	vtrunc.f32 v20;
	v8 =	vadd.s32 $0x30, v8;
	(erf) = vrcp.f32 v5;
	v5 =	vld [tilespmem:$0x1FE50]  }
0x12c: {  	v15 =	vtrunc.f32 v15;
	vm9 =	vlt.s32 v7, $0xE;
	v32 =	vadd.f32 v30, v29  }
0x12d: {  	v18 =	vtrunc.f32 v18;
	v13 =	vtrunc.f32 v13;
	v7 =	vnsel vm9, $0xE, v7  }
0x12e: {  	v7 =	vadd.s32 $0x30, v7;
	v4 =	vadd.f32 v32, v40;
	v32 =	vadd.f32 v47, v59  }
0x12f: {  	v15 =	vcvt.f32.s32 v15;
	v46 =	vmul.f32 v1, v46;
	v6 =	vadd.f32 v33, v26;
	v59 =	vpop (erf);
	[tilespmem:$0x1FE60] =	vst v11  }
0x130: {  	v2 =	vmul.f32 $1.500000000e+01, v2;
	v4 =	vadd.f32 v4, v59;
	v47 =	vmul.f32 v23, v5;
	v16 =	vld.idx.msk [tilespmem:v8+s19+$0x0], $0xffff;
	[tilespmem:$0x1FE70] =	vst v27  }
0x131: {  	v13 =	vcvt.f32.s32 v13;
	v5 =	vadd.f32 v6, v31;
	v8 =	vadd.f32 v27, v32;
	v27 =	vld.idx.msk [tilespmem:v28+s19+$0x0], $0xffff;
	[tilespmem:$0x1FE80] =	vst v63  }
0x132: {  	v2 =	vtrunc.f32 v2;
	(erf) = vrcp.f32 v4;
	v32 =	vpop (erf);
	[tilespmem:$0x1FE90] =	vst v12;
	v28 =	vadd.f32 v63, v12  }
0x133: {  	v6 =	vmul.f32 v23, v10;
	v5 =	vadd.f32 v5, v32;
	v4 =	vadd.f32 v19, v8;
	v12 =	vld.idx.msk [tilespmem:v7+s19+$0x0], $0xffff  }
0x134: {  	v2 =	vcvt.f32.s32 v2;
	v10 =	vmul.f32 v23, v9;
	v7 =	vld [tilespmem:$0x1FEC0];
	v8 =	vadd.f32 v14, v11  }
0x135: {  	v6 =	vmul.f32 $1.500000000e+01, v6;
	(erf) = vrcp.f32 v5;
	v5 =	vld [tilespmem:$0x1FEA0];
	vm10 =	veq.f32 v4, $0.0e+00  }
0x136: {  	v63 =	vmul.f32 v1, v43;
	v10 =	vmul.f32 $1.500000000e+01, v10;
	v4 =	vsel vm10, $0x3F800000, v4  }
0x137: {  	v6 =	vtrunc.f32 v6;
	(erf) = vrcp.f32 v4;
	v4 =	vadd.f32 v27, v8;
	v8 =	vld [tilespmem:$0x1FED0]  }
0x138: {  	v10 =	vtrunc.f32 v10;
	v6 =	vcvt.f32.s32 v6  }
0x139: {  	v10 =	vcvt.f32.s32 v10;
	v7 =	vmul.f32 v22, v7;
	v4 =	vadd.f32 v12, v4  }
0x13a: {  	v23 =	vmul.f32 v22, v5;
	v5 =	vadd.f32 v41, v28;
	v28 =	vmul.f32 v1, v36  }
0x13b: {  	[tilespmem:$0x1FEB0] =	vst v41;
	v41 =	vmul.f32 v1, v37;
	v7 =	vmul.f32 $1.500000000e+01, v7  }
0x13c: {  	vm12 =	veq.f32 v4, $0.0e+00;
	v5 =	vadd.f32 v16, v5;
	v22 =	vmul.f32 v21, v8  }
0x13d: {  	v1 =	vsel vm12, $0x3F800000, v4;
	v23 =	vmul.f32 $1.500000000e+01, v23;
	v7 =	vtrunc.f32 v7;
	v4 =	vpop (erf)  }
0x13e: {  	v7 =	vcvt.f32.s32 v7;
	v43 =	vmul.f32 v4, v62  }
0x13f: {  	vm11 =	veq.f32 v5, $0.0e+00;
	v62 =	vpop (erf);
	v36 =	vmul.f32 v4, v24;
	v22 =	vmul.f32 $1.500000000e+01, v22  }
0x140: {  	v23 =	vtrunc.f32 v23;
	v5 =	vsel vm11, $0x3F800000, v5;
	v37 =	vmul.f32 v62, v44  }
0x141: {  	v8 =	vld [tilespmem:$0x1FEE0];
	v23 =	vcvt.f32.s32 v23;
	(erf) = vrcp.f32 v5  }
0x142: {  	v24 =	vpop (erf);
	v5 =	vmul.f32 v62, v50;
	v50 =	vmul.f32 v62, v61  }
0x143: {  	v53 =	vmul.f32 v24, v53;
	v44 =	vmul.f32 v24, v54  }
0x144: {  	v61 =	vmul.f32 $1.500000000e+01, v51;
	v22 =	vtrunc.f32 v22  }
0x145: {  	v43 =	vmul.f32 $1.500000000e+01, v43;
	v36 =	vmul.f32 $1.500000000e+01, v36  }
0x146: {  	v9 =	vmul.f32 v21, v8;
	(erf) = vrcp.f32 v1  }
0x147: {  	v1 =	vmul.f32 v4, v48;
	v8 =	vmul.f32 v4, v49  }
0x148: {  	vm14 =	vlt.s32 v6, $0xE;
	v4 =	vmul.f32 v62, v52;
	v48 =	vmul.f32 v24, v0  }
0x149: {  	v6 =	vnsel vm14, $0xE, v6;
	v0 =	vmul.f32 v24, v3;
	v22 =	vcvt.f32.s32 v22  }
0x14a: {  	vm14 =	vlt.s32 v2, $0xE;
	v49 =	vpop (erf);
	v62 =	vtrunc.f32 v17;
	v37 =	vmul.f32 $1.500000000e+01, v37  }
0x14b: {  	v6 =	vadd.s32 $0x10, v6;
	v3 =	vmul.f32 v49, v55;
	v52 =	vmul.f32 v49, v57  }
0x14c: {  	vm12 =	vlt.s32 v15, $0xE;
	v45 =	vmul.f32 v49, v45;
	v38 =	vmul.f32 v49, v38  }
0x14d: {  	v15 =	vnsel vm12, $0xE, v15;
	v57 =	vmul.f32 $1.500000000e+01, v39;
	v39 =	vtrunc.f32 v61  }
0x14e: {  	vm15 =	vlt.s32 v7, $0xE;
	v61 =	vcvt.f32.s32 v18;
	v5 =	vmul.f32 $1.500000000e+01, v5  }
0x14f: {  	vm11 =	vlt.s32 v10, $0xE;
	v24 =	vpop (erf);
	v50 =	vmul.f32 $1.500000000e+01, v50;
	v43 =	vtrunc.f32 v43  }
0x150: {  	v7 =	vnsel vm15, $0xE, v7;
	v54 =	vmul.f32 v24, v56;
	v55 =	vmul.f32 v24, v58  }
0x151: {  	vm8 =	vlt.s32 v23, $0xE;
	v49 =	vmul.f32 v24, v25;
	v21 =	vtrunc.f32 v57  }
0x152: {  	v7 =	vadd.s32 $0x10, v7;
	v9 =	vmul.f32 $1.500000000e+01, v9;
	v21 =	vcvt.f32.s32 v21  }
0x153: {  	v51 =	vnsel vm8, $0xE, v23;
	v42 =	vmul.f32 v24, v42;
	v24 =	vmul.f32 $1.500000000e+01, v60  }
0x154: {  	v25 =	vmul.f32 $1.500000000e+01, v47;
	v9 =	vtrunc.f32 v9;
	vm13 =	vlt.s32 v21, $0xE  }
0x155: {  	v39 =	vcvt.f32.s32 v39;
	v9 =	vcvt.f32.s32 v9;
	v21 =	vnsel vm13, $0xE, v21  }
0x156: {  	vm9 =	vlt.s32 v22, $0xE;
	v24 =	vtrunc.f32 v24;
	v21 =	vadd.s32 $0x10, v21  }
0x157: {  	v25 =	vtrunc.f32 v25;
	v24 =	vcvt.f32.s32 v24;
	vm3 =	vlt.s32 v9, $0xE  }
0x158: {  	[tilespmem:$0x1FEF0] =	vst v12;
	v56 =	vnsel vm9, $0xE, v22;
	v25 =	vcvt.f32.s32 v25;
	v9 =	vnsel vm3, $0xE, v9  }
0x159: {  	v4 =	vmul.f32 $1.500000000e+01, v4;
	v12 =	vld.idx.msk [tilespmem:v7+s19+$0x0], $0xffff;
	vm6 =	vlt.s32 v24, $0xE;
	v9 =	vadd.s32 $0x10, v9  }
0x15a: {  	vm10 =	vlt.s32 v39, $0xE;
	v11 =	vld.idx.msk [tilespmem:v51+s19+$0x0], $0xffff;
	vm7 =	vlt.s32 v25, $0xE;
	v24 =	vnsel vm6, $0xE, v24  }
0x15b: {  	v1 =	vmul.f32 $1.500000000e+01, v1;
	v60 =	vnsel vm10, $0xE, v39;
	v25 =	vnsel vm7, $0xE, v25;
	v22 =	vld.idx.msk [tilespmem:v21+s19+$0x0], $0xffff  }
0x15c: {  	v48 =	vmul.f32 $1.500000000e+01, v48;
	v21 =	vld.idx.msk [tilespmem:v6+s19+$0x0], $0xffff;
	v6 =	vnsel vm11, $0xE, v10;
	v10 =	vadd.s32 $0x20, v60  }
0x15d: {  	v0 =	vmul.f32 $1.500000000e+01, v0;
	v3 =	vmul.f32 $1.500000000e+01, v3;
	v14 =	vld.idx.msk [tilespmem:v56+s19+$0x0], $0xffff;
	v6 =	vadd.s32 $0x20, v6  }
0x15e: {  	v5 =	vtrunc.f32 v5;
	v23 =	vld.idx.msk [tilespmem:v9+s19+$0x0], $0xffff;
	v9 =	vcvt.f32.s32 v62;
	v62 =	vadd.s32 $0x20, v15  }
0x15f: {  	v2 =	vnsel vm14, $0xE, v2;
	v50 =	vtrunc.f32 v50;
	v38 =	vmul.f32 $1.500000000e+01, v38;
	v57 =	vld.idx.msk [tilespmem:v24+s19+$0x0], $0xffff  }
0x160: {  	v4 =	vtrunc.f32 v4;
	v1 =	vtrunc.f32 v1;
	vm13 =	vlt.s32 v13, $0xE;
	v15 =	vld.idx.msk [tilespmem:v25+s19+$0x0], $0xffff  }
0x161: {  	v5 =	vcvt.f32.s32 v5;
	v48 =	vtrunc.f32 v48;
	v13 =	vnsel vm13, $0xE, v13;
	v24 =	vld.idx.msk [tilespmem:v10+s19+$0x0], $0xffff  }
0x162: {  	v42 =	vmul.f32 $1.500000000e+01, v42;
	v7 =	vcvt.f32.s32 v20;
	v13 =	vadd.s32 $0x20, v13;
	v18 =	vld.idx.msk [tilespmem:v6+s19+$0x0], $0xffff  }
0x163: {  	v2 =	vadd.s32 $0x30, v2;
	v58 =	vmovc v16;
	v4 =	vcvt.f32.s32 v4;
	v3 =	vtrunc.f32 v3;
	v16 =	vld.idx.msk [tilespmem:v62+s19+$0x0], $0xffff;
	[tilespmem:$0x1FF00] =	vst v22  }
0x164: {  	v1 =	vcvt.f32.s32 v1;
	v3 =	vcvt.f32.s32 v3;
	vm15 =	vlt.s32 v7, $0xE;
	v10 =	vpop (erf);
	[tilespmem:$0x1FF10] =	vst v57  }
0x165: {  	vm6 =	vlt.s32 v61, $0xE;
	v6 =	vmul.f32 v10, v29;
	v29 =	vmul.f32 v10, v30;
	[tilespmem:$0x1FF20] =	vst v15  }
0x166: {  	v20 =	vnsel vm6, $0xE, v61;
	v30 =	vmul.f32 v10, v40;
	v10 =	vmul.f32 v10, v59;
	v61 =	vpop (erf);
	[tilespmem:$0x1FF30] =	vst v21  }
0x167: {  	v7 =	vnsel vm15, $0xE, v7;
	v39 =	vmul.f32 v61, v26;
	v17 =	vld.idx.msk [tilespmem:v13+s19+$0x0], $0xffff;
	v13 =	vmul.f32 v61, v33  }
0x168: {  	vm13 =	vlt.s32 v4, $0xE;
	v56 =	vmul.f32 v61, v31;
	v47 =	vmul.f32 v61, v32  }
0x169: {  	v26 =	vadd.f32 v22, v57;
	v22 =	vmul.f32 $1.500000000e+01, v44;
	v33 =	vmul.f32 $1.500000000e+01, v52  }
0x16a: {  	v7 =	vadd.s32 $0x30, v7;
	v29 =	vmul.f32 $1.500000000e+01, v29;
	v6 =	vmul.f32 $1.500000000e+01, v6  }
0x16b: {  	v60 =	vadd.s32 $0x30, v20;
	v20 =	vmul.f32 $1.500000000e+01, v30;
	v10 =	vmul.f32 $1.500000000e+01, v10  }
0x16c: {  	v4 =	vnsel vm13, $0xE, v4;
	v13 =	vmul.f32 $1.500000000e+01, v13;
	v39 =	vmul.f32 $1.500000000e+01, v39  }
0x16d: {  	v62 =	vadd.f32 v21, v15;
	v40 =	vtrunc.f32 v33;
	v21 =	vmul.f32 $1.500000000e+01, v56  }
0x16e: {  	vm7 =	vlt.s32 v9, $0xE;
	v33 =	vmul.f32 $1.500000000e+01, v47;
	v47 =	vcvt.f32.s32 v50  }
0x16f: {  	v9 =	vnsel vm7, $0xE, v9;
	v50 =	vcvt.f32.s32 v48;
	v40 =	vcvt.f32.s32 v40  }
0x170: {  	v9 =	vadd.s32 $0x30, v9;
	v59 =	vld.idx.msk [tilespmem:v2+s19+$0x0], $0xffff;
	v6 =	vtrunc.f32 v6;
	v10 =	vtrunc.f32 v10  }
0x171: {  	v31 =	vadd.f32 v18, v62;
	v62 =	vmul.f32 $1.500000000e+01, v54;
	v13 =	vtrunc.f32 v13  }
0x172: {  	v57 =	vadd.f32 v23, v14;
	[tilespmem:$0x1FF50] =	vst v18;
	v18 =	vmul.f32 $1.500000000e+01, v49;
	v39 =	vtrunc.f32 v39  }
0x173: {  	[tilespmem:$0x1FF40] =	vst v24;
	v2 =	vadd.f32 v24, v26;
	v6 =	vcvt.f32.s32 v6;
	v49 =	vtrunc.f32 v20  }
0x174: {  	v61 =	vmovc v23;
	v23 =	vtrunc.f32 v21;
	v15 =	vld.idx.msk [tilespmem:v7+s19+$0x0], $0xffff;
	v7 =	vmul.f32 $1.500000000e+01, v8;
	v8 =	vadd.f32 v12, v11  }
0x175: {  	v54 =	vcvt.f32.s32 v43;
	[tilespmem:$0x1FF60] =	vst v11;
	v44 =	vadd.f32 v17, v57;
	v2 =	vadd.f32 v59, v2  }
0x176: {  	[tilespmem:$0x1FF70] =	vst v12;
	v13 =	vcvt.f32.s32 v13;
	vm15 =	vlt.s32 v40, $0xE;
	v39 =	vcvt.f32.s32 v39  }
0x177: {  	v12 =	vld.idx.msk [tilespmem:v60+s19+$0x0], $0xffff;
	[tilespmem:$0x1FF80] =	vst v14;
	v60 =	vmovc v17;
	v17 =	vtrunc.f32 v29;
	v52 =	vtrunc.f32 v62;
	v40 =	vnsel vm15, $0xE, v40  }
0x178: {  	v11 =	vld.idx.msk [tilespmem:v9+s19+$0x0], $0xffff;
	v8 =	vadd.f32 v16, v8;
	v9 =	vmul.f32 $1.500000000e+01, v55;
	[tilespmem:$0x1FFA0] =	vst v59;
	v59 =	vmul.f32 $1.500000000e+01, v53  }
0x179: {  	[tilespmem:$0x1FF90] =	vst v16;
	v7 =	vtrunc.f32 v7;
	vm8 =	veq.f32 v2, $0.0e+00;
	v16 =	vtrunc.f32 v22  }
0x17a: {  	v22 =	vcvt.f32.s32 v17;
	vm6 =	vlt.s32 v13, $0xE;
	v52 =	vcvt.f32.s32 v52  }
0x17b: {  	v53 =	vcvt.f32.s32 v23;
	vm15 =	vlt.s32 v39, $0xE;
	v17 =	vtrunc.f32 v33  }
0x17c: {  	v32 =	vsel vm8, $0x3F800000, v2;
	v2 =	vmul.f32 $1.500000000e+01, v45;
	v7 =	vcvt.f32.s32 v7  }
0x17d: {  	v45 =	vtrunc.f32 v18;
	v13 =	vnsel vm6, $0xE, v13;
	v24 =	vnsel vm15, $0xE, v39  }
0x17e: {  	v9 =	vtrunc.f32 v9;
	v51 =	vtrunc.f32 v59;
	vm5 =	vlt.s32 v22, $0xE  }
0x17f: {  	v14 =	vcvt.f32.s32 v45;
	vm13 =	vlt.s32 v52, $0xE;
	v59 =	vtrunc.f32 v42  }
0x180: {  	v13 =	vadd.s32 $0x10, v13;
	vm15 =	vlt.s32 v53, $0xE;
	v8 =	vadd.f32 v12, v8  }
0x181: {  	v31 =	vadd.f32 v15, v31;
	vm12 =	vlt.s32 v7, $0xE;
	v9 =	vcvt.f32.s32 v9  }
0x182: {  	v51 =	vcvt.f32.s32 v51;
	v2 =	vtrunc.f32 v2;
	vm10 =	veq.f32 v8, $0.0e+00  }
0x183: {  	[tilespmem:$0x1FFB0] =	vst v15;
	v15 =	vcvt.f32.s32 v49;
	v49 =	vtrunc.f32 v37;
	v30 =	vsel vm10, $0x3F800000, v8  }
0x184: {  	v8 =	vcvt.f32.s32 v16;
	v16 =	vtrunc.f32 v0;
	v0 =	vadd.s32 $0x10, v4  }
0x185: {  	[tilespmem:$0x1FFC0] =	vst v12;
	v7 =	vnsel vm12, $0xE, v7;
	vm12 =	vlt.s32 v3, $0xE;
	v12 =	vcvt.f32.s32 v2  }
0x186: {  	v2 =	vtrunc.f32 v36;
	v44 =	vadd.f32 v11, v44;
	vm9 =	veq.f32 v31, $0.0e+00  }
0x187: {  	s18 =	simm.s32 $0xA000;
	[tilespmem:$0x1FFD0] =	vst v11;
	vm4 =	vlt.s32 v9, $0xE;
	v7 =	vadd.s32 $0x10, v7;
	v11 =	vadd.s32 $0x10, v40  }
0x188: {  	v42 =	vnsel vm12, $0xE, v3;
	v40 =	vnsel vm13, $0xE, v52;
	vm13 =	vlt.s32 v14, $0xE;
	[tilespmem:s18+$0x1070] =	vst v35  }
0x189: {  	v3 =	vcvt.f32.s32 v59;
	v31 =	vsel vm9, $0x3F800000, v31;
	v9 =	vnsel vm4, $0xE, v9;
	[tilespmem:s18+$0xFFFFE070] =	vst v34;
	v43 =	vld.idx.msk [tilespmem:v0+s19+$0x0], $0xffff  }
0x18a: {  	vm9 =	vlt.s32 v1, $0xE;
	vm12 =	vlt.s32 v12, $0xE;
	vm11 =	veq.f32 v44, $0.0e+00;
	v0 =	vld [tilespmem:$0x1FFE0]  }
0x18b: {  	vm10 =	vlt.s32 v5, $0xE;
	v4 =	vtrunc.f32 v38;
	v9 =	vadd.s32 $0x10, v9  }
0x18c: {  	v18 =	vnsel vm9, $0xE, v1;
	vm9 =	vlt.s32 v54, $0xE;
	v25 =	vld.idx.msk [tilespmem:v13+s19+$0x0], $0xffff;
	v13 =	vnsel vm15, $0xE, v53  }
0x18d: {  	v29 =	vsel vm11, $0x3F800000, v44;
	v44 =	vnsel vm5, $0xE, v22;
	vm14 =	vlt.s32 v8, $0xE  }
0x18e: {  	vm11 =	vlt.s32 v51, $0xE;
	v44 =	vadd.s32 $0x10, v44;
	v8 =	vnsel vm14, $0xE, v8;
	v48 =	vld.idx.msk [tilespmem:v7+s19+$0x0], $0xffff  }
0x18f: {  	v20 =	vnsel vm10, $0xE, v5;
	vm10 =	vlt.s32 v47, $0xE;
	v35 =	vld.idx.msk [tilespmem:v11+s19+$0x0], $0xffff;
	v8 =	vadd.s32 $0x10, v8;
	[tilespmem:s18+$0xFFFFF070] =	vst v0  }
0x190: {  	s7 =	simm.s32 $0xA080;
	v4 =	vcvt.f32.s32 v4;
	v5 =	vcvt.f32.s32 v10;
	v45 =	vnsel vm11, $0xE, v51;
	v0 =	vld [tilespmem:$0x1FFF0]  }
0x191: {  	vm11 =	vlt.s32 v50, $0xE;
	vm14 =	vlt.s32 v6, $0xE;
	v11 =	vnsel vm9, $0xE, v54;
	v34 =	vld.idx.msk [tilespmem:v9+s19+$0x0], $0xffff;
	[tilespmem:s7+$0x1070] =	vst v46  }
0x192: {  	v56 =	vmovc v27;
	v62 =	vmovc v19;
	v7 =	vcvt.f32.s32 v2;
	v2 =	vcvt.f32.s32 v49;
	v1 =	vnsel vm11, $0xE, v50;
	v59 =	vld.idx.msk [tilespmem:v18+s19+$0x0], $0xffff;
	[tilespmem:s7+$0xFFFFE070] =	vst v28  }
0x193: {  	v37 =	vnsel vm14, $0xE, v6;
	vm14 =	vlt.s32 v15, $0xE;
	v6 =	vcvt.f32.s32 v16;
	v26 =	vld.idx.msk [tilespmem:v44+s19+$0x0], $0xffff;
	v44 =	vpop (erf);
	[tilespmem:s7+$0xFFFFF070] =	vst v41  }
0x194: {  	s16 =	sshll.u32 s15, $0xD;
	v9 =	vnsel vm12, $0xE, v12;
	v10 =	vnsel vm14, $0xE, v15;
	v36 =	vld.idx.msk [tilespmem:v8+s19+$0x0], $0xffff;
	v8 =	vnsel vm13, $0xE, v14;
	v41 =	vpop (erf);
	[tilespmem:s7+$0x70] =	vst v63  }
0x195: {  	s12 =	simm.s32 $0x2100;
	s17 =	simm.s32 $0xA080;
	s20 =	simm.s32 $0x80;
	v49 =	vld.idx.msk [tilespmem:v20+s19+$0x0], $0xffff;
	v46 =	vcvt.f32.s32 v17;
	v63 =	vadd.s32 $0x20, v11;
	v39 =	vpop (erf);
	[tilespmem:s18+$0x70] =	vst v0;
	v0 =	vnsel vm10, $0xE, v47  }
.LBB2_3:
0x196: {  	v1 =	vadd.s32 $0x20, v1  }
0x197: {  	v47 =	vld [tilespmem:s12+$0xFFFFE070];
	[tilespmem:$0x1FCB0] =	vst v1;
	v1 =	vadd.s32 $0x20, v9  }
0x198: {  	v54 =	vld [tilespmem:s12+$0xFFFFF070];
	[tilespmem:$0x1FCC0] =	vst v1;
	v1 =	vadd.s32 $0x20, v8  }
0x199: {  	[tilespmem:$0x1FCD0] =	vst v1;
	v1 =	vadd.s32 $0x20, v10;
	v10 =	vld [tilespmem:s12+$0x70]  }
0x19a: {  	v11 =	vld [tilespmem:s12+$0x1070];
	_ =	sdelay $0x2  }
0x19b: {  	vm3 =	vlt.s32 v4, $0xE;
	[tilespmem:$0x1FCE0] =	vst v1;
	v1 =	vadd.s32 $0x20, v13;
	v13 =	vmax.f32 v47, v54  }
0x19c: {  	v4 =	vnsel vm3, $0xE, v4;
	v13 =	vmax.f32 v13, v10  }
0x19d: {  	v4 =	vadd.s32 $0x30, v4;
	v14 =	vmax.f32 v13, v11  }
0x19e: {  	[tilespmem:$0x1FD30] =	vst v4;
	v4 =	vsub.f32 v47, v14;
	_ =	sdelay $0x1  }
0x19f: {  	v15 =	vmul.f32 $1.442695020e+00, v4  }
0x1a0: {  	(erf) = vrcp.f32 v32  }
0x1a1: {  	(erf) = vpow2.f32 v15;
	v15 =	vld [tilespmem:$0x1FE40];
	_ =	sdelay $0x4  }
0x1a2: {  	v15 =	vmul.f32 v44, v15  }
0x1a3: {  	[tilespmem:$0x1FCF0] =	vst v1;
	v1 =	vld [tilespmem:s12+$0xFFFFF000]  }
0x1a4: {  	[tilespmem:s18+$0xFFFFE000] =	vst v15;
	v15 =	vld [tilespmem:$0x1FE30];
	_ =	sdelay $0x1  }
0x1a5: {  	vm2 =	vlt.s32 v6, $0xE  }
0x1a6: {  	v6 =	vnsel vm2, $0xE, v6  }
0x1a7: {  	v6 =	vadd.s32 $0x30, v6  }
0x1a8: {  	vm4 =	vlt.s32 v3, $0xE;
	[tilespmem:$0x1FD20] =	vst v6;
	v16 =	vmov v48;
	v15 =	vmul.f32 v44, v15  }
0x1a9: {  	vm5 =	vlt.s32 v5, $0xE;
	v9 =	vnsel vm4, $0xE, v3;
	[tilespmem:$0x1FE30] =	vst v16;
	v16 =	vld [tilespmem:s12+$0xFFFFE000]  }
0x1aa: {  	v53 =	vnsel vm5, $0xE, v5;
	v6 =	vadd.s32 $0x30, v9;
	[tilespmem:s18+$0xFFFFF000] =	vst v15;
	v15 =	vld [tilespmem:$0x1FE70]  }
0x1ab: {  	[tilespmem:$0x1FD40] =	vst v6;
	v6 =	vadd.s32 $0x30, v53  }
0x1ac: {  	[tilespmem:$0x1FD50] =	vst v6;
	v6 =	vsub.f32 v54, v14;
	_ =	sdelay $0x1  }
0x1ad: {  	v19 =	vld [tilespmem:s12+$0x10];
	v18 =	vmul.f32 $1.442695020e+00, v6  }
0x1ae: {  	v55 =	vld [tilespmem:$0x1FEB0];
	v15 =	vmul.f32 v44, v15  }
0x1af: {  	(erf) = vpow2.f32 v18;
	v18 =	vld [tilespmem:s12+$0x0]  }
0x1b0: {  	[tilespmem:s18+$0x0] =	vst v15;
	v15 =	vld [tilespmem:$0x1FE90]  }
0x1b1: {  	v21 =	vld [tilespmem:s12+$0x40]  }
0x1b2: {  	v27 =	vld [tilespmem:s12+$0x60]  }
0x1b3: {  	v38 =	vld [tilespmem:$0x1FF30];
	vm1 =	vlt.s32 v2, $0xE  }
0x1b4: {  	v8 =	vnsel vm1, $0xE, v2;
	v2 =	vld [tilespmem:s12+$0xFFFFE010];
	v10 =	vsub.f32 v10, v14  }
0x1b5: {  	vm0 =	vlt.s32 v7, $0xE;
	vm15 =	vlt.s32 v46, $0xE;
	v3 =	vld [tilespmem:s12+$0xFFFFF010];
	v15 =	vmul.f32 v41, v15  }
0x1b6: {  	v7 =	vnsel vm0, $0xE, v7;
	v5 =	vld [tilespmem:s12+$0xFFFFE020];
	v11 =	vsub.f32 v11, v14;
	v53 =	vmul.f32 $1.442695020e+00, v10  }
0x1b7: {  	v12 =	vnsel vm15, $0xE, v46;
	(erf) = vrcp.f32 v31;
	[tilespmem:s18+$0xFFFFE010] =	vst v15;
	v15 =	vmul.f32 v41, v58;
	v58 =	vld [tilespmem:$0x1FE60]  }
0x1b8: {  	v46 =	vmovc v24;
	v24 =	vld [tilespmem:s12+$0x50];
	v7 =	vadd.s32 $0x30, v7;
	v11 =	vmul.f32 $1.442695020e+00, v11;
	(erf) = vpow2.f32 v53  }
0x1b9: {  	[tilespmem:$0x1FD00] =	vst v7;
	v7 =	vadd.s32 $0x30, v8;
	v8 =	vld [tilespmem:s12+$0xFFFFE030];
	(erf) = vrcp.f32 v30  }
0x1ba: {  	v9 =	vld [tilespmem:s12+$0xFFFFF030];
	(erf) = vpow2.f32 v11;
	v11 =	vmul.f32 v44, v62  }
0x1bb: {  	[tilespmem:$0x1FD10] =	vst v7;
	v7 =	vld [tilespmem:s12+$0xFFFFF020]  }
0x1bc: {  	[tilespmem:s18+$0x1000] =	vst v11;
	v11 =	vld [tilespmem:$0x1FE80];
	v30 =	vmul.f32 v39, v58  }
0x1bd: {  	v44 =	vld [tilespmem:s12+$0x20]  }
0x1be: {  	[tilespmem:s18+$0xFFFFE020] =	vst v30;
	v30 =	vld [tilespmem:$0x1FF40]  }
0x1bf: {  	v17 =	vmov v59;
	v13 =	vadd.f32 v48, v59;
	v59 =	vld [tilespmem:s12+$0xFFFFF050]  }
0x1c0: {  	v48 =	vld [tilespmem:s12+$0xFFFFF060]  }
0x1c1: {  	[tilespmem:$0x1FD60] =	vst v13;
	v13 =	vld [tilespmem:s12+$0xFFFFE040]  }
0x1c2: {  	[tilespmem:$0x1FDC0] =	vst v60;
	v60 =	vpop (erf);
	v6 =	vld [tilespmem:s12+$0xFFFFE050]  }
0x1c3: {  	v11 =	vmul.f32 v41, v11;
	v52 =	vmul.f32 v60, v30;
	v30 =	vld [tilespmem:$0x1FFA0]  }
0x1c4: {  	v10 =	vld [tilespmem:s12+$0xFFFFE060]  }
0x1c5: {  	[tilespmem:s18+$0xFFFFF010] =	vst v11;
	v11 =	vld [tilespmem:$0x1FE20]  }
0x1c6: {  	v53 =	vmov v26;
	v26 =	vld [tilespmem:$0x1FEF0]  }
0x1c7: {  	v57 =	vmov v43;
	v4 =	vadd.f32 v43, v49;
	v43 =	vld [tilespmem:s12+$0x30];
	(erf) = vrcp.f32 v29  }
0x1c8: {  	v29 =	vmul.f32 v41, v55;
	v55 =	vmul.f32 v60, v30;
	v30 =	vld [tilespmem:$0x1FF50]  }
0x1c9: {  	[tilespmem:$0x1FD70] =	vst v25;
	v33 =	vld [tilespmem:s12+$0x1000]  }
0x1ca: {  	v22 =	vpop (erf);
	v11 =	vmul.f32 v39, v11;
	[tilespmem:s18+$0x1010] =	vst v15;
	v15 =	vld [tilespmem:$0x1FF00]  }
0x1cb: {  	v23 =	vmul.f32 v39, v56;
	[tilespmem:s18+$0x10] =	vst v29;
	v25 =	vpop (erf);
	v39 =	vmul.f32 v39, v26;
	v26 =	vld [tilespmem:$0x1FF10]  }
0x1cc: {  	v32 =	vmax.f32 v5, v7;
	v29 =	vadd.f32 v25, v22;
	v28 =	vpop (erf);
	[tilespmem:s18+$0xFFFFF020] =	vst v11;
	v11 =	vld [tilespmem:$0x1FF20]  }
0x1cd: {  	v47 =	vmov v37;
	v37 =	vmov v34;
	v34 =	vpop (erf);
	[tilespmem:$0x1FE80] =	vst v57;
	v57 =	vmul.f32 v28, v30;
	v30 =	vld [tilespmem:$0x1FFB0]  }
0x1ce: {  	[tilespmem:$0x1FDB0] =	vst v61;
	v62 =	vadd.f32 v29, v34;
	v50 =	vpop (erf);
	v51 =	vmax.f32 v32, v44;
	v32 =	vld [tilespmem:s12+$0x1050]  }
0x1cf: {  	[tilespmem:$0x1FD80] =	vst v4;
	v56 =	vpop (erf);
	v15 =	vmul.f32 v60, v15;
	v29 =	vld [tilespmem:s12+$0x1020]  }
0x1d0: {  	[tilespmem:s18+$0x20] =	vst v23;
	v23 =	vmul.f32 v28, v38;
	v38 =	vld [tilespmem:s12+$0x1030];
	v26 =	vmul.f32 v60, v26;
	v60 =	vadd.f32 v62, v56  }
0x1d1: {  	v11 =	vmul.f32 v28, v11;
	[tilespmem:s18+$0x1020] =	vst v39;
	v39 =	vld [tilespmem:$0x1FF70]  }
0x1d2: {  	[tilespmem:s18+$0xFFFFF030] =	vst v15;
	v15 =	vld [tilespmem:$0x1FF90];
	v28 =	vmul.f32 v28, v30;
	v30 =	vpop (erf);
	(erf) = vrcp.f32 v60  }
0x1d3: {  	v54 =	vadd.s32 $0x30, v12;
	v12 =	vmax.f32 v2, v3;
	[tilespmem:s18+$0xFFFFE030] =	vst v26;
	v26 =	vld [tilespmem:$0x1FF60]  }
0x1d4: {  	v0 =	vadd.s32 $0x20, v0;
	v20 =	vmovc v49;
	v14 =	vmax.f32 v8, v9;
	v12 =	vmax.f32 v12, v19;
	v4 =	vld [tilespmem:s12+$0xFFFFF040];
	[tilespmem:$0x1FE40] =	vst v17  }
0x1d5: {  	v31 =	vmax.f32 v6, v59;
	v49 =	vmax.f32 v10, v48;
	v61 =	vmax.f32 v16, v1;
	v41 =	vmovc v35;
	v35 =	vld [tilespmem:s12+$0x1010]  }
0x1d6: {  	v14 =	vmax.f32 v14, v43;
	[tilespmem:$0x1FE90] =	vst v20;
	v20 =	vmax.f32 v61, v18;
	v58 =	vmax.f32 v31, v24;
	v31 =	vld [tilespmem:s12+$0x1040]  }
0x1d7: {  	[tilespmem:$0x1FD90] =	vst v50;
	v20 =	vmax.f32 v20, v33;
	v61 =	vmul.f32 v50, v39;
	v62 =	vmov v36;
	v36 =	vld.idx.msk [tilespmem:v45+s19+$0x0], $0xffff  }
0x1d8: {  	v15 =	vmul.f32 v50, v15;
	v26 =	vmul.f32 v50, v26;
	v50 =	vld.idx.msk [tilespmem:v40+s19+$0x0], $0xffff;
	v40 =	vmax.f32 v58, v32  }
0x1d9: {  	v17 =	vmax.f32 v13, v4;
	v39 =	vsub.f32 v59, v40;
	v59 =	vld.idx.msk [tilespmem:v46+s19+$0x0], $0xffff;
	v60 =	vsub.f32 v1, v20  }
0x1da: {  	v17 =	vmax.f32 v17, v21;
	v16 =	vsub.f32 v16, v20;
	v12 =	vmax.f32 v12, v35;
	[tilespmem:s18+$0x30] =	vst v52;
	v46 =	vld [tilespmem:$0x1FCD0]  }
0x1db: {  	v18 =	vsub.f32 v18, v20;
	v2 =	vsub.f32 v2, v12;
	[tilespmem:$0x1FDA0] =	vst v30;
	v45 =	vmul.f32 $1.442695020e+00, v60;
	v60 =	vld.idx.msk [tilespmem:v0+s19+$0x0], $0xffff;
	v0 =	vpop (erf)  }
0x1dc: {  	v17 =	vmax.f32 v17, v31;
	v30 =	vld.idx.msk [tilespmem:v42+s19+$0x0], $0xffff;
	[tilespmem:s18+$0x1030] =	vst v55;
	v55 =	vmul.f32 v0, v22  }
0x1dd: {  	v49 =	vmax.f32 v49, v27;
	v3 =	vsub.f32 v3, v12;
	v13 =	vsub.f32 v13, v17  }
0x1de: {  	v4 =	vsub.f32 v4, v17;
	[tilespmem:s18+$0xFFFFE040] =	vst v11;
	v11 =	vsub.f32 v19, v12;
	v19 =	vmul.f32 $1.500000000e+01, v55;
	v55 =	vld [tilespmem:$0x1FCE0]  }
0x1df: {  	v2 =	vmul.f32 $1.442695020e+00, v2;
	v3 =	vmul.f32 $1.442695020e+00, v3;
	v21 =	vsub.f32 v21, v17;
	v52 =	vld.idx.msk [tilespmem:v63+s19+$0x0], $0xffff  }
0x1e0: {  	v17 =	vsub.f32 v31, v17;
	v51 =	vmax.f32 v51, v29;
	v13 =	vmul.f32 $1.442695020e+00, v13;
	v1 =	vld [tilespmem:s12+$0x1060]  }
0x1e1: {  	v14 =	vmax.f32 v14, v38;
	v4 =	vmul.f32 $1.442695020e+00, v4;
	v58 =	vld.idx.msk [tilespmem:v47+s19+$0x0], $0xffff;
	[tilespmem:s18+$0xFFFFF040] =	vst v23;
	v63 =	vmul.f32 v0, v25  }
0x1e2: {  	v17 =	vmul.f32 $1.442695020e+00, v17;
	v5 =	vsub.f32 v5, v51;
	v46 =	vld.idx.msk [tilespmem:v46+s19+$0x0], $0xffff;
	v34 =	vmul.f32 v0, v34  }
0x1e3: {  	v7 =	vsub.f32 v7, v51;
	[tilespmem:s18+$0x40] =	vst v57;
	v25 =	vld [tilespmem:$0x1FCC0];
	v0 =	vmul.f32 v0, v56;
	v22 =	vmul.f32 $1.500000000e+01, v63  }
0x1e4: {  	v8 =	vsub.f32 v8, v14;
	v57 =	vld [tilespmem:$0x1FD00];
	v20 =	vsub.f32 v33, v20;
	[tilespmem:s18+$0x1040] =	vst v28;
	v28 =	vmul.f32 $1.500000000e+01, v34  }
0x1e5: {  	v33 =	vld [tilespmem:$0x1FD20];
	v42 =	vmax.f32 v49, v1;
	v0 =	vmul.f32 $1.500000000e+01, v0;
	v22 =	vtrunc.f32 v22  }
0x1e6: {  	v22 =	vcvt.f32.s32 v22;
	v63 =	vld.idx.msk [tilespmem:v55+s19+$0x0], $0xffff;
	[tilespmem:s18+$0xFFFFE050] =	vst v26;
	v26 =	vsub.f32 v27, v42;
	v27 =	vtrunc.f32 v19  }
0x1e7: {  	v9 =	vsub.f32 v9, v14;
	v23 =	vsub.f32 v44, v51;
	v27 =	vcvt.f32.s32 v27  }
0x1e8: {  	v44 =	vld [tilespmem:$0x1FD40];
	v0 =	vtrunc.f32 v0;
	vm7 =	vlt.s32 v22, $0xE;
	[tilespmem:s18+$0x50] =	vst v15;
	v15 =	vtrunc.f32 v28  }
0x1e9: {  	v28 =	vcvt.f32.s32 v0;
	v0 =	vld [tilespmem:$0x1FD50];
	v15 =	vcvt.f32.s32 v15;
	vm6 =	vlt.s32 v27, $0xE  }
0x1ea: {  	v5 =	vmul.f32 $1.442695020e+00, v5;
	v56 =	vld [tilespmem:$0x1FCF0];
	v22 =	vnsel vm7, $0xE, v22;
	v27 =	vnsel vm6, $0xE, v27  }
0x1eb: {  	v7 =	vmul.f32 $1.442695020e+00, v7;
	v49 =	vmovc v41;
	v41 =	vld.idx.msk [tilespmem:v25+s19+$0x0], $0xffff;
	v22 =	vadd.s32 $0x10, v22;
	vm8 =	vlt.s32 v15, $0xE  }
0x1ec: {  	v8 =	vmul.f32 $1.442695020e+00, v8;
	v25 =	vsub.f32 v43, v14;
	v43 =	vmovc v37;
	v37 =	vld.idx.msk [tilespmem:v57+s19+$0x0], $0xffff;
	v15 =	vnsel vm8, $0xE, v15  }
0x1ed: {  	v47 =	vmul.f32 $1.442695020e+00, v16;
	[tilespmem:s18+$0xFFFFF050] =	vst v61;
	v61 =	vld [tilespmem:$0x1FD10];
	vm9 =	vlt.s32 v28, $0xE;
	v15 =	vadd.s32 $0x20, v15  }
0x1ee: {  	v9 =	vmul.f32 $1.442695020e+00, v9;
	v12 =	vsub.f32 v35, v12;
	v55 =	vld.idx.msk [tilespmem:v33+s19+$0x0], $0xffff;
	v28 =	vnsel vm9, $0xE, v28  }
0x1ef: {  	(erf) = vpow2.f32 v47;
	v57 =	vmovc v53;
	v53 =	vmul.f32 $1.442695020e+00, v39;
	v39 =	vld.idx.msk [tilespmem:v27+s19+$0x0], $0xffff;
	v27 =	vadd.s32 $0x30, v28  }
0x1f0: {  	v6 =	vsub.f32 v6, v40;
	v11 =	vmul.f32 $1.442695020e+00, v11;
	(erf) = vpow2.f32 v45;
	v19 =	vld.idx.msk [tilespmem:v22+s19+$0x0], $0xffff  }
0x1f1: {  	v12 =	vmul.f32 $1.442695020e+00, v12;
	(erf) = vpow2.f32 v2;
	v33 =	vld.idx.msk [tilespmem:v0+s19+$0x0], $0xffff  }
0x1f2: {  	v6 =	vmul.f32 $1.442695020e+00, v6;
	(erf) = vpow2.f32 v3;
	v14 =	vsub.f32 v38, v14;
	v38 =	vld.idx.msk [tilespmem:v15+s19+$0x0], $0xffff  }
0x1f3: {  	v24 =	vsub.f32 v24, v40;
	v20 =	vmul.f32 $1.442695020e+00, v20;
	(erf) = vpow2.f32 v5;
	v0 =	vld.idx.msk [tilespmem:v54+s19+$0x0], $0xffff  }
0x1f4: {  	v10 =	vsub.f32 v10, v42;
	(erf) = vpow2.f32 v7;
	v54 =	vmul.f32 $1.442695020e+00, v18;
	v18 =	vld.idx.msk [tilespmem:v27+s19+$0x0], $0xffff  }
0x1f5: {  	v16 =	vsub.f32 v48, v42;
	v48 =	vld [tilespmem:$0x1FCB0];
	(erf) = vpow2.f32 v8;
	v22 =	vadd.f32 v19, v39  }
0x1f6: {  	v1 =	vsub.f32 v1, v42;
	v10 =	vmul.f32 $1.442695020e+00, v10;
	(erf) = vpow2.f32 v9  }
0x1f7: {  	v2 =	vmul.f32 $1.442695020e+00, v23;
	(erf) = vpow2.f32 v13;
	v22 =	vadd.f32 v38, v22  }
0x1f8: {  	v35 =	vld [tilespmem:$0x1FD30];
	v23 =	vmul.f32 $1.442695020e+00, v1;
	v15 =	vsub.f32 v32, v40;
	v40 =	vpop (erf);
	(erf) = vpow2.f32 v4  }
0x1f9: {  	v34 =	vld.idx.msk [tilespmem:v56+s19+$0x0], $0xffff;
	v28 =	vsub.f32 v29, v51;
	v42 =	vpop (erf);
	(erf) = vpow2.f32 v6;
	v22 =	vadd.f32 v18, v22  }
0x1fa: {  	[tilespmem:$0x1FF30] =	vst v43;
	v56 =	vld.idx.msk [tilespmem:v61+s19+$0x0], $0xffff;
	v29 =	vmul.f32 $1.442695020e+00, v16;
	v4 =	vadd.f32 v43, v50;
	v43 =	vpop (erf);
	(erf) = vpow2.f32 v53  }
0x1fb: {  	v8 =	vmul.f32 $1.442695020e+00, v26;
	v61 =	vld.idx.msk [tilespmem:v44+s19+$0x0], $0xffff;
	v44 =	vpop (erf);
	(erf) = vpow2.f32 v10;
	vm10 =	veq.f32 v22, $0.0e+00  }
0x1fc: {  	v26 =	vld [tilespmem:$0x1FD80];
	v10 =	vmul.f32 $1.442695020e+00, v15;
	v45 =	vpop (erf);
	(erf) = vpow2.f32 v29;
	v15 =	vsel vm10, $0x3F800000, v22  }
0x1fd: {  	[tilespmem:$0x1FE60] =	vst v36;
	v48 =	vld.idx.msk [tilespmem:v48+s19+$0x0], $0xffff;
	v7 =	vadd.f32 v62, v36;
	v3 =	vmul.f32 $1.442695020e+00, v25;
	v36 =	vpop (erf);
	(erf) = vrcp.f32 v15  }
0x1fe: {  	[tilespmem:$0x1FF00] =	vst v49;
	v5 =	vmul.f32 $1.442695020e+00, v21;
	v9 =	vadd.f32 v49, v30;
	v49 =	vpop (erf);
	(erf) = vpow2.f32 v54  }
0x1ff: {  	[tilespmem:$0x1FE20] =	vst v62;
	v62 =	vmul.f32 $1.442695020e+00, v24;
	v1 =	vpop (erf);
	(erf) = vpow2.f32 v11  }
0x200: {  	[tilespmem:$0x1FF70] =	vst v57;
	v14 =	vmul.f32 $1.442695020e+00, v14;
	v32 =	vadd.f32 v57, v58;
	v57 =	vld [tilespmem:$0x1FD70];
	(erf) = vpow2.f32 v2;
	v2 =	vpop (erf)  }
0x201: {  	v9 =	vadd.f32 v41, v9;
	v26 =	vadd.f32 v60, v26;
	(erf) = vpow2.f32 v3;
	v3 =	vpop (erf)  }
0x202: {  	v35 =	vld.idx.msk [tilespmem:v35+s19+$0x0], $0xffff;
	v13 =	vmul.f32 $1.442695020e+00, v28;
	v27 =	vadd.f32 v48, v7;
	(erf) = vpow2.f32 v5;
	v7 =	vpop (erf)  }
0x203: {  	[tilespmem:$0x1FF50] =	vst v46;
	v6 =	vadd.f32 v42, v40;
	v5 =	vadd.f32 v46, v4;
	v46 =	vpop (erf);
	(erf) = vpow2.f32 v62  }
0x204: {  	[tilespmem:$0x1FF60] =	vst v58;
	v16 =	vadd.f32 v63, v32;
	v58 =	vmov v56;
	v11 =	vld [tilespmem:$0x1FD60];
	v47 =	vpop (erf);
	(erf) = vpow2.f32 v8  }
0x205: {  	v56 =	vmov v48;
	v24 =	vadd.f32 v57, v59;
	(erf) = vpow2.f32 v20;
	v4 =	vpop (erf)  }
0x206: {  	v53 =	vadd.f32 v44, v43;
	v48 =	vadd.f32 v55, v27;
	(erf) = vpow2.f32 v12;
	v12 =	vpop (erf)  }
0x207: {  	[tilespmem:$0x1FF40] =	vst v41;
	v27 =	vadd.f32 v35, v9;
	v41 =	vadd.f32 v34, v24;
	v9 =	vpop (erf);
	(erf) = vpow2.f32 v13  }
0x208: {  	v25 =	vadd.f32 v1, v49;
	v15 =	vadd.f32 v36, v45;
	v13 =	vpop (erf);
	(erf) = vpow2.f32 v14  }
0x209: {  	[tilespmem:$0x1FF10] =	vst v30;
	v11 =	vadd.f32 v52, v11;
	v30 =	vadd.f32 v6, v9;
	v6 =	vpop (erf)  }
0x20a: {  	[tilespmem:$0x1FF20] =	vst v50;
	v24 =	vadd.f32 v46, v7;
	v50 =	vadd.f32 v53, v13;
	(erf) = vpow2.f32 v17;
	v53 =	vpop (erf)  }
0x20b: {  	v29 =	vadd.f32 v61, v5;
	v8 =	vadd.f32 v37, v11;
	(erf) = vpow2.f32 v10;
	v54 =	vpop (erf)  }
0x20c: {  	v11 =	vadd.f32 v58, v26;
	v26 =	vadd.f32 v4, v47;
	v21 =	vpop (erf)  }
0x20d: {  	v14 =	vadd.f32 v33, v16;
	v15 =	vadd.f32 v15, v6;
	(erf) = vpow2.f32 v23;
	v23 =	vpop (erf)  }
0x20e: {  	[tilespmem:$0x1FF90] =	vst v63;
	vm11 =	veq.f32 v8, $0.0e+00;
	v10 =	vadd.f32 v25, v53;
	v63 =	vadd.f32 v24, v21;
	v5 =	vpop (erf)  }
0x20f: {  	v25 =	vsel vm11, $0x3F800000, v8;
	v24 =	vadd.f32 v26, v23;
	v26 =	vadd.f32 v30, v5;
	v8 =	vpop (erf)  }
0x210: {  	[tilespmem:$0x1FEB0] =	vst v60;
	v60 =	vadd.f32 v0, v41;
	v16 =	vadd.f32 v50, v8;
	v50 =	vpop (erf)  }
0x211: {  	v41 =	vld [tilespmem:$0x1FDA0];
	vm8 =	veq.f32 v14, $0.0e+00;
	v15 =	vadd.f32 v15, v50;
	(erf) = vrcp.f32 v26;
	v51 =	vpop (erf)  }
0x212: {  	v62 =	vmovc v37;
	v37 =	vld [tilespmem:$0x1FD90];
	v30 =	vsel vm8, $0x3F800000, v14;
	v14 =	vadd.f32 v10, v51;
	(erf) = vrcp.f32 v16  }
0x213: {  	[tilespmem:$0x1FE70] =	vst v52;
	v52 =	vpop (erf);
	(erf) = vrcp.f32 v15;
	v15 =	vld [tilespmem:$0x1FFC0]  }
0x214: {  	v28 =	vadd.f32 v3, v2;
	v10 =	vpop (erf);
	(erf) = vrcp.f32 v14;
	v14 =	vld [tilespmem:$0x1FF80];
	_ =	sdelay $0x1  }
0x215: {  	[tilespmem:$0x1FFB0] =	vst v61;
	v61 =	vadd.f32 v28, v54;
	_ =	sdelay $0x1  }
0x216: {  	[tilespmem:$0x1FFA0] =	vst v35;
	vm13 =	veq.f32 v48, $0.0e+00;
	v35 =	vadd.f32 v61, v52;
	v15 =	vmul.f32 v37, v15  }
0x217: {  	[tilespmem:$0x1FEF0] =	vst v55;
	v20 =	vsel vm13, $0x3F800000, v48;
	v26 =	vadd.f32 v63, v10;
	v55 =	vpop (erf);
	v14 =	vmul.f32 v41, v14  }
0x218: {  	vm12 =	veq.f32 v11, $0.0e+00;
	v48 =	vadd.f32 v24, v55;
	(erf) = vrcp.f32 v35;
	[tilespmem:s18+$0x1050] =	vst v15;
	v15 =	vld [tilespmem:$0x1FDB0]  }
0x219: {  	v11 =	vsel vm12, $0x3F800000, v11;
	(erf) = vrcp.f32 v26;
	[tilespmem:s18+$0xFFFFE060] =	vst v14;
	v14 =	vld [tilespmem:$0x1FDC0]  }
0x21a: {  	(erf) = vrcp.f32 v48  }
0x21b: {  	(erf) = vrcp.f32 v25  }
0x21c: {  	(erf) = vrcp.f32 v11;
	v11 =	vpop (erf)  }
0x21d: {  	v9 =	vmul.f32 v11, v9;
	v5 =	vmul.f32 v11, v5  }
0x21e: {  	v15 =	vmul.f32 v41, v15;
	v14 =	vmul.f32 v41, v14  }
0x21f: {  	v18 =	vmul.f32 v12, v18;
	v37 =	vmov v0;
	v0 =	vmul.f32 v12, v39  }
0x220: {  	v9 =	vmul.f32 $1.500000000e+01, v9;
	v5 =	vmul.f32 $1.500000000e+01, v5;
	[tilespmem:s18+$0xFFFFF060] =	vst v15;
	v15 =	vld [tilespmem:$0x1FFD0]  }
0x221: {  	v39 =	vmul.f32 v12, v19;
	(erf) = vrcp.f32 v20  }
0x222: {  	v9 =	vtrunc.f32 v9;
	v5 =	vtrunc.f32 v5;
	[tilespmem:s18+$0x60] =	vst v14;
	v14 =	vpop (erf)  }
0x223: {  	v9 =	vcvt.f32.s32 v9;
	v16 =	vmul.f32 v14, v43  }
0x224: {  	v48 =	vmul.f32 v14, v44;
	v13 =	vmul.f32 v14, v13  }
0x225: {  	s7 =	sadd.s32 $0x80, s7;
	v8 =	vmul.f32 v14, v8;
	v15 =	vmul.f32 v41, v15  }
0x226: {  	[tilespmem:s7+$0xFFFFE070] =	vst v0;
	v0 =	vpop (erf);
	v41 =	vmul.f32 v12, v38;
	v12 =	vmul.f32 v11, v40  }
0x227: {  	[tilespmem:s7+$0x1070] =	vst v18;
	v61 =	vmov v57;
	v18 =	vmul.f32 v0, v45;
	v57 =	vmul.f32 v0, v36  }
0x228: {  	v24 =	vmov v59;
	v59 =	vpop (erf);
	v6 =	vmul.f32 v0, v6;
	v0 =	vmul.f32 v0, v50  }
0x229: {  	[tilespmem:$0x1FF80] =	vst v24;
	v24 =	vmul.f32 v59, v49;
	v1 =	vmul.f32 v59, v1  }
0x22a: {  	v17 =	vmul.f32 $1.500000000e+01, v48;
	v48 =	vmul.f32 v59, v53  }
0x22b: {  	v16 =	vmul.f32 $1.500000000e+01, v16;
	v13 =	vmul.f32 $1.500000000e+01, v13  }
0x22c: {  	v25 =	vpop (erf);
	v14 =	vmul.f32 v59, v51;
	v8 =	vmul.f32 $1.500000000e+01, v8  }
0x22d: {  	[tilespmem:s18+$0x1060] =	vst v15;
	v15 =	vmul.f32 v11, v42;
	v2 =	vmul.f32 v25, v2  }
0x22e: {  	v3 =	vmul.f32 v25, v3;
	v20 =	vmul.f32 $1.500000000e+01, v57  }
0x22f: {  	v49 =	vmul.f32 v25, v54;
	v12 =	vmul.f32 $1.500000000e+01, v12  }
0x230: {  	vm14 =	veq.f32 v27, $0.0e+00;
	v18 =	vmul.f32 $1.500000000e+01, v18;
	v6 =	vmul.f32 $1.500000000e+01, v6  }
0x231: {  	v32 =	vsel vm14, $0x3F800000, v27;
	v26 =	vpop (erf);
	v51 =	vmul.f32 v25, v52;
	v0 =	vmul.f32 $1.500000000e+01, v0  }
0x232: {  	vm9 =	veq.f32 v60, $0.0e+00;
	v7 =	vmul.f32 v26, v7;
	v27 =	vmul.f32 v26, v46  }
0x233: {  	vm15 =	veq.f32 v29, $0.0e+00;
	v1 =	vmul.f32 $1.500000000e+01, v1;
	v21 =	vmul.f32 v26, v21  }
0x234: {  	v31 =	vsel vm15, $0x3F800000, v29;
	v24 =	vmul.f32 $1.500000000e+01, v24;
	v17 =	vtrunc.f32 v17  }
0x235: {  	v29 =	vsel vm9, $0x3F800000, v60;
	v60 =	vmovc v34;
	v34 =	vmul.f32 $1.500000000e+01, v48;
	v10 =	vmul.f32 v26, v10  }
0x236: {  	v16 =	vtrunc.f32 v16;
	v13 =	vtrunc.f32 v13  }
0x237: {  	v28 =	vpop (erf);
	v14 =	vmul.f32 $1.500000000e+01, v14;
	v8 =	vtrunc.f32 v8  }
0x238: {  	v63 =	vmul.f32 v28, v47;
	v4 =	vmul.f32 v28, v4  }
0x239: {  	v15 =	vmul.f32 $1.500000000e+01, v15;
	v3 =	vmul.f32 $1.500000000e+01, v3  }
0x23a: {  	v35 =	vmov v33;
	v23 =	vmul.f32 v28, v23;
	v2 =	vmul.f32 $1.500000000e+01, v2  }
0x23b: {  	[tilespmem:$0x1FFC0] =	vst v35;
	v20 =	vtrunc.f32 v20;
	v35 =	vmul.f32 $1.500000000e+01, v49  }
0x23c: {  	v52 =	vmul.f32 v28, v55;
	v17 =	vcvt.f32.s32 v17  }
0x23d: {  	v12 =	vtrunc.f32 v12;
	v18 =	vtrunc.f32 v18  }
0x23e: {  	v16 =	vcvt.f32.s32 v16;
	v6 =	vtrunc.f32 v6  }
0x23f: {  	v22 =	vmul.f32 $1.500000000e+01, v51;
	v13 =	vcvt.f32.s32 v13  }
0x240: {  	v27 =	vmul.f32 $1.500000000e+01, v27;
	v7 =	vmul.f32 $1.500000000e+01, v7  }
0x241: {  	v1 =	vtrunc.f32 v1;
	v21 =	vmul.f32 $1.500000000e+01, v21  }
0x242: {  	v20 =	vcvt.f32.s32 v20;
	v24 =	vtrunc.f32 v24  }
0x243: {  	v12 =	vcvt.f32.s32 v12;
	v18 =	vcvt.f32.s32 v18  }
0x244: {  	v10 =	vmul.f32 $1.500000000e+01, v10;
	v53 =	vcvt.f32.s32 v6  }
0x245: {  	v14 =	vtrunc.f32 v14;
	v4 =	vmul.f32 $1.500000000e+01, v4  }
0x246: {  	v15 =	vtrunc.f32 v15;
	v33 =	vmul.f32 $1.500000000e+01, v63  }
0x247: {  	v3 =	vtrunc.f32 v3;
	v11 =	vmul.f32 $1.500000000e+01, v23  }
0x248: {  	v1 =	vcvt.f32.s32 v1;
	v2 =	vtrunc.f32 v2  }
0x249: {  	v24 =	vcvt.f32.s32 v24;
	v28 =	vtrunc.f32 v35  }
0x24a: {  	v23 =	vmul.f32 $1.500000000e+01, v52;
	v54 =	vtrunc.f32 v22  }
0x24b: {  	vm11 =	vlt.s32 v17, $0xE;
	v27 =	vtrunc.f32 v27;
	v15 =	vcvt.f32.s32 v15  }
0x24c: {  	v3 =	vcvt.f32.s32 v3;
	vm12 =	vlt.s32 v20, $0xE;
	v7 =	vtrunc.f32 v7  }
0x24d: {  	v2 =	vcvt.f32.s32 v2;
	v17 =	vnsel vm11, $0xE, v17;
	v21 =	vtrunc.f32 v21  }
0x24e: {  	vm9 =	vlt.s32 v12, $0xE;
	v28 =	vcvt.f32.s32 v28;
	v10 =	vtrunc.f32 v10  }
0x24f: {  	vm11 =	vlt.s32 v18, $0xE;
	v4 =	vtrunc.f32 v4;
	v25 =	vcvt.f32.s32 v27  }
0x250: {  	vm13 =	vlt.s32 v1, $0xE;
	v26 =	vtrunc.f32 v33;
	v7 =	vcvt.f32.s32 v7  }
0x251: {  	v20 =	vnsel vm12, $0xE, v20;
	v27 =	vtrunc.f32 v34;
	v11 =	vtrunc.f32 v11  }
0x252: {  	vm12 =	vlt.s32 v24, $0xE;
	v21 =	vcvt.f32.s32 v21;
	v55 =	vtrunc.f32 v23  }
0x253: {  	v12 =	vnsel vm9, $0xE, v12;
	v45 =	vnsel vm11, $0xE, v18;
	vm9 =	vlt.s32 v9, $0xE  }
0x254: {  	vm11 =	vlt.s32 v53, $0xE;
	vm10 =	vlt.s32 v15, $0xE;
	v4 =	vcvt.f32.s32 v4  }
0x255: {  	vm14 =	vlt.s32 v3, $0xE;
	v26 =	vcvt.f32.s32 v26;
	v1 =	vnsel vm13, $0xE, v1  }
0x256: {  	v27 =	vcvt.f32.s32 v27;
	vm13 =	vlt.s32 v2, $0xE;
	v11 =	vcvt.f32.s32 v11  }
0x257: {  	v20 =	vadd.s32 $0x10, v20;
	v42 =	vnsel vm12, $0xE, v24;
	v63 =	vnsel vm9, $0xE, v9  }
0x258: {  	v46 =	vcvt.f32.s32 v55;
	v15 =	vnsel vm10, $0xE, v15;
	v1 =	vadd.s32 $0x10, v1  }
0x259: {  	vm15 =	vlt.s32 v25, $0xE;
	v3 =	vnsel vm14, $0xE, v3;
	v6 =	vadd.s32 $0x10, v15  }
0x25a: {  	vm10 =	vlt.s32 v16, $0xE;
	v15 =	vtrunc.f32 v0;
	v0 =	vadd.s32 $0x10, v17  }
0x25b: {  	vm14 =	vlt.s32 v7, $0xE;
	v40 =	vnsel vm13, $0xE, v2;
	v3 =	vadd.s32 $0x10, v3  }
0x25c: {  	vm13 =	vlt.s32 v28, $0xE;
	v25 =	vnsel vm15, $0xE, v25;
	v16 =	vnsel vm10, $0xE, v16;
	v36 =	vld.idx.msk [tilespmem:v20+s19+$0x0], $0xffff  }
0x25d: {  	v2 =	vcvt.f32.s32 v8;
	vm6 =	vlt.s32 v4, $0xE;
	v59 =	vadd.s32 $0x10, v25;
	v35 =	vld.idx.msk [tilespmem:v1+s19+$0x0], $0xffff  }
0x25e: {  	s20 =	sadd.s32 $0x80, s20;
	v63 =	vadd.s32 $0x20, v63;
	vm15 =	vlt.s32 v26, $0xE;
	v4 =	vnsel vm6, $0xE, v4;
	v48 =	vld.idx.msk [tilespmem:v6+s19+$0x0], $0xffff  }
0x25f: {  	p1 =	slt.u32 s20, $0xF80;
	[tilespmem:$0x1FFD0] =	vst v37;
	v37 =	vnsel vm14, $0xE, v7;
	vm10 =	vlt.s32 v13, $0xE;
	v25 =	vadd.s32 $0x10, v4;
	v43 =	vld.idx.msk [tilespmem:v0+s19+$0x0], $0xffff  }
.Ltmp2:
0x260: {  	vm12 =	vlt.s32 v27, $0xE;
	vm14 =	vlt.s32 v21, $0xE;
	v7 =	vcvt.f32.s32 v5;
	v34 =	vld.idx.msk [tilespmem:v3+s19+$0x0], $0xffff;
	(pc) =	sbr.rel @p1 .LBB2_3-.Ltmp2, $4  }
0x261: {  	v5 =	vcvt.f32.s32 v10;
	v8 =	vnsel vm13, $0xE, v28;
	v24 =	vnsel vm15, $0xE, v26;
	v49 =	vld.idx.msk [tilespmem:v16+s19+$0x0], $0xffff  }
0x262: {  	v44 =	vpop (erf);
	vm15 =	vlt.s32 v11, $0xE;
	v9 =	vnsel vm12, $0xE, v27;
	v10 =	vnsel vm14, $0xE, v21;
	v26 =	vld.idx.msk [tilespmem:v59+s19+$0x0], $0xffff  }
0x263: {  	[tilespmem:s7+$0x70] =	vst v41;
	v41 =	vpop (erf);
	v4 =	vcvt.f32.s32 v14;
	v1 =	vnsel vm11, $0xE, v53;
	v0 =	vnsel vm10, $0xE, v13;
	v59 =	vld.idx.msk [tilespmem:v12+s19+$0x0], $0xffff  }
0x264: {  	s12 =	sadd.s32 $0x80, s12;
	[tilespmem:s7+$0xFFFFF070] =	vst v39;
	s18 =	smov.u32 s17;
	s17 =	smov.u32 s7;
	v39 =	vpop (erf);
	v6 =	vcvt.f32.s32 v15;
	v3 =	vcvt.f32.s32 v54;
	v13 =	vnsel vm15, $0xE, v11;
	v25 =	vld.idx.msk [tilespmem:v25+s19+$0x0], $0xffff  }
0x265: {  	v11 =	vld [tilespmem:$0x1FE40];
	_ =	sdelay $0x4  }
0x266: {  	v11 =	vmul.f32 v44, v11;
	_ =	sdelay $0x1  }
0x267: {  	v12 =	vld [tilespmem:$0x1FE30];
	[tilespmem:s18+$0xFFFFE000] =	vst v11  }
0x268: {  	v11 =	vld [tilespmem:$0x1FE70];
	_ =	sdelay $0x3  }
0x269: {  	v12 =	vmul.f32 v44, v12  }
0x26a: {  	v11 =	vmul.f32 v44, v11  }
0x26b: {  	[tilespmem:s18+$0xFFFFF000] =	vst v12;
	v12 =	vmul.f32 v44, v62  }
0x26c: {  	[tilespmem:s18+$0x0] =	vst v11  }
0x26d: {  	v11 =	vld [tilespmem:$0x1FE90];
	[tilespmem:s18+$0x1000] =	vst v12  }
0x26e: {  	v12 =	vld [tilespmem:$0x1FE80];
	_ =	sdelay $0x3  }
0x26f: {  	v11 =	vmul.f32 v41, v11  }
0x270: {  	v12 =	vmul.f32 v41, v12  }
0x271: {  	v14 =	vld [tilespmem:$0x1FEB0];
	[tilespmem:s18+$0xFFFFE010] =	vst v11  }
0x272: {  	[tilespmem:s18+$0xFFFFF010] =	vst v12  }
0x273: {  	v15 =	vld [tilespmem:$0x1FE60];
	_ =	sdelay $0x2  }
0x274: {  	v14 =	vmul.f32 v41, v14  }
0x275: {  	v11 =	vmul.f32 v41, v58  }
0x276: {  	[tilespmem:s18+$0x10] =	vst v14;
	v15 =	vmul.f32 v39, v15  }
0x277: {  	v14 =	vld [tilespmem:$0x1FE20];
	[tilespmem:s18+$0x1010] =	vst v11  }
0x278: {  	[tilespmem:s18+$0xFFFFE020] =	vst v15  }
0x279: {  	v17 =	vld [tilespmem:$0x1FEF0]  }
0x27a: {  	(erf) = vrcp.f32 v32;
	_ =	sdelay $0x1  }
0x27b: {  	v14 =	vmul.f32 v39, v14  }
0x27c: {  	v16 =	vmul.f32 v39, v56  }
0x27d: {  	vm0 =	vlt.s32 v7, $0xE;
	[tilespmem:s18+$0xFFFFF020] =	vst v14;
	v17 =	vmul.f32 v39, v17  }
0x27e: {  	v7 =	vnsel vm0, $0xE, v7;
	v14 =	vld [tilespmem:$0x1FF10];
	[tilespmem:s18+$0x20] =	vst v16  }
0x27f: {  	v7 =	vadd.s32 $0x30, v7;
	v19 =	vld [tilespmem:$0x1FF00];
	[tilespmem:s18+$0x1020] =	vst v17  }
0x280: {  	v17 =	vld [tilespmem:$0x1FF40];
	_ =	sdelay $0x1  }
0x281: {  	(erf) = vrcp.f32 v31;
	v15 =	vpop (erf)  }
0x282: {  	v14 =	vmul.f32 v15, v14  }
0x283: {  	v7 =	vld.idx.msk [tilespmem:v7+s19+$0x0], $0xffff;
	v19 =	vmul.f32 v15, v19  }
0x284: {  	v12 =	vld.idx.msk [tilespmem:v63+s19+$0x0], $0xffff;
	[tilespmem:s18+$0xFFFFE030] =	vst v14;
	v17 =	vmul.f32 v15, v17  }
0x285: {  	v20 =	vld [tilespmem:$0x1FFA0];
	[tilespmem:s18+$0xFFFFF030] =	vst v19  }
0x286: {  	v19 =	vld [tilespmem:$0x1FF20];
	[tilespmem:s18+$0x30] =	vst v17  }
0x287: {  	v47 =	vld [tilespmem:$0x1FF30]  }
0x288: {  	v21 =	vld [tilespmem:$0x1FF50]  }
0x289: {  	v11 =	vadd.f32 v48, v59  }
0x28a: {  	(erf) = vrcp.f32 v30;
	v14 =	vpop (erf);
	v15 =	vmul.f32 v15, v20  }
0x28b: {  	v11 =	vadd.f32 v12, v11;
	v19 =	vmul.f32 v14, v19  }
0x28c: {  	[tilespmem:s18+$0x1030] =	vst v15;
	v20 =	vmul.f32 v14, v47  }
0x28d: {  	v11 =	vadd.f32 v7, v11;
	[tilespmem:s18+$0xFFFFE040] =	vst v19;
	v21 =	vmul.f32 v14, v21  }
0x28e: {  	v19 =	vld [tilespmem:$0x1FFB0];
	[tilespmem:s18+$0xFFFFF040] =	vst v20  }
0x28f: {  	vm13 =	vlt.s32 v2, $0xE;
	vm15 =	veq.f32 v11, $0.0e+00;
	v50 =	vld [tilespmem:$0x1FF60];
	[tilespmem:s18+$0x40] =	vst v21  }
0x290: {  	v0 =	vadd.s32 $0x20, v0;
	v2 =	vnsel vm13, $0xE, v2;
	v11 =	vsel vm15, $0x3F800000, v11;
	v21 =	vld [tilespmem:$0x1FF70]  }
0x291: {  	v2 =	vadd.s32 $0x30, v2;
	v22 =	vld [tilespmem:$0x1FF90]  }
0x292: {  	(erf) = vrcp.f32 v29  }
0x293: {  	(erf) = vrcp.f32 v11;
	v11 =	vpop (erf);
	v14 =	vmul.f32 v14, v19  }
0x294: {  	v19 =	vmul.f32 v11, v50  }
0x295: {  	v1 =	vadd.s32 $0x20, v1;
	vm2 =	vlt.s32 v6, $0xE;
	v0 =	vld.idx.msk [tilespmem:v0+s19+$0x0], $0xffff;
	[tilespmem:s18+$0x1040] =	vst v14;
	v21 =	vmul.f32 v11, v21  }
0x296: {  	v6 =	vnsel vm2, $0xE, v6;
	v2 =	vld.idx.msk [tilespmem:v2+s19+$0x0], $0xffff;
	v22 =	vmul.f32 v11, v22;
	[tilespmem:s18+$0xFFFFE050] =	vst v19  }
0x297: {  	v6 =	vadd.s32 $0x30, v6;
	v44 =	vld.idx.msk [tilespmem:v45+s19+$0x0], $0xffff;
	[tilespmem:s18+$0xFFFFF050] =	vst v21  }
0x298: {  	v21 =	vld [tilespmem:$0x1FFC0];
	[tilespmem:s18+$0x50] =	vst v22  }
0x299: {  	v18 =	vadd.f32 v43, v49;
	v22 =	vld [tilespmem:$0x1FF80]  }
0x29a: {  	v9 =	vadd.s32 $0x20, v9;
	v8 =	vadd.s32 $0x20, v8;
	vm3 =	vlt.s32 v4, $0xE;
	v1 =	vld.idx.msk [tilespmem:v1+s19+$0x0], $0xffff  }
0x29b: {  	v51 =	vld.idx.msk [tilespmem:v40+s19+$0x0], $0xffff;
	vm4 =	vlt.s32 v3, $0xE;
	v4 =	vnsel vm3, $0xE, v4;
	v18 =	vadd.f32 v0, v18  }
0x29c: {  	v3 =	vnsel vm4, $0xE, v3;
	v4 =	vadd.s32 $0x30, v4;
	v6 =	vld.idx.msk [tilespmem:v6+s19+$0x0], $0xffff  }
0x29d: {  	v18 =	vadd.f32 v2, v18;
	v45 =	vld.idx.msk [tilespmem:v42+s19+$0x0], $0xffff;
	v53 =	vpop (erf);
	v15 =	vadd.f32 v36, v44;
	v11 =	vmul.f32 v11, v21  }
0x29e: {  	v54 =	vld.idx.msk [tilespmem:v37+s19+$0x0], $0xffff;
	v3 =	vadd.s32 $0x30, v3;
	v22 =	vmul.f32 v53, v22  }
0x29f: {  	v9 =	vld.idx.msk [tilespmem:v9+s19+$0x0], $0xffff;
	vm4 =	veq.f32 v18, $0.0e+00;
	v15 =	vadd.f32 v1, v15;
	[tilespmem:s18+$0x1050] =	vst v11;
	v11 =	vmul.f32 v53, v61  }
0x2a0: {  	v10 =	vadd.s32 $0x20, v10;
	v8 =	vld.idx.msk [tilespmem:v8+s19+$0x0], $0xffff;
	v14 =	vsel vm4, $0x3F800000, v18;
	[tilespmem:s18+$0xFFFFE060] =	vst v22  }
0x2a1: {  	vm1 =	vlt.s32 v5, $0xE;
	v4 =	vld.idx.msk [tilespmem:v4+s19+$0x0], $0xffff;
	v15 =	vadd.f32 v6, v15;
	(erf) = vrcp.f32 v14;
	[tilespmem:s18+$0xFFFFF060] =	vst v11  }
0x2a2: {  	v5 =	vnsel vm1, $0xE, v5;
	v52 =	vadd.f32 v35, v45;
	v11 =	vld [tilespmem:$0x1FFD0]  }
0x2a3: {  	v5 =	vadd.s32 $0x30, v5;
	v23 =	vadd.f32 v34, v51;
	v3 =	vld.idx.msk [tilespmem:v3+s19+$0x0], $0xffff;
	vm5 =	veq.f32 v15, $0.0e+00  }
0x2a4: {  	v13 =	vadd.s32 $0x20, v13;
	v15 =	vsel vm5, $0x3F800000, v15;
	v18 =	vadd.f32 v9, v52  }
0x2a5: {  	vm14 =	vlt.s32 v46, $0xE;
	v23 =	vadd.f32 v8, v23;
	v55 =	vmul.f32 v53, v60  }
0x2a6: {  	v10 =	vld.idx.msk [tilespmem:v10+s19+$0x0], $0xffff;
	v14 =	vnsel vm14, $0xE, v46;
	v18 =	vadd.f32 v4, v18;
	(erf) = vrcp.f32 v15  }
0x2a7: {  	v56 =	vld.idx.msk [tilespmem:v24+s19+$0x0], $0xffff;
	v24 =	vadd.f32 v26, v54;
	v14 =	vadd.s32 $0x30, v14;
	v15 =	vpop (erf);
	v11 =	vmul.f32 v53, v11  }
0x2a8: {  	v5 =	vld.idx.msk [tilespmem:v5+s19+$0x0], $0xffff;
	v23 =	vadd.f32 v3, v23;
	v12 =	vmul.f32 v15, v12;
	vm6 =	veq.f32 v18, $0.0e+00;
	[tilespmem:s18+$0x60] =	vst v55  }
0x2a9: {  	v57 =	vmul.f32 v15, v59;
	v18 =	vsel vm6, $0x3F800000, v18;
	[tilespmem:s18+$0x1060] =	vst v11;
	v11 =	vmul.f32 v15, v48  }
0x2aa: {  	v13 =	vld.idx.msk [tilespmem:v13+s19+$0x0], $0xffff;
	vm7 =	veq.f32 v23, $0.0e+00;
	v7 =	vmul.f32 v15, v7;
	(erf) = vrcp.f32 v18;
	v58 =	vpop (erf);
	[tilespmem:s17+$0x0] =	vst v12  }
0x2ab: {  	v59 =	vsel vm7, $0x3F800000, v23;
	v12 =	vmul.f32 v58, v49;
	[tilespmem:s17+$0xFFFFF000] =	vst v11;
	v11 =	vadd.f32 v10, v24  }
0x2ac: {  	v14 =	vld.idx.msk [tilespmem:v14+s19+$0x0], $0xffff;
	(erf) = vrcp.f32 v59;
	[tilespmem:s17+$0xFFFFE000] =	vst v57  }
0x2ad: {  	[tilespmem:s17+$0x1000] =	vst v7;
	v7 =	vmul.f32 v58, v43;
	v15 =	vadd.f32 v25, v56;
	v11 =	vadd.f32 v5, v11  }
0x2ae: {  	v0 =	vmul.f32 v58, v0;
	[tilespmem:s17+$0xFFFFE010] =	vst v12  }
0x2af: {  	v2 =	vmul.f32 v58, v2;
	[tilespmem:s17+$0xFFFFF010] =	vst v7;
	v12 =	vpop (erf);
	v7 =	vadd.f32 v13, v15;
	vm8 =	veq.f32 v11, $0.0e+00  }
0x2b0: {  	[tilespmem:s17+$0x10] =	vst v0;
	v6 =	vmul.f32 v12, v6;
	v0 =	vsel vm8, $0x3F800000, v11  }
0x2b1: {  	[tilespmem:s17+$0x1010] =	vst v2;
	v15 =	vmul.f32 v12, v44;
	v2 =	vadd.f32 v14, v7;
	(erf) = vrcp.f32 v0  }
0x2b2: {  	[tilespmem:s17+$0x1020] =	vst v6;
	v0 =	vmul.f32 v12, v1  }
0x2b3: {  	[tilespmem:s17+$0xFFFFE020] =	vst v15;
	vm9 =	veq.f32 v2, $0.0e+00;
	v11 =	vmul.f32 v12, v36;
	v1 =	vpop (erf)  }
0x2b4: {  	[tilespmem:s17+$0x20] =	vst v0;
	v0 =	vsel vm9, $0x3F800000, v2;
	v2 =	vmul.f32 v1, v35  }
0x2b5: {  	[tilespmem:s17+$0xFFFFF020] =	vst v11;
	v7 =	vmul.f32 v1, v45;
	v6 =	vpop (erf);
	(erf) = vrcp.f32 v0  }
0x2b6: {  	v0 =	vmul.f32 v1, v9;
	[tilespmem:s17+$0xFFFFF030] =	vst v2;
	v2 =	vmul.f32 v6, v51  }
0x2b7: {  	[tilespmem:s17+$0xFFFFE030] =	vst v7;
	v1 =	vmul.f32 v1, v4  }
0x2b8: {  	[tilespmem:s17+$0x30] =	vst v0  }
0x2b9: {  	v0 =	vmul.f32 v6, v34;
	[tilespmem:s17+$0x1030] =	vst v1  }
0x2ba: {  	v3 =	vmul.f32 v6, v3;
	[tilespmem:s17+$0xFFFFE040] =	vst v2;
	v2 =	vpop (erf)  }
0x2bb: {  	v1 =	vmul.f32 v6, v8;
	[tilespmem:s17+$0xFFFFF040] =	vst v0;
	v0 =	vmul.f32 v2, v54  }
0x2bc: {  	[tilespmem:s17+$0x1040] =	vst v3  }
0x2bd: {  	[tilespmem:s17+$0x40] =	vst v1;
	v1 =	vmul.f32 v2, v26  }
0x2be: {  	v3 =	vmul.f32 v2, v10;
	[tilespmem:s17+$0xFFFFE050] =	vst v0  }
0x2bf: {  	[tilespmem:s17+$0xFFFFF050] =	vst v1;
	v1 =	vmul.f32 v2, v5;
	v0 =	vpop (erf)  }
0x2c0: {  	[tilespmem:s17+$0x50] =	vst v3;
	v2 =	vmul.f32 v0, v56  }
0x2c1: {  	[tilespmem:s17+$0x1050] =	vst v1;
	v1 =	vmul.f32 v0, v25  }
0x2c2: {  	[tilespmem:s17+$0xFFFFE060] =	vst v2;
	v2 =	vmul.f32 v0, v13  }
0x2c3: {  	s7 =	sor.u32 s4, s16;
	[tilespmem:s17+$0xFFFFF060] =	vst v1;
	v0 =	vmul.f32 v0, v14  }
0x2c4: {  	s7 =	sshrl.u32 s7, $0x3;
	[tilespmem:s17+$0x60] =	vst v2  }
0x2c5: {  	s7 =	sadd.s32 s6, s7;
	[tilespmem:s17+$0x1060] =	vst v0;
	s17 =	sor.u32 s8, s16  }
0x2c6: {  	[hbm4b:s7+s3] =	stream.linear.scatter [tilespmem:s30], [sflag:$0x3], $0x1000, $0x38;
	[tilespmem:$0x10080] =	vst v63  }
0x2c7: {  	s7 =	sshrl.u32 s17, $0x3  }
0x2c8: {  	s18 =	sor.u32 s9, s16;
	s7 =	sadd.s32 s6, s7  }
0x2c9: {  	[hbm4b:s7+s3] =	stream.linear.scatter [tilespmem:s31], [sflag:$0x3], $0x1000, $0x38;
	[tilespmem:$0x10080] =	vst v63  }
0x2ca: {  	s7 =	sshrl.u32 s18, $0x3  }
0x2cb: {  	s20 =	sor.u32 s10, s16;
	s7 =	sadd.s32 s6, s7  }
0x2cc: {  	[hbm4b:s7+s3] =	stream.linear.scatter [tilespmem:s1], [sflag:$0x3], $0x1000, $0x38;
	[tilespmem:$0x10080] =	vst v63  }
0x2cd: {  	s7 =	sshrl.u32 s20, $0x3  }
0x2ce: {  	p1 =	seq.s32 s15, $0x7;
	s7 =	sadd.s32 s6, s7  }
0x2cf: {  	[hbm4b:s7+s3] =	stream.linear.scatter [tilespmem:s0], [sflag:$0x3], $0x1000, $0x38;
	[tilespmem:$0x10080] =	vst v63  }
0x2d0: {  	s7 =	sadd.s32 @!p1 $0x2000, s16  }
0x2d1: {  	s12 =	sadd.s32 @!p1 s4, s7  }
0x2d2: {  	s12 =	sshrl.u32 @!p1 s12, $0x3  }
0x2d3: {  	s17 =	simm.s32 @!p1 $0x0;
	s12 =	sadd.s32 @!p1 s2, s12  }
0x2d4: {  	[tilespmem:s17], [sflag:$0x1] =	stream.linear.gather @!p1 [hbm4b:s12+s17], $0x1000, $0x38;
	[tilespmem:$0x10080] =	vst v63  }
0x2d5: {  	s12 =	sadd.s32 @!p1 s8, s7  }
0x2d6: {  	s12 =	sshrl.u32 @!p1 s12, $0x3  }
0x2d7: {  	s18 =	simm.s32 @!p1 $0x1000;
	s12 =	sadd.s32 @!p1 s2, s12  }
0x2d8: {  	[tilespmem:s18], [sflag:$0x1] =	stream.linear.gather @!p1 [hbm4b:s12+s17], $0x1000, $0x38;
	[tilespmem:$0x10080] =	vst v63  }
0x2d9: {  	s12 =	sadd.s32 @!p1 s9, s7  }
0x2da: {  	s7 =	sadd.s32 @!p1 s10, s7;
	s12 =	sshrl.u32 @!p1 s12, $0x3  }
0x2db: {  	s18 =	simm.s32 @!p1 $0x2000;
	s7 =	sshrl.u32 @!p1 s7, $0x3;
	s12 =	sadd.s32 @!p1 s2, s12  }
0x2dc: {  	[tilespmem:s18], [sflag:$0x1] =	stream.linear.gather @!p1 [hbm4b:s12+s17], $0x1000, $0x38;
	[tilespmem:$0x10080] =	vst v63  }
0x2dd: {  	s7 =	sadd.s32 @!p1 s2, s7;
	s12 =	simm.s32 @!p1 $0x3000  }
0x2de: {  	[tilespmem:s12], [sflag:$0x1] =	stream.linear.gather @!p1 [hbm4b:s7+s17], $0x1000, $0x38;
	[tilespmem:$0x10080] =	vst v63  }
0x2df: {  	_ =	swait.ge [sflag:s21], $0x1000  }
0x2e0: {  	[sflag:s21] =	ssyncset.done $0x0  }
0x2e1: {  	[sflag:s21] =	ssyncadd.s32 $0xFFFFF000  }
0x2e2: {  	_ =	swait.ge [sflag:s21], $0x1000  }
0x2e3: {  	[sflag:s21] =	ssyncset.done $0x0  }
0x2e4: {  	[sflag:s21] =	ssyncadd.s32 $0xFFFFF000  }
0x2e5: {  	_ =	swait.ge [sflag:s21], $0x1000  }
0x2e6: {  	[sflag:s21] =	ssyncset.done $0x0  }
0x2e7: {  	[sflag:s21] =	ssyncadd.s32 $0xFFFFF000  }
0x2e8: {  	_ =	swait.ge [sflag:s21], $0x1000  }
0x2e9: {  	[sflag:s21] =	ssyncset.done $0x0  }
0x2ea: {  	s7 =	simm.s32 @!p0 $0x4;
	[sflag:s21] =	ssyncadd.s32 $0xFFFFF000  }
0x2eb: {  	_ =	swait.ge @!p0 [sflag:s7], $0x1000  }
0x2ec: {  	[sflag:s7] =	ssyncset.done @!p0 $0x0  }
0x2ed: {  	[sflag:s7] =	ssyncadd.s32 @!p0 $0xFFFFF000  }
0x2ee: {  	_ =	swait.ge @!p0 [sflag:s7], $0x1000  }
0x2ef: {  	[sflag:s7] =	ssyncset.done @!p0 $0x0  }
0x2f0: {  	[sflag:s7] =	ssyncadd.s32 @!p0 $0xFFFFF000  }
0x2f1: {  	_ =	swait.ge @!p0 [sflag:s7], $0x1000  }
0x2f2: {  	[sflag:s7] =	ssyncset.done @!p0 $0x0  }
0x2f3: {  	[sflag:s7] =	ssyncadd.s32 @!p0 $0xFFFFF000  }
0x2f4: {  	_ =	swait.ge @!p0 [sflag:s7], $0x1000  }
0x2f5: {  	[sflag:s7] =	ssyncset.done @!p0 $0x0  }
0x2f6: {  	s17 =	simm.s32 $0x0;
	[sflag:s7] =	ssyncadd.s32 @!p0 $0xFFFFF000  }
0x2f7: {  	v0 =	vld [tilespmem:s17+$0x4070]  }
0x2f8: {  	v1 =	vld [tilespmem:s17+$0x5070]  }
0x2f9: {  	v2 =	vld [tilespmem:s17+$0x6070]  }
0x2fa: {  	v3 =	vld [tilespmem:s17+$0x7070];
	_ =	sdelay $0x2  }
0x2fb: {  	v4 =	vmax.f32 v0, v1  }
0x2fc: {  	v4 =	vmax.f32 v4, v2  }
0x2fd: {  	v4 =	vmax.f32 v4, v3  }
0x2fe: {  	v0 =	vsub.f32 v0, v4  }
0x2ff: {  	v1 =	vsub.f32 v1, v4  }
0x300: {  	v0 =	vmul.f32 $1.442695020e+00, v0  }
0x301: {  	v2 =	vsub.f32 v2, v4;
	v1 =	vmul.f32 $1.442695020e+00, v1  }
0x302: {  	(erf) = vpow2.f32 v0  }
0x303: {  	v3 =	vsub.f32 v3, v4;
	v2 =	vmul.f32 $1.442695020e+00, v2;
	(erf) = vpow2.f32 v1;
	_ =	sdelay $0x1  }
0x304: {  	v1 =	vmul.f32 $1.442695020e+00, v3;
	(erf) = vpow2.f32 v2;
	_ =	sdelay $0x1  }
0x305: {  	(erf) = vpow2.f32 v1;
	_ =	sdelay $0x3  }
0x306: {  	v15 =	vpop (erf)  }
0x307: {  	v61 =	vpop (erf)  }
0x308: {  	v1 =	vadd.f32 v61, v15  }
0x309: {  	v44 =	vpop (erf)  }
0x30a: {  	v1 =	vadd.f32 v1, v44  }
0x30b: {  	v47 =	vpop (erf)  }
0x30c: {  	v5 =	vld [tilespmem:s17+$0x4000];
	v1 =	vadd.f32 v1, v47  }
0x30d: {  	v9 =	vld [tilespmem:s17+$0x5010]  }
0x30e: {  	v0 =	vld [tilespmem:s17+$0x4010];
	(erf) = vrcp.f32 v1  }
0x30f: {  	v46 =	vld [tilespmem:s17+$0x6010]  }
0x310: {  	v8 =	vld [tilespmem:s17+$0x5000]  }
0x311: {  	v12 =	vld [tilespmem:s17+$0x4040]  }
0x312: {  	v6 =	vld [tilespmem:s17+$0x7010]  }
0x313: {  	v13 =	vld [tilespmem:s17+$0x5040];
	v24 =	vmax.f32 v0, v9  }
0x314: {  	v14 =	vld [tilespmem:s17+$0x4050];
	v24 =	vmax.f32 v24, v46  }
0x315: {  	v60 =	vld [tilespmem:s17+$0x5050]  }
0x316: {  	v62 =	vld [tilespmem:s17+$0x4060]  }
0x317: {  	v63 =	vld [tilespmem:s17+$0x5060];
	v51 =	vmax.f32 v24, v6;
	v24 =	vpop (erf)  }
0x318: {  	v45 =	vld [tilespmem:s17+$0x6000];
	v15 =	vmul.f32 v24, v15  }
0x319: {  	v29 =	vld [tilespmem:s17+$0x6040]  }
0x31a: {  	v30 =	vld [tilespmem:s17+$0x6050];
	v15 =	vmul.f32 $1.500000000e+01, v15  }
0x31b: {  	v52 =	vld [tilespmem:s17+$0x7040]  }
0x31c: {  	v54 =	vld [tilespmem:s17+$0x7050];
	v15 =	vtrunc.f32 v15  }
0x31d: {  	v7 =	vmax.f32 v5, v8;
	v4 =	vld [tilespmem:s17+$0x7000];
	v17 =	vmul.f32 v24, v61;
	v15 =	vcvt.f32.s32 v15  }
0x31e: {  	v31 =	vmax.f32 v12, v13;
	v48 =	vmax.f32 v14, v60;
	v33 =	vmax.f32 v62, v63  }
0x31f: {  	v10 =	vld [tilespmem:s17+$0x4020];
	v49 =	vmax.f32 v7, v45;
	v17 =	vmul.f32 $1.500000000e+01, v17;
	vm10 =	vlt.s32 v15, $0xE  }
0x320: {  	v11 =	vld [tilespmem:s17+$0x5030];
	v31 =	vmax.f32 v31, v29;
	v32 =	vmax.f32 v48, v30;
	v15 =	vnsel vm10, $0xE, v15  }
0x321: {  	v27 =	vld [tilespmem:s17+$0x6020];
	v31 =	vmax.f32 v31, v52;
	v32 =	vmax.f32 v32, v54;
	v17 =	vtrunc.f32 v17  }
0x322: {  	v12 =	vsub.f32 v12, v31;
	v3 =	vld [tilespmem:s17+$0x4030];
	v34 =	vmax.f32 v49, v4;
	v17 =	vcvt.f32.s32 v17  }
0x323: {  	v2 =	vld [tilespmem:s17+$0x5020];
	v5 =	vsub.f32 v5, v34;
	v0 =	vsub.f32 v0, v51;
	v18 =	vmul.f32 v24, v44  }
0x324: {  	v28 =	vld [tilespmem:s17+$0x6030];
	v8 =	vsub.f32 v8, v34;
	v23 =	vmul.f32 v24, v47;
	vm11 =	vlt.s32 v17, $0xE  }
0x325: {  	v24 =	vmul.f32 $1.442695020e+00, v0;
	v18 =	vmul.f32 $1.500000000e+01, v18;
	v17 =	vnsel vm11, $0xE, v17;
	v0 =	vld.idx.msk [tilespmem:v15+s19+$0x0], $0xffff  }
0x326: {  	v50 =	vld [tilespmem:s17+$0x7030];
	v5 =	vmul.f32 $1.442695020e+00, v5;
	v8 =	vmul.f32 $1.442695020e+00, v8;
	v17 =	vadd.s32 $0x10, v17  }
0x327: {  	v7 =	vld [tilespmem:s17+$0x7020];
	v13 =	vsub.f32 v13, v31;
	v23 =	vmul.f32 $1.500000000e+01, v23;
	v18 =	vtrunc.f32 v18  }
0x328: {  	v26 =	vmax.f32 v3, v11;
	v25 =	vmax.f32 v10, v2;
	v18 =	vcvt.f32.s32 v18  }
0x329: {  	v55 =	vld [tilespmem:s17+$0x7060];
	v26 =	vmax.f32 v26, v28;
	v25 =	vmax.f32 v25, v27;
	v23 =	vtrunc.f32 v23  }
0x32a: {  	v9 =	vsub.f32 v9, v51;
	v1 =	vld [tilespmem:s17+$0x6060];
	v23 =	vcvt.f32.s32 v23;
	vm12 =	vlt.s32 v18, $0xE;
	[tilespmem:$0x1FA60] =	vst v0  }
0x32b: {  	v53 =	vmax.f32 v26, v50;
	(erf) = vpow2.f32 v5;
	v18 =	vnsel vm12, $0xE, v18;
	v5 =	vld.idx.msk [tilespmem:v17+s19+$0x0], $0xffff  }
0x32c: {  	v38 =	vmax.f32 v25, v7;
	vm13 =	vlt.s32 v23, $0xE;
	v18 =	vadd.s32 $0x20, v18  }
0x32d: {  	v3 =	vsub.f32 v3, v53;
	v11 =	vsub.f32 v11, v53;
	v23 =	vnsel vm13, $0xE, v23  }
0x32e: {  	v10 =	vsub.f32 v10, v38;
	v9 =	vmul.f32 $1.442695020e+00, v9;
	v15 =	vadd.s32 $0x30, v23  }
0x32f: {  	v2 =	vsub.f32 v2, v38;
	v3 =	vmul.f32 $1.442695020e+00, v3;
	(erf) = vpow2.f32 v8  }
0x330: {  	v10 =	vmul.f32 $1.442695020e+00, v10;
	v8 =	vsub.f32 v14, v32;
	(erf) = vpow2.f32 v24;
	[tilespmem:$0x1FA70] =	vst v5  }
0x331: {  	v2 =	vmul.f32 $1.442695020e+00, v2;
	v33 =	vmax.f32 v33, v1;
	(erf) = vpow2.f32 v9;
	v18 =	vld.idx.msk [tilespmem:v18+s19+$0x0], $0xffff  }
0x332: {  	v8 =	vmul.f32 $1.442695020e+00, v8;
	v56 =	vmax.f32 v33, v55;
	(erf) = vpow2.f32 v10  }
0x333: {  	v9 =	vsub.f32 v62, v56;
	v10 =	vmul.f32 $1.442695020e+00, v11;
	(erf) = vpow2.f32 v2;
	v24 =	vld.idx.msk [tilespmem:v15+s19+$0x0], $0xffff  }
0x334: {  	v2 =	vmul.f32 $1.442695020e+00, v12;
	(erf) = vpow2.f32 v3;
	v11 =	vadd.f32 v5, v0  }
0x335: {  	v14 =	vsub.f32 v60, v32;
	v12 =	vmul.f32 $1.442695020e+00, v13;
	(erf) = vpow2.f32 v10  }
0x336: {  	v9 =	vmul.f32 $1.442695020e+00, v9;
	(erf) = vpow2.f32 v2;
	v10 =	vadd.f32 v18, v11  }
0x337: {  	v25 =	vpop (erf);
	v3 =	vsub.f32 v63, v56;
	(erf) = vpow2.f32 v12;
	v11 =	vmul.f32 $1.442695020e+00, v14  }
0x338: {  	v26 =	vpop (erf);
	v13 =	vsub.f32 v27, v38;
	(erf) = vpow2.f32 v8;
	v10 =	vadd.f32 v24, v10  }
0x339: {  	v2 =	vsub.f32 v45, v34;
	v3 =	vmul.f32 $1.442695020e+00, v3;
	v23 =	vpop (erf);
	(erf) = vpow2.f32 v11  }
0x33a: {  	v8 =	vsub.f32 v46, v51;
	v22 =	vpop (erf);
	(erf) = vpow2.f32 v9;
	vm14 =	veq.f32 v10, $0.0e+00  }
0x33b: {  	v2 =	vmul.f32 $1.442695020e+00, v2;
	v11 =	vpop (erf);
	(erf) = vpow2.f32 v3;
	v9 =	vsel vm14, $0x3F800000, v10  }
0x33c: {  	v8 =	vmul.f32 $1.442695020e+00, v8;
	v3 =	vsub.f32 v28, v53;
	v12 =	vpop (erf);
	(erf) = vrcp.f32 v9  }
0x33d: {  	v10 =	vmul.f32 $1.442695020e+00, v13;
	v9 =	vsub.f32 v29, v31;
	v57 =	vpop (erf);
	(erf) = vpow2.f32 v2  }
0x33e: {  	v13 =	vsub.f32 v30, v32;
	v14 =	vmul.f32 $1.442695020e+00, v3;
	v58 =	vpop (erf);
	(erf) = vpow2.f32 v8  }
0x33f: {  	v8 =	vsub.f32 v1, v56;
	v9 =	vmul.f32 $1.442695020e+00, v9;
	v5 =	vpop (erf);
	(erf) = vpow2.f32 v10  }
0x340: {  	v13 =	vmul.f32 $1.442695020e+00, v13;
	v10 =	vsub.f32 v4, v34;
	v4 =	vpop (erf);
	(erf) = vpow2.f32 v14  }
0x341: {  	v6 =	vsub.f32 v6, v51;
	v8 =	vmul.f32 $1.442695020e+00, v8;
	v2 =	vpop (erf);
	(erf) = vpow2.f32 v9  }
0x342: {  	v14 =	vmul.f32 $1.442695020e+00, v10;
	v3 =	vpop (erf);
	(erf) = vpow2.f32 v13  }
0x343: {  	v7 =	vsub.f32 v7, v38;
	v15 =	vmul.f32 $1.442695020e+00, v6;
	v0 =	vpop (erf);
	(erf) = vpow2.f32 v8  }
0x344: {  	[tilespmem:$0x1FA80] =	vst v57;
	v13 =	vsub.f32 v50, v53;
	v8 =	vsub.f32 v52, v31;
	v1 =	vpop (erf);
	(erf) = vpow2.f32 v14  }
0x345: {  	v59 =	vmul.f32 $1.442695020e+00, v7;
	[tilespmem:$0x1FA90] =	vst v58;
	(erf) = vpow2.f32 v15;
	v28 =	vpop (erf);
	v15 =	vsub.f32 v55, v56  }
0x346: {  	[tilespmem:$0x1FAA0] =	vst v5;
	v14 =	vsub.f32 v54, v32;
	v13 =	vmul.f32 $1.442695020e+00, v13;
	v8 =	vmul.f32 $1.442695020e+00, v8;
	v37 =	vpop (erf)  }
0x347: {  	[tilespmem:$0x1FAB0] =	vst v4;
	(erf) = vpow2.f32 v59;
	v31 =	vpop (erf);
	v15 =	vmul.f32 $1.442695020e+00, v15  }
0x348: {  	[tilespmem:$0x1FAF0] =	vst v2;
	v14 =	vmul.f32 $1.442695020e+00, v14;
	(erf) = vpow2.f32 v13;
	v38 =	vpop (erf)  }
0x349: {  	[tilespmem:$0x1FB00] =	vst v3;
	(erf) = vpow2.f32 v8;
	v32 =	vpop (erf)  }
0x34a: {  	v60 =	vadd.f32 v26, v25;
	v61 =	vadd.f32 v12, v11;
	[tilespmem:$0x1FB50] =	vst v0;
	(erf) = vpow2.f32 v14;
	v10 =	vpop (erf)  }
0x34b: {  	s18 =	simm.s32 $0x80;
	v19 =	vadd.f32 v58, v57;
	v62 =	vadd.f32 v3, v2;
	[tilespmem:$0x1FB60] =	vst v1;
	(erf) = vpow2.f32 v15;
	v15 =	vpop (erf)  }
0x34c: {  	v27 =	vadd.f32 v1, v0;
	v63 =	vld [tilespmem:s18+$0x4070];
	v13 =	vadd.f32 v22, v23;
	v0 =	vpop (erf)  }
0x34d: {  	v29 =	vld [tilespmem:s18+$0x5070];
	v16 =	vadd.f32 v60, v37;
	v14 =	vadd.f32 v4, v5;
	[tilespmem:$0x1FB70] =	vst v0  }
0x34e: {  	v30 =	vadd.f32 v13, v31;
	v17 =	vadd.f32 v61, v38;
	v48 =	vpop (erf);
	v45 =	vld [tilespmem:s18+$0x6070]  }
0x34f: {  	v46 =	vadd.f32 v14, v10;
	v47 =	vld [tilespmem:s18+$0x7070];
	v14 =	vadd.f32 v16, v48;
	v42 =	vpop (erf)  }
0x350: {  	v19 =	vadd.f32 v19, v32;
	v49 =	vadd.f32 v27, v0;
	v40 =	vpop (erf)  }
0x351: {  	v27 =	vadd.f32 v30, v42;
	v17 =	vadd.f32 v17, v40  }
0x352: {  	v20 =	vadd.f32 v62, v15;
	v30 =	vmax.f32 v63, v29;
	(erf) = vrcp.f32 v14;
	v39 =	vpop (erf)  }
0x353: {  	v50 =	vadd.f32 v19, v39;
	(erf) = vrcp.f32 v27;
	v14 =	vpop (erf);
	v27 =	vmax.f32 v30, v45  }
0x354: {  	(erf) = vrcp.f32 v17;
	v30 =	vadd.f32 v46, v14;
	v19 =	vpop (erf);
	v27 =	vmax.f32 v27, v47  }
0x355: {  	(erf) = vrcp.f32 v50;
	v20 =	vadd.f32 v20, v19;
	v17 =	vpop (erf);
	v21 =	vsub.f32 v63, v27  }
0x356: {  	v16 =	vadd.f32 v49, v17;
	(erf) = vrcp.f32 v30;
	v29 =	vsub.f32 v29, v27  }
0x357: {  	(erf) = vrcp.f32 v20;
	v51 =	vmul.f32 $1.442695020e+00, v21  }
0x358: {  	v53 =	vsub.f32 v45, v27;
	(erf) = vrcp.f32 v16;
	v52 =	vmul.f32 $1.442695020e+00, v29  }
0x359: {  	(erf) = vpow2.f32 v51  }
0x35a: {  	v55 =	vsub.f32 v47, v27;
	v54 =	vmul.f32 $1.442695020e+00, v53;
	(erf) = vpow2.f32 v52  }
0x35b: {  	v58 =	vpop (erf)  }
0x35c: {  	v59 =	vmul.f32 $1.442695020e+00, v55;
	v57 =	vpop (erf);
	(erf) = vpow2.f32 v54  }
0x35d: {  	v53 =	vpop (erf)  }
0x35e: {  	v45 =	vpop (erf);
	(erf) = vpow2.f32 v59  }
0x35f: {  	v16 =	vpop (erf)  }
0x360: {  	v21 =	vpop (erf)  }
0x361: {  	v20 =	vpop (erf)  }
0x362: {  	v30 =	vpop (erf)  }
0x363: {  	v60 =	vpop (erf)  }
0x364: {  	v27 =	vadd.f32 v60, v30  }
0x365: {  	v34 =	vpop (erf)  }
0x366: {  	v27 =	vadd.f32 v27, v34  }
0x367: {  	v8 =	vld [tilespmem:$0x1FA60];
	v35 =	vpop (erf)  }
0x368: {  	v61 =	vld [tilespmem:s18+$0x4000];
	v27 =	vadd.f32 v27, v35  }
0x369: {  	v41 =	vld [tilespmem:s18+$0x5000]  }
0x36a: {  	v43 =	vld [tilespmem:s18+$0x4010];
	(erf) = vrcp.f32 v27  }
0x36b: {  	v44 =	vld [tilespmem:s18+$0x5010]  }
0x36c: {  	v46 =	vld [tilespmem:s18+$0x4020]  }
0x36d: {  	v50 =	vld [tilespmem:s18+$0x6010]  }
0x36e: {  	v47 =	vld [tilespmem:s18+$0x5020]  }
0x36f: {  	v49 =	vld [tilespmem:s18+$0x6000]  }
0x370: {  	v51 =	vld [tilespmem:s18+$0x6020]  }
0x371: {  	v59 =	vld [tilespmem:s18+$0x7020]  }
0x372: {  	v8 =	vmul.f32 v28, v8;
	v29 =	vld [tilespmem:s18+$0x7010];
	v55 =	vmax.f32 v43, v44  }
0x373: {  	v55 =	vmax.f32 v55, v50;
	v62 =	vmax.f32 v46, v47;
	v54 =	vmax.f32 v61, v41;
	v27 =	vld [tilespmem:s18+$0x7000];
	v52 =	vpop (erf)  }
0x374: {  	v26 =	vmul.f32 v58, v26;
	v54 =	vmax.f32 v54, v49;
	v30 =	vmul.f32 v52, v30  }
0x375: {  	v56 =	vmax.f32 v62, v51;
	v33 =	vmul.f32 v52, v60;
	v34 =	vmul.f32 v52, v34  }
0x376: {  	v3 =	vmax.f32 v56, v59;
	v35 =	vmul.f32 v52, v35;
	v30 =	vmul.f32 $1.500000000e+01, v30  }
0x377: {  	v4 =	vld [tilespmem:s18+$0x6030];
	v60 =	vmax.f32 v55, v29;
	v63 =	vmul.f32 $1.500000000e+01, v33;
	v34 =	vmul.f32 $1.500000000e+01, v34  }
0x378: {  	v9 =	vld [tilespmem:s18+$0x7030];
	v33 =	vmax.f32 v54, v27;
	v35 =	vmul.f32 $1.500000000e+01, v35;
	v30 =	vtrunc.f32 v30  }
0x379: {  	v7 =	vld [tilespmem:s18+$0x7040];
	v36 =	vsub.f32 v61, v33;
	v61 =	vtrunc.f32 v63;
	v34 =	vtrunc.f32 v34  }
0x37a: {  	v5 =	vld [tilespmem:s18+$0x7050];
	v41 =	vsub.f32 v41, v33;
	v35 =	vtrunc.f32 v35;
	v30 =	vcvt.f32.s32 v30  }
0x37b: {  	v6 =	vld [tilespmem:s18+$0x7060];
	v43 =	vsub.f32 v43, v60;
	v55 =	vcvt.f32.s32 v61;
	v36 =	vmul.f32 $1.442695020e+00, v36  }
0x37c: {  	v44 =	vsub.f32 v44, v60;
	v54 =	vld [tilespmem:s18+$0x4030];
	v41 =	vmul.f32 $1.442695020e+00, v41;
	v34 =	vcvt.f32.s32 v34  }
0x37d: {  	v61 =	vld [tilespmem:s18+$0x5030];
	v35 =	vcvt.f32.s32 v35;
	vm15 =	vlt.s32 v30, $0xE;
	vm4 =	vlt.s32 v55, $0xE  }
0x37e: {  	v62 =	vld [tilespmem:s18+$0x4040];
	(erf) = vpow2.f32 v36;
	v36 =	vmul.f32 $1.442695020e+00, v43;
	v52 =	vnsel vm4, $0xE, v55  }
0x37f: {  	v63 =	vld [tilespmem:s18+$0x5040];
	(erf) = vpow2.f32 v41;
	v41 =	vsub.f32 v46, v3;
	v52 =	vadd.s32 $0x10, v52  }
0x380: {  	v56 =	vld [tilespmem:s18+$0x6040];
	vm5 =	vlt.s32 v34, $0xE;
	vm6 =	vlt.s32 v35, $0xE;
	v46 =	vmul.f32 $1.442695020e+00, v44  }
0x381: {  	v30 =	vnsel vm15, $0xE, v30;
	v55 =	vld [tilespmem:s18+$0x4050];
	(erf) = vpow2.f32 v36;
	v41 =	vmul.f32 $1.442695020e+00, v41  }
0x382: {  	v44 =	vld [tilespmem:s18+$0x5050];
	v34 =	vnsel vm5, $0xE, v34;
	(erf) = vpow2.f32 v46;
	v46 =	vmax.f32 v54, v61  }
0x383: {  	v34 =	vadd.s32 $0x20, v34;
	v43 =	vmax.f32 v46, v4;
	v46 =	vld [tilespmem:s18+$0x4060];
	(erf) = vpow2.f32 v41  }
0x384: {  	v2 =	vmax.f32 v43, v9;
	v43 =	vsub.f32 v47, v3;
	v36 =	vld.idx.msk [tilespmem:v52+s19+$0x0], $0xffff;
	v52 =	vmax.f32 v62, v63  }
0x385: {  	v47 =	vsub.f32 v54, v2;
	v54 =	vsub.f32 v61, v2;
	v61 =	vld [tilespmem:s18+$0x6050];
	v41 =	vmax.f32 v52, v56  }
0x386: {  	v35 =	vnsel vm6, $0xE, v35;
	v52 =	vld [tilespmem:s18+$0x5060];
	v1 =	vmax.f32 v41, v7;
	v41 =	vmul.f32 $1.442695020e+00, v43  }
0x387: {  	v35 =	vadd.s32 $0x30, v35;
	v47 =	vmul.f32 $1.442695020e+00, v47;
	v43 =	vsub.f32 v62, v1;
	v62 =	vld [tilespmem:s18+$0x6060]  }
0x388: {  	v30 =	vld.idx.msk [tilespmem:v30+s19+$0x0], $0xffff;
	(erf) = vpow2.f32 v41;
	v41 =	vmul.f32 $1.442695020e+00, v54  }
0x389: {  	v54 =	vmax.f32 v55, v44;
	(erf) = vpow2.f32 v47;
	v43 =	vmul.f32 $1.442695020e+00, v43  }
0x38a: {  	v47 =	vmax.f32 v54, v61;
	v54 =	vsub.f32 v63, v1;
	(erf) = vpow2.f32 v41;
	v41 =	vld.idx.msk [tilespmem:v34+s19+$0x0], $0xffff  }
0x38b: {  	v63 =	vmax.f32 v47, v5;
	v47 =	vmax.f32 v46, v52;
	(erf) = vpow2.f32 v43  }
0x38c: {  	v54 =	vmul.f32 $1.442695020e+00, v54;
	v43 =	vld.idx.msk [tilespmem:v35+s19+$0x0], $0xffff;
	v34 =	vmax.f32 v47, v62;
	v47 =	vsub.f32 v55, v63  }
0x38d: {  	v35 =	vsub.f32 v44, v63;
	v0 =	vmax.f32 v34, v6;
	v34 =	vadd.f32 v36, v30  }
0x38e: {  	(erf) = vpow2.f32 v54;
	v54 =	vsub.f32 v46, v0;
	v55 =	vmul.f32 $1.442695020e+00, v47  }
0x38f: {  	v42 =	vmul.f32 v57, v42;
	v52 =	vsub.f32 v52, v0;
	v34 =	vadd.f32 v41, v34  }
0x390: {  	v35 =	vmul.f32 $1.442695020e+00, v35;
	(erf) = vpow2.f32 v55  }
0x391: {  	v54 =	vmul.f32 $1.442695020e+00, v54;
	v55 =	vmul.f32 $1.442695020e+00, v52;
	v34 =	vadd.f32 v43, v34  }
0x392: {  	v52 =	vsub.f32 v49, v33;
	(erf) = vpow2.f32 v35;
	v35 =	vsub.f32 v50, v60  }
0x393: {  	v44 =	vpop (erf);
	(erf) = vpow2.f32 v54;
	v54 =	vsub.f32 v51, v3;
	vm7 =	veq.f32 v34, $0.0e+00  }
0x394: {  	v46 =	vpop (erf);
	(erf) = vpow2.f32 v55;
	v55 =	vmul.f32 $1.442695020e+00, v52;
	v34 =	vsel vm7, $0x3F800000, v34  }
0x395: {  	v4 =	vsub.f32 v4, v2;
	v47 =	vpop (erf);
	(erf) = vrcp.f32 v34;
	v34 =	vmul.f32 $1.442695020e+00, v35  }
0x396: {  	v49 =	vpop (erf);
	v35 =	vsub.f32 v56, v1;
	v56 =	vmul.f32 $1.442695020e+00, v54;
	(erf) = vpow2.f32 v55  }
0x397: {  	v4 =	vmul.f32 $1.442695020e+00, v4;
	v50 =	vpop (erf);
	(erf) = vpow2.f32 v34;
	v34 =	vsub.f32 v61, v63  }
0x398: {  	v51 =	vpop (erf);
	v35 =	vmul.f32 $1.442695020e+00, v35;
	(erf) = vpow2.f32 v56  }
0x399: {  	v27 =	vsub.f32 v27, v33;
	[tilespmem:$0x1FC70] =	vst v8;
	v8 =	vld [tilespmem:$0x1FA70];
	v52 =	vpop (erf);
	(erf) = vpow2.f32 v4;
	v4 =	vmul.f32 $1.442695020e+00, v34  }
0x39a: {  	v12 =	vmul.f32 v53, v12;
	v55 =	vpop (erf);
	(erf) = vpow2.f32 v35  }
0x39b: {  	v61 =	vsub.f32 v62, v0;
	v54 =	vpop (erf);
	(erf) = vpow2.f32 v4;
	v4 =	vmul.f32 v28, v24  }
0x39c: {  	v32 =	vmul.f32 v45, v32;
	v2 =	vsub.f32 v9, v2;
	v9 =	vmul.f32 v58, v48;
	v56 =	vpop (erf)  }
0x39d: {  	v62 =	vmul.f32 $1.442695020e+00, v61;
	[tilespmem:$0x1FC60] =	vst v4;
	v4 =	vmul.f32 $1.442695020e+00, v27;
	v27 =	vpop (erf)  }
0x39e: {  	v2 =	vmul.f32 $1.442695020e+00, v2;
	v8 =	vmul.f32 v28, v8;
	v33 =	vsub.f32 v29, v60;
	v29 =	vpop (erf)  }
0x39f: {  	v9 =	vmul.f32 $1.500000000e+01, v9;
	(erf) = vpow2.f32 v62;
	v24 =	vpop (erf)  }
0x3a0: {  	[tilespmem:$0x1FC80] =	vst v8;
	v8 =	vmul.f32 v28, v18;
	v3 =	vsub.f32 v59, v3;
	(erf) = vpow2.f32 v4;
	v28 =	vpop (erf)  }
0x3a1: {  	v9 =	vtrunc.f32 v9;
	v5 =	vsub.f32 v5, v63;
	v18 =	vmul.f32 $1.442695020e+00, v33;
	v60 =	vpop (erf)  }
0x3a2: {  	[tilespmem:$0x1FC90] =	vst v8;
	v8 =	vmul.f32 v58, v25;
	v3 =	vmul.f32 $1.442695020e+00, v3;
	v59 =	vpop (erf)  }
0x3a3: {  	v25 =	vmul.f32 v58, v37;
	(erf) = vpow2.f32 v18;
	v58 =	vpop (erf)  }
0x3a4: {  	v1 =	vsub.f32 v7, v1;
	v7 =	vmul.f32 v57, v31;
	(erf) = vpow2.f32 v3;
	v48 =	vpop (erf)  }
0x3a5: {  	(erf) = vpow2.f32 v2;
	v2 =	vmul.f32 $1.442695020e+00, v5;
	v5 =	vpop (erf)  }
0x3a6: {  	v8 =	vmul.f32 $1.500000000e+01, v8;
	v34 =	vadd.f32 v46, v44;
	v3 =	vmul.f32 v57, v23;
	v23 =	vpop (erf)  }
0x3a7: {  	v9 =	vcvt.f32.s32 v9;
	v1 =	vmul.f32 $1.442695020e+00, v1;
	v0 =	vsub.f32 v6, v0;
	v37 =	vpop (erf)  }
0x3a8: {  	v7 =	vmul.f32 $1.500000000e+01, v7;
	v8 =	vtrunc.f32 v8;
	v6 =	vadd.f32 v34, v59;
	v31 =	vpop (erf)  }
0x3a9: {  	v0 =	vmul.f32 $1.442695020e+00, v0;
	(erf) = vpow2.f32 v1;
	v63 =	vpop (erf)  }
0x3aa: {  	v4 =	vmul.f32 v53, v40;
	(erf) = vpow2.f32 v2;
	v6 =	vadd.f32 v6, v63  }
0x3ab: {  	v1 =	vmul.f32 v57, v22;
	(erf) = vpow2.f32 v0  }
0x3ac: {  	v57 =	vmul.f32 v53, v38;
	v38 =	vpop (erf);
	(erf) = vrcp.f32 v6;
	v6 =	vld [tilespmem:$0x1FA80]  }
0x3ad: {  	v8 =	vcvt.f32.s32 v8;
	v2 =	vmul.f32 v53, v11;
	v11 =	vadd.f32 v49, v47  }
0x3ae: {  	v7 =	vtrunc.f32 v7;
	v4 =	vmul.f32 $1.500000000e+01, v4  }
0x3af: {  	v7 =	vcvt.f32.s32 v7;
	v1 =	vmul.f32 $1.500000000e+01, v1;
	v11 =	vadd.f32 v11, v58  }
0x3b0: {  	v35 =	vadd.f32 v51, v50;
	v4 =	vtrunc.f32 v4;
	v3 =	vmul.f32 $1.500000000e+01, v3  }
0x3b1: {  	v1 =	vtrunc.f32 v1;
	v53 =	vmul.f32 v45, v6;
	v6 =	vadd.f32 v11, v38;
	v11 =	vld [tilespmem:$0x1FA90]  }
0x3b2: {  	v22 =	vmul.f32 v45, v39;
	v0 =	vadd.f32 v35, v48;
	v1 =	vcvt.f32.s32 v1  }
0x3b3: {  	vm5 =	vlt.s32 v9, $0xE;
	v4 =	vcvt.f32.s32 v4;
	v3 =	vtrunc.f32 v3;
	v40 =	vpop (erf)  }
0x3b4: {  	v2 =	vmul.f32 $1.500000000e+01, v2;
	vm9 =	vlt.s32 v1, $0xE;
	v0 =	vadd.f32 v0, v40  }
0x3b5: {  	v1 =	vnsel vm9, $0xE, v1;
	(erf) = vrcp.f32 v6;
	v6 =	vmul.f32 $1.500000000e+01, v26  }
0x3b6: {  	v1 =	vadd.s32 $0x10, v1;
	(erf) = vrcp.f32 v0;
	v61 =	vmul.f32 v45, v11  }
0x3b7: {  	vm11 =	vlt.s32 v8, $0xE;
	v0 =	vld [tilespmem:$0x1FAA0];
	v11 =	vmul.f32 $1.500000000e+01, v12;
	v12 =	vmul.f32 $1.500000000e+01, v25  }
0x3b8: {  	v8 =	vnsel vm11, $0xE, v8;
	v3 =	vcvt.f32.s32 v3;
	v6 =	vtrunc.f32 v6  }
0x3b9: {  	vm15 =	vlt.s32 v7, $0xE;
	v6 =	vcvt.f32.s32 v6;
	v12 =	vtrunc.f32 v12  }
0x3ba: {  	v7 =	vnsel vm15, $0xE, v7;
	v2 =	vtrunc.f32 v2;
	v12 =	vcvt.f32.s32 v12  }
0x3bb: {  	v2 =	vcvt.f32.s32 v2;
	v39 =	vld.idx.msk [tilespmem:v1+s19+$0x0], $0xffff;
	v1 =	vadd.s32 $0x20, v7;
	vm8 =	vlt.s32 v6, $0xE  }
0x3bc: {  	v62 =	vmul.f32 v16, v0;
	v0 =	vld [tilespmem:$0x1FAB0];
	v6 =	vnsel vm8, $0xE, v6;
	vm14 =	vlt.s32 v12, $0xE  }
0x3bd: {  	v7 =	vnsel vm5, $0xE, v9;
	v6 =	vadd.s32 $0x10, v6;
	v12 =	vnsel vm14, $0xE, v12  }
0x3be: {  	v45 =	vmul.f32 $1.500000000e+01, v57;
	v11 =	vtrunc.f32 v11;
	v12 =	vadd.s32 $0x20, v12  }
0x3bf: {  	vm12 =	vlt.s32 v3, $0xE;
	v7 =	vadd.s32 $0x30, v7;
	v11 =	vcvt.f32.s32 v11  }
0x3c0: {  	v3 =	vnsel vm12, $0xE, v3;
	vm13 =	vlt.s32 v2, $0xE;
	v18 =	vtrunc.f32 v45  }
0x3c1: {  	v18 =	vcvt.f32.s32 v18;
	vm10 =	vlt.s32 v11, $0xE;
	v13 =	vmul.f32 v16, v0;
	v0 =	vld.idx.msk [tilespmem:v8+s19+$0x0], $0xffff  }
0x3c2: {  	v2 =	vnsel vm13, $0xE, v2;
	v9 =	vadd.f32 v55, v52;
	v11 =	vnsel vm10, $0xE, v11;
	v45 =	vld.idx.msk [tilespmem:v6+s19+$0x0], $0xffff  }
0x3c3: {  	vm4 =	vlt.s32 v18, $0xE;
	v11 =	vadd.s32 $0x10, v11;
	v8 =	vadd.f32 v56, v54;
	v34 =	vld.idx.msk [tilespmem:v12+s19+$0x0], $0xffff  }
0x3c4: {  	v6 =	vnsel vm4, $0xE, v18;
	v12 =	vmul.f32 v16, v10;
	v10 =	vmul.f32 v16, v14;
	v14 =	vld.idx.msk [tilespmem:v7+s19+$0x0], $0xffff  }
0x3c5: {  	v6 =	vadd.s32 $0x20, v6  }
0x3c6: {  	vm7 =	vlt.s32 v4, $0xE;
	v9 =	vadd.f32 v9, v5;
	v57 =	vld.idx.msk [tilespmem:v3+s19+$0x0], $0xffff  }
0x3c7: {  	v25 =	vmul.f32 $1.500000000e+01, v42;
	v42 =	vld.idx.msk [tilespmem:v2+s19+$0x0], $0xffff;
	v2 =	vnsel vm7, $0xE, v4;
	v4 =	vadd.f32 v8, v23;
	v8 =	vpop (erf)  }
0x3c8: {  	v35 =	vld.idx.msk [tilespmem:v1+s19+$0x0], $0xffff;
	v9 =	vadd.f32 v9, v8;
	v26 =	vpop (erf)  }
0x3c9: {  	v25 =	vtrunc.f32 v25;
	v18 =	vld.idx.msk [tilespmem:v11+s19+$0x0], $0xffff;
	v1 =	vadd.f32 v4, v26;
	v4 =	vadd.f32 v28, v24;
	[tilespmem:$0x1FAC0] =	vst v14  }
0x3ca: {  	v25 =	vcvt.f32.s32 v25;
	v11 =	vadd.f32 v29, v27;
	(erf) = vrcp.f32 v9;
	v33 =	vld.idx.msk [tilespmem:v6+s19+$0x0], $0xffff  }
0x3cb: {  	(erf) = vrcp.f32 v1;
	v1 =	vadd.f32 v4, v31;
	v4 =	vadd.f32 v45, v0;
	[tilespmem:$0x1FAE0] =	vst v0;
	v0 =	vld [tilespmem:$0x1FAF0]  }
0x3cc: {  	v15 =	vmul.f32 v21, v15;
	vm6 =	vlt.s32 v25, $0xE  }
0x3cd: {  	v19 =	vmul.f32 v21, v19;
	v17 =	vmul.f32 v20, v17;
	v3 =	vnsel vm6, $0xE, v25  }
0x3ce: {  	v15 =	vmul.f32 $1.500000000e+01, v15;
	v3 =	vadd.s32 $0x30, v3;
	v25 =	vadd.f32 v11, v37  }
0x3cf: {  	v19 =	vmul.f32 $1.500000000e+01, v19;
	v17 =	vmul.f32 $1.500000000e+01, v17;
	v2 =	vadd.s32 $0x30, v2;
	v11 =	vpop (erf)  }
0x3d0: {  	v13 =	vmul.f32 $1.500000000e+01, v13;
	v7 =	vadd.f32 v25, v11;
	v25 =	vmul.f32 v21, v0;
	v0 =	vld [tilespmem:$0x1FB00]  }
0x3d1: {  	v15 =	vtrunc.f32 v15;
	v10 =	vmul.f32 $1.500000000e+01, v10  }
0x3d2: {  	v22 =	vmul.f32 $1.500000000e+01, v22;
	v13 =	vtrunc.f32 v13;
	v9 =	vpop (erf);
	[tilespmem:$0x1FAD0] =	vst v45  }
0x3d3: {  	v13 =	vcvt.f32.s32 v13;
	v10 =	vtrunc.f32 v10;
	v1 =	vadd.f32 v1, v9;
	v16 =	vld.idx.msk [tilespmem:v3+s19+$0x0], $0xffff  }
0x3d4: {  	(erf) = vrcp.f32 v7;
	v45 =	vld.idx.msk [tilespmem:v2+s19+$0x0], $0xffff;
	v2 =	vadd.f32 v34, v4;
	v4 =	vadd.f32 v39, v57  }
0x3d5: {  	v6 =	vadd.f32 v18, v42;
	[tilespmem:$0x1FB30] =	vst v18;
	v18 =	vmul.f32 v60, v43;
	v3 =	vmul.f32 v21, v0;
	v0 =	vld [tilespmem:$0x1FB50]  }
0x3d6: {  	(erf) = vrcp.f32 v1;
	v1 =	vadd.f32 v14, v2;
	v2 =	vadd.f32 v35, v4  }
0x3d7: {  	[tilespmem:$0x1FB40] =	vst v42;
	v43 =	vmul.f32 v60, v30;
	v42 =	vmul.f32 v60, v36;
	v4 =	vadd.f32 v33, v6  }
0x3d8: {  	[tilespmem:$0x1FB20] =	vst v57;
	v57 =	vmul.f32 $1.500000000e+01, v62;
	vm8 =	veq.f32 v1, $0.0e+00;
	v2 =	vadd.f32 v16, v2  }
0x3d9: {  	v62 =	vtrunc.f32 v19;
	v1 =	vsel vm8, $0x3F800000, v1;
	v4 =	vadd.f32 v45, v4  }
0x3da: {  	v25 =	vmul.f32 $1.500000000e+01, v25;
	vm9 =	veq.f32 v2, $0.0e+00;
	v21 =	vmul.f32 v20, v0;
	v0 =	vld [tilespmem:$0x1FB60]  }
0x3db: {  	(erf) = vrcp.f32 v1;
	vm10 =	veq.f32 v4, $0.0e+00;
	v1 =	vsel vm9, $0x3F800000, v2  }
0x3dc: {  	v25 =	vtrunc.f32 v25;
	(erf) = vrcp.f32 v1;
	v1 =	vsel vm10, $0x3F800000, v4  }
0x3dd: {  	v2 =	vpop (erf);
	v25 =	vcvt.f32.s32 v25;
	(erf) = vrcp.f32 v1  }
0x3de: {  	v4 =	vmul.f32 v2, v46;
	v36 =	vmul.f32 v2, v63  }
0x3df: {  	v3 =	vmul.f32 $1.500000000e+01, v3;
	v6 =	vmul.f32 v20, v0;
	v0 =	vld [tilespmem:$0x1FB70]  }
0x3e0: {  	v30 =	vmul.f32 v2, v59;
	v21 =	vmul.f32 $1.500000000e+01, v21  }
0x3e1: {  	v36 =	vmul.f32 $1.500000000e+01, v36;
	v3 =	vtrunc.f32 v3  }
0x3e2: {  	v21 =	vtrunc.f32 v21;
	v6 =	vmul.f32 $1.500000000e+01, v6  }
0x3e3: {  	v3 =	vcvt.f32.s32 v3;
	v21 =	vcvt.f32.s32 v21  }
0x3e4: {  	v6 =	vtrunc.f32 v6;
	v7 =	vmul.f32 v20, v0  }
0x3e5: {  	v0 =	vmul.f32 v60, v41;
	v60 =	vmul.f32 v2, v44;
	v20 =	vpop (erf)  }
0x3e6: {  	v6 =	vcvt.f32.s32 v6;
	v1 =	vmul.f32 v20, v47  }
0x3e7: {  	v59 =	vmul.f32 v20, v49;
	v46 =	vmul.f32 v20, v58;
	v49 =	vpop (erf)  }
0x3e8: {  	v38 =	vmul.f32 v20, v38;
	v2 =	vmul.f32 v49, v50  }
0x3e9: {  	v58 =	vmul.f32 v49, v51;
	v47 =	vmul.f32 v49, v48  }
0x3ea: {  	[tilespmem:$0x1FCA0] =	vst v0;
	v63 =	vpop (erf);
	v40 =	vmul.f32 v49, v40;
	v0 =	vmul.f32 $1.500000000e+01, v12  }
0x3eb: {  	v7 =	vmul.f32 $1.500000000e+01, v7;
	v52 =	vmul.f32 v63, v52  }
0x3ec: {  	vm12 =	vlt.s32 v13, $0xE;
	v51 =	vmul.f32 v63, v55;
	v48 =	vmul.f32 v63, v5  }
0x3ed: {  	v13 =	vnsel vm12, $0xE, v13;
	v41 =	vmul.f32 v63, v8;
	v8 =	vmul.f32 $1.500000000e+01, v61  }
0x3ee: {  	v13 =	vadd.s32 $0x10, v13;
	v61 =	vcvt.f32.s32 v15;
	v15 =	vtrunc.f32 v22  }
0x3ef: {  	vm13 =	vlt.s32 v3, $0xE;
	v63 =	vtrunc.f32 v17;
	v1 =	vmul.f32 $1.500000000e+01, v1  }
0x3f0: {  	v3 =	vnsel vm13, $0xE, v3;
	v55 =	vpop (erf);
	v46 =	vmul.f32 $1.500000000e+01, v46;
	v38 =	vmul.f32 $1.500000000e+01, v38  }
0x3f1: {  	v3 =	vadd.s32 $0x10, v3;
	v5 =	vmul.f32 v55, v54;
	v50 =	vmul.f32 v55, v56  }
0x3f2: {  	v49 =	vmul.f32 v55, v23;
	v44 =	vmul.f32 v55, v26  }
0x3f3: {  	v56 =	vmul.f32 $1.500000000e+01, v53;
	v26 =	vmul.f32 $1.500000000e+01, v32  }
0x3f4: {  	[tilespmem:$0x1FB10] =	vst v39;
	v23 =	vtrunc.f32 v57;
	v0 =	vtrunc.f32 v0  }
0x3f5: {  	v19 =	vld.idx.msk [tilespmem:v13+s19+$0x0], $0xffff;
	v7 =	vtrunc.f32 v7;
	v13 =	vcvt.f32.s32 v15  }
0x3f6: {  	v15 =	vld.idx.msk [tilespmem:v3+s19+$0x0], $0xffff;
	v3 =	vcvt.f32.s32 v10;
	v10 =	vcvt.f32.s32 v62  }
0x3f7: {  	vm7 =	vlt.s32 v25, $0xE;
	v2 =	vmul.f32 $1.500000000e+01, v2;
	v47 =	vmul.f32 $1.500000000e+01, v47  }
0x3f8: {  	v39 =	vnsel vm7, $0xE, v25;
	v40 =	vmul.f32 $1.500000000e+01, v40;
	v8 =	vtrunc.f32 v8  }
0x3f9: {  	vm8 =	vlt.s32 v21, $0xE;
	v23 =	vcvt.f32.s32 v23;
	v0 =	vcvt.f32.s32 v0  }
0x3fa: {  	v21 =	vnsel vm8, $0xE, v21;
	v7 =	vcvt.f32.s32 v7;
	v51 =	vmul.f32 $1.500000000e+01, v51  }
0x3fb: {  	vm14 =	vlt.s32 v6, $0xE;
	v52 =	vmul.f32 $1.500000000e+01, v52;
	v48 =	vmul.f32 $1.500000000e+01, v48  }
0x3fc: {  	v6 =	vnsel vm14, $0xE, v6;
	v1 =	vtrunc.f32 v1;
	v46 =	vtrunc.f32 v46  }
0x3fd: {  	v6 =	vadd.s32 $0x10, v6;
	v41 =	vmul.f32 $1.500000000e+01, v41;
	v8 =	vcvt.f32.s32 v8  }
0x3fe: {  	v20 =	vtrunc.f32 v56;
	v26 =	vtrunc.f32 v26;
	vm13 =	vlt.s32 v13, $0xE  }
0x3ff: {  	vm14 =	vlt.s32 v3, $0xE;
	v50 =	vmul.f32 $1.500000000e+01, v50;
	vm11 =	vlt.s32 v8, $0xE  }
0x400: {  	v5 =	vmul.f32 $1.500000000e+01, v5;
	v20 =	vcvt.f32.s32 v20;
	v8 =	vnsel vm11, $0xE, v8  }
0x401: {  	v49 =	vmul.f32 $1.500000000e+01, v49;
	v26 =	vcvt.f32.s32 v26;
	v8 =	vadd.s32 $0x10, v8  }
0x402: {  	vm6 =	vlt.s32 v23, $0xE;
	vm10 =	vlt.s32 v0, $0xE;
	vm15 =	vlt.s32 v20, $0xE  }
0x403: {  	v13 =	vnsel vm13, $0xE, v13;
	v23 =	vnsel vm6, $0xE, v23;
	v20 =	vnsel vm15, $0xE, v20  }
0x404: {  	v14 =	vld.idx.msk [tilespmem:v39+s19+$0x0], $0xffff;
	v0 =	vnsel vm10, $0xE, v0;
	v57 =	vadd.s32 $0x30, v13;
	vm11 =	vlt.s32 v61, $0xE  }
0x405: {  	v13 =	vld.idx.msk [tilespmem:v21+s19+$0x0], $0xffff;
	vm9 =	vlt.s32 v26, $0xE;
	v0 =	vadd.s32 $0x20, v0;
	v55 =	vnsel vm11, $0xE, v61  }
0x406: {  	v2 =	vtrunc.f32 v2;
	v17 =	vld.idx.msk [tilespmem:v8+s19+$0x0], $0xffff;
	v8 =	vnsel vm9, $0xE, v26;
	v26 =	vadd.s32 $0x20, v55  }
0x407: {  	v1 =	vcvt.f32.s32 v1;
	v47 =	vtrunc.f32 v47;
	v12 =	vld.idx.msk [tilespmem:v6+s19+$0x0], $0xffff;
	v8 =	vadd.s32 $0x20, v8  }
0x408: {  	v44 =	vmul.f32 $1.500000000e+01, v44;
	vm12 =	vlt.s32 v7, $0xE;
	v51 =	vtrunc.f32 v51;
	v22 =	vld.idx.msk [tilespmem:v20+s19+$0x0], $0xffff  }
0x409: {  	v3 =	vnsel vm14, $0xE, v3;
	v52 =	vtrunc.f32 v52;
	v2 =	vcvt.f32.s32 v2;
	v56 =	vld.idx.msk [tilespmem:v23+s19+$0x0], $0xffff  }
0x40a: {  	v48 =	vtrunc.f32 v48;
	v7 =	vnsel vm12, $0xE, v7;
	v50 =	vtrunc.f32 v50;
	v61 =	vld.idx.msk [tilespmem:v0+s19+$0x0], $0xffff  }
0x40b: {  	v21 =	vmul.f32 $1.500000000e+01, v30;
	v6 =	vcvt.f32.s32 v63;
	v7 =	vadd.s32 $0x20, v7;
	v63 =	vld.idx.msk [tilespmem:v26+s19+$0x0], $0xffff  }
0x40c: {  	v3 =	vadd.s32 $0x30, v3;
	v5 =	vtrunc.f32 v5;
	v52 =	vcvt.f32.s32 v52;
	v25 =	vld.idx.msk [tilespmem:v8+s19+$0x0], $0xffff;
	[tilespmem:$0x1FB80] =	vst v17  }
0x40d: {  	v49 =	vtrunc.f32 v49;
	v48 =	vcvt.f32.s32 v48;
	vm15 =	vlt.s32 v10, $0xE;
	[tilespmem:$0x1FB90] =	vst v22  }
0x40e: {  	v50 =	vcvt.f32.s32 v50;
	vm6 =	vlt.s32 v6, $0xE;
	v10 =	vnsel vm15, $0xE, v10;
	v8 =	vpop (erf);
	[tilespmem:$0x1FBA0] =	vst v19  }
0x40f: {  	v10 =	vadd.s32 $0x30, v10;
	[tilespmem:$0x1FBB0] =	vst v56;
	v0 =	vmul.f32 v8, v27;
	v29 =	vmul.f32 v8, v29  }
0x410: {  	v6 =	vnsel vm6, $0xE, v6;
	v37 =	vmul.f32 v8, v37;
	v8 =	vmul.f32 v8, v11;
	v11 =	vld.idx.msk [tilespmem:v7+s19+$0x0], $0xffff  }
0x411: {  	v5 =	vcvt.f32.s32 v5;
	v49 =	vcvt.f32.s32 v49;
	v6 =	vadd.s32 $0x30, v6;
	v27 =	vpop (erf);
	v39 =	vld.idx.msk [tilespmem:v57+s19+$0x0], $0xffff;
	[tilespmem:$0x1FBC0] =	vst v25  }
0x412: {  	v53 =	vmul.f32 v27, v24;
	v7 =	vmul.f32 v27, v28;
	v20 =	vld.idx.msk [tilespmem:v3+s19+$0x0], $0xffff;
	[tilespmem:$0x1FBD0] =	vst v14  }
0x413: {  	v28 =	vmul.f32 v27, v31;
	v9 =	vmul.f32 v27, v9;
	[tilespmem:$0x1FBE0] =	vst v15  }
0x414: {  	v54 =	vadd.f32 v15, v14;
	v29 =	vmul.f32 $1.500000000e+01, v29;
	v0 =	vmul.f32 $1.500000000e+01, v0;
	v14 =	vld.idx.msk [tilespmem:v10+s19+$0x0], $0xffff;
	[tilespmem:$0x1FBF0] =	vst v12  }
0x415: {  	v37 =	vmul.f32 $1.500000000e+01, v37;
	v8 =	vmul.f32 $1.500000000e+01, v8;
	[tilespmem:$0x1FC00] =	vst v13  }
0x416: {  	v3 =	vmul.f32 $1.500000000e+01, v4;
	v4 =	vmul.f32 $1.500000000e+01, v59;
	v59 =	vadd.f32 v12, v13;
	v12 =	vld.idx.msk [tilespmem:v6+s19+$0x0], $0xffff  }
0x417: {  	v7 =	vmul.f32 $1.500000000e+01, v7;
	v53 =	vmul.f32 $1.500000000e+01, v53  }
0x418: {  	v26 =	vadd.f32 v19, v56;
	v28 =	vmul.f32 $1.500000000e+01, v28;
	v19 =	vtrunc.f32 v29  }
0x419: {  	v0 =	vtrunc.f32 v0;
	v37 =	vtrunc.f32 v37;
	v62 =	vadd.f32 v11, v59  }
0x41a: {  	v24 =	vadd.f32 v17, v22;
	v7 =	vtrunc.f32 v7;
	v22 =	vcvt.f32.s32 v19  }
0x41b: {  	v53 =	vtrunc.f32 v53;
	v6 =	vadd.f32 v63, v54;
	v54 =	vadd.f32 v12, v62  }
0x41c: {  	vm15 =	vlt.s32 v50, $0xE;
	v32 =	vcvt.f32.s32 v0;
	v0 =	vtrunc.f32 v21  }
0x41d: {  	v28 =	vtrunc.f32 v28;
	v15 =	vtrunc.f32 v40;
	vm10 =	veq.f32 v54, $0.0e+00  }
0x41e: {  	v10 =	vmul.f32 $1.500000000e+01, v58;
	v29 =	vsel vm10, $0x3F800000, v54;
	vm10 =	vlt.s32 v1, $0xE  }
0x41f: {  	v7 =	vcvt.f32.s32 v7;
	v53 =	vcvt.f32.s32 v53;
	[tilespmem:$0x1FC10] =	vst v63;
	v21 =	vnsel vm10, $0xE, v1;
	v1 =	vld [tilespmem:$0x1FC60]  }
0x420: {  	v50 =	vnsel vm15, $0xE, v50;
	v56 =	vcvt.f32.s32 v0;
	v0 =	vmul.f32 $1.500000000e+01, v9;
	[tilespmem:$0x1FC20] =	vst v11  }
0x421: {  	v50 =	vadd.s32 $0x10, v50;
	v9 =	vcvt.f32.s32 v46;
	v46 =	vcvt.f32.s32 v47;
	[tilespmem:$0x1FC30] =	vst v39  }
0x422: {  	v31 =	vadd.f32 v25, v24;
	v13 =	vcvt.f32.s32 v28;
	v28 =	vtrunc.f32 v36;
	[tilespmem:$0x1FC40] =	vst v14  }
0x423: {  	v57 =	vadd.f32 v61, v26;
	v58 =	vmovc v16;
	v16 =	vtrunc.f32 v41;
	v63 =	vmul.f32 $1.500000000e+01, v60;
	[tilespmem:$0x1FC50] =	vst v12  }
0x424: {  	v31 =	vadd.f32 v39, v31;
	v3 =	vtrunc.f32 v3;
	v4 =	vtrunc.f32 v4;
	[tilespmem:s17+$0xF070] =	vst v1  }
0x425: {  	vm5 =	vlt.s32 v22, $0xE;
	v59 =	vtrunc.f32 v38;
	v39 =	vtrunc.f32 v8;
	v1 =	vld [tilespmem:$0x1FC70]  }
0x426: {  	vm7 =	veq.f32 v31, $0.0e+00;
	v10 =	vtrunc.f32 v10;
	v3 =	vcvt.f32.s32 v3  }
0x427: {  	v4 =	vcvt.f32.s32 v4;
	vm6 =	vlt.s32 v7, $0xE;
	vm15 =	vlt.s32 v53, $0xE  }
0x428: {  	v19 =	vtrunc.f32 v0;
	v23 =	vtrunc.f32 v63;
	v7 =	vnsel vm6, $0xE, v7  }
0x429: {  	v17 =	vadd.f32 v20, v57;
	vm11 =	vlt.s32 v3, $0xE;
	vm12 =	vlt.s32 v4, $0xE  }
0x42a: {  	v8 =	vadd.s32 $0x10, v7;
	v7 =	vcvt.f32.s32 v28;
	v6 =	vadd.f32 v14, v6;
	[tilespmem:s17+$0xC070] =	vst v1  }
0x42b: {  	v57 =	vmovc v45;
	v45 =	vcvt.f32.s32 v19;
	v14 =	vsel vm7, $0x3F800000, v31;
	v3 =	vnsel vm11, $0xE, v3;
	v1 =	vld [tilespmem:$0x1FC80]  }
0x42c: {  	v4 =	vnsel vm12, $0xE, v4;
	vm11 =	vlt.s32 v2, $0xE;
	vm9 =	veq.f32 v6, $0.0e+00  }
0x42d: {  	vm12 =	vlt.s32 v52, $0xE;
	v30 =	vsel vm9, $0x3F800000, v6;
	v6 =	vcvt.f32.s32 v10  }
0x42e: {  	vm8 =	veq.f32 v17, $0.0e+00;
	v12 =	vcvt.f32.s32 v37;
	v3 =	vadd.s32 $0x10, v3  }
0x42f: {  	v4 =	vadd.s32 $0x10, v4;
	v0 =	vnsel vm11, $0xE, v2;
	vm13 =	vlt.s32 v6, $0xE  }
0x430: {  	v40 =	vnsel vm12, $0xE, v52;
	v37 =	vnsel vm15, $0xE, v53;
	v6 =	vnsel vm13, $0xE, v6;
	[tilespmem:s17+$0xD070] =	vst v1  }
0x431: {  	vm11 =	vlt.s32 v46, $0xE;
	vm12 =	vlt.s32 v48, $0xE;
	v6 =	vadd.s32 $0x10, v6;
	v1 =	vld [tilespmem:$0x1FC90]  }
0x432: {  	vm15 =	vlt.s32 v13, $0xE;
	v31 =	vsel vm8, $0x3F800000, v17;
	v10 =	vcvt.f32.s32 v51  }
0x433: {  	v17 =	vtrunc.f32 v44;
	v51 =	vnsel vm5, $0xE, v22;
	v54 =	vcvt.f32.s32 v23;
	v25 =	vld.idx.msk [tilespmem:v8+s19+$0x0], $0xffff;
	[tilespmem:s18+$0xF070] =	vst v18  }
0x434: {  	v2 =	vcvt.f32.s32 v17;
	v51 =	vadd.s32 $0x10, v51;
	vm14 =	vlt.s32 v10, $0xE;
	v47 =	vld.idx.msk [tilespmem:v3+s19+$0x0], $0xffff;
	[tilespmem:s18+$0xC070] =	vst v43  }
0x435: {  	vm10 =	vlt.s32 v9, $0xE;
	v10 =	vnsel vm14, $0xE, v10;
	vm9 =	vlt.s32 v54, $0xE;
	v44 =	vld.idx.msk [tilespmem:v4+s19+$0x0], $0xffff;
	[tilespmem:s18+$0xD070] =	vst v42  }
0x436: {  	vm13 =	vlt.s32 v5, $0xE;
	vm14 =	vlt.s32 v32, $0xE;
	v10 =	vadd.s32 $0x10, v10;
	v41 =	vld.idx.msk [tilespmem:v6+s19+$0x0], $0xffff;
	[tilespmem:s17+$0xE070] =	vst v1  }
0x437: {  	v4 =	vcvt.f32.s32 v15;
	v11 =	vnsel vm9, $0xE, v54;
	v38 =	vnsel vm13, $0xE, v5;
	v6 =	vld [tilespmem:$0x1FCA0]  }
0x438: {  	v60 =	vmovc v35;
	v63 =	vmovc v33;
	vm9 =	vlt.s32 v56, $0xE;
	v33 =	vnsel vm14, $0xE, v32;
	vm13 =	vlt.s32 v49, $0xE;
	v32 =	vld.idx.msk [tilespmem:v50+s19+$0x0], $0xffff  }
0x439: {  	v53 =	vmovc v34;
	vm14 =	vlt.s32 v12, $0xE;
	v5 =	vcvt.f32.s32 v59;
	v59 =	vmovc v20;
	v50 =	vnsel vm10, $0xE, v9;
	v27 =	vld.idx.msk [tilespmem:v51+s19+$0x0], $0xffff  }
0x43a: {  	v9 =	vnsel vm12, $0xE, v48;
	v3 =	vnsel vm9, $0xE, v56;
	v8 =	vnsel vm13, $0xE, v49;
	v48 =	vld.idx.msk [tilespmem:v21+s19+$0x0], $0xffff;
	v43 =	vpop (erf)  }
0x43b: {  	v49 =	vadd.s32 $0x20, v3;
	v3 =	vnsel vm15, $0xE, v13;
	v62 =	vld.idx.msk [tilespmem:v10+s19+$0x0], $0xffff;
	v10 =	vnsel vm11, $0xE, v46;
	v42 =	vpop (erf)  }
0x43c: {  	s12 =	simm.s32 $0x400;
	s7 =	simm.s32 $0x80;
	v46 =	vcvt.f32.s32 v39;
	v56 =	vld.idx.msk [tilespmem:v11+s19+$0x0], $0xffff;
	v39 =	vpop (erf);
	v1 =	vcvt.f32.s32 v16;
	[tilespmem:s18+$0xE070] =	vst v6;
	v6 =	vnsel vm14, $0xE, v12  }
.LBB2_5:
0x43d: {  	s20 =	sshra.s32 s12, $0x2;
	v11 =	vld.idx.msk [tilespmem:v0+s19+$0x0], $0xffff;
	v0 =	vadd.s32 $0x20, v10  }
0x43e: {  	[tilespmem:$0x1F970] =	vst v0;
	v0 =	vadd.s32 $0x20, v9;
	v9 =	vld [tilespmem:s20+$0x4070]  }
0x43f: {  	[tilespmem:$0x1F980] =	vst v0;
	v0 =	vadd.s32 $0x20, v8;
	v8 =	vld [tilespmem:s20+$0x5070]  }
0x440: {  	v10 =	vld [tilespmem:s20+$0x6070]  }
0x441: {  	v12 =	vld [tilespmem:s20+$0x7070]  }
0x442: {  	vm0 =	vlt.s32 v7, $0xE;
	[tilespmem:$0x1F990] =	vst v0;
	v0 =	vadd.s32 $0x20, v6  }
0x443: {  	vm1 =	vlt.s32 v5, $0xE;
	[tilespmem:$0x1F9A0] =	vst v0;
	v0 =	vadd.s32 $0x20, v3;
	v3 =	vnsel vm0, $0xE, v7  }
0x444: {  	v5 =	vnsel vm1, $0xE, v5;
	[tilespmem:$0x1F9B0] =	vst v0;
	v0 =	vadd.s32 $0x30, v3;
	v51 =	vmax.f32 v9, v8  }
0x445: {  	[tilespmem:$0x1F9C0] =	vst v0;
	v0 =	vadd.s32 $0x30, v5;
	v5 =	vmax.f32 v51, v10  }
0x446: {  	v13 =	vmax.f32 v5, v12  }
0x447: {  	v9 =	vsub.f32 v9, v13;
	_ =	sdelay $0x1  }
0x448: {  	(erf) = vrcp.f32 v14;
	v15 =	vmul.f32 $1.442695020e+00, v9  }
0x449: {  	(erf) = vrcp.f32 v31  }
0x44a: {  	(erf) = vpow2.f32 v15;
	v15 =	vld [tilespmem:$0x1FAE0];
	_ =	sdelay $0x2  }
0x44b: {  	v19 =	vld [tilespmem:$0x1FB10]  }
0x44c: {  	v22 =	vld [tilespmem:$0x1FB30]  }
0x44d: {  	vm3 =	vlt.s32 v1, $0xE;
	v55 =	vld [tilespmem:s20+$0x4000];
	v15 =	vmul.f32 v43, v15  }
0x44e: {  	v6 =	vnsel vm3, $0xE, v1;
	v1 =	vld [tilespmem:s20+$0x5000]  }
0x44f: {  	vm4 =	vlt.s32 v2, $0xE;
	[tilespmem:s17+$0xC000] =	vst v15;
	v15 =	vld [tilespmem:$0x1FAD0]  }
0x450: {  	v7 =	vnsel vm4, $0xE, v2;
	v2 =	vld [tilespmem:s20+$0x4010]  }
0x451: {  	[tilespmem:$0x1FA10] =	vst v25;
	v25 =	vld [tilespmem:s20+$0x6050];
	v8 =	vsub.f32 v8, v13  }
0x452: {  	vm2 =	vlt.s32 v4, $0xE;
	v21 =	vmov v44;
	v3 =	vld [tilespmem:s20+$0x5010]  }
0x453: {  	v4 =	vnsel vm2, $0xE, v4;
	[tilespmem:$0x1FB10] =	vst v21;
	v21 =	vld [tilespmem:s20+$0x6030];
	v16 =	vsub.f32 v10, v13;
	v8 =	vmul.f32 $1.442695020e+00, v8  }
0x454: {  	[tilespmem:$0x1F9D0] =	vst v0;
	v0 =	vadd.s32 $0x30, v4;
	v4 =	vld [tilespmem:s20+$0x4020];
	v51 =	vadd.s32 $0x30, v6;
	v15 =	vmul.f32 v43, v15  }
0x455: {  	[tilespmem:$0x1F9E0] =	vst v0;
	v6 =	vld [tilespmem:s20+$0x4030];
	v12 =	vsub.f32 v12, v13;
	v16 =	vmul.f32 $1.442695020e+00, v16;
	(erf) = vpow2.f32 v8  }
0x456: {  	v17 =	vmovc v47;
	v0 =	vadd.s32 $0x30, v7;
	v7 =	vld [tilespmem:s20+$0x5030];
	(erf) = vrcp.f32 v30;
	[tilespmem:s17+$0xD000] =	vst v15;
	v15 =	vmul.f32 v43, v53  }
0x457: {  	v12 =	vmul.f32 $1.442695020e+00, v12;
	(erf) = vpow2.f32 v16;
	[tilespmem:$0x1FAD0] =	vst v17;
	v17 =	vld [tilespmem:s20+$0x6000]  }
0x458: {  	(erf) = vrcp.f32 v29;
	[tilespmem:s17+$0xE000] =	vst v15;
	v15 =	vld [tilespmem:$0x1FB20]  }
0x459: {  	vm15 =	vlt.s32 v45, $0xE;
	(erf) = vpow2.f32 v12;
	v12 =	vld [tilespmem:$0x1FAC0]  }
0x45a: {  	v45 =	vnsel vm15, $0xE, v45;
	v5 =	vld [tilespmem:s20+$0x5020]  }
0x45b: {  	[tilespmem:$0x1F9F0] =	vst v0;
	v0 =	vadd.s32 $0x30, v45;
	v10 =	vld [tilespmem:s20+$0x5040]  }
0x45c: {  	[tilespmem:$0x1FA00] =	vst v0;
	v0 =	vadd.f32 v47, v56;
	v47 =	vld [tilespmem:s20+$0x4060]  }
0x45d: {  	v9 =	vld [tilespmem:s20+$0x4040];
	v15 =	vmul.f32 v42, v15  }
0x45e: {  	[tilespmem:$0x1FA20] =	vst v0;
	v0 =	vadd.f32 v44, v48;
	v12 =	vmul.f32 v43, v12;
	v43 =	vld [tilespmem:s20+$0x6010]  }
0x45f: {  	[tilespmem:s17+$0xC010] =	vst v15;
	v15 =	vld [tilespmem:$0x1FB40]  }
0x460: {  	v44 =	vld [tilespmem:s20+$0x6020];
	[tilespmem:$0x1FA30] =	vst v0;
	v0 =	vadd.f32 v41, v11  }
0x461: {  	v8 =	vld [tilespmem:s20+$0x5050]  }
0x462: {  	v16 =	vld [tilespmem:s20+$0x5060];
	[tilespmem:s17+$0xF000] =	vst v12;
	v12 =	vmul.f32 v42, v60  }
0x463: {  	[tilespmem:$0x1FA40] =	vst v0;
	v60 =	vld [tilespmem:$0x1FBC0]  }
0x464: {  	v24 =	vmul.f32 v39, v57;
	v0 =	vmov v56;
	[tilespmem:s17+$0xE010] =	vst v12;
	v12 =	vld [tilespmem:$0x1FB90];
	v15 =	vmul.f32 v39, v15  }
0x465: {  	v22 =	vmul.f32 v39, v22;
	v45 =	vmul.f32 v39, v63;
	v39 =	vmov v27;
	v27 =	vld [tilespmem:$0x1FB80]  }
0x466: {  	v19 =	vmul.f32 v42, v19;
	v30 =	vmax.f32 v6, v7;
	[tilespmem:s17+$0xC020] =	vst v15;
	v15 =	vld [tilespmem:$0x1FC30]  }
0x467: {  	v34 =	vmax.f32 v30, v21;
	v30 =	vld [tilespmem:s20+$0x7030];
	v29 =	vpop (erf);
	[tilespmem:$0x1FAE0] =	vst v0;
	v0 =	vmov v11;
	v11 =	vmov v41  }
0x468: {  	v56 =	vld [tilespmem:s20+$0x4050];
	v20 =	vpop (erf);
	[tilespmem:$0x1FB30] =	vst v11  }
0x469: {  	v35 =	vmul.f32 v42, v58;
	v23 =	vmov v48;
	v11 =	vld [tilespmem:s20+$0x6040];
	[tilespmem:s17+$0xD010] =	vst v19;
	v19 =	vmul.f32 v20, v61  }
0x46a: {  	v61 =	vld [tilespmem:$0x1FC10];
	v42 =	vmul.f32 v29, v60;
	v12 =	vmul.f32 v29, v12  }
0x46b: {  	[tilespmem:s17+$0xF010] =	vst v35;
	v27 =	vmul.f32 v29, v27;
	v15 =	vmul.f32 v29, v15;
	v29 =	vld [tilespmem:$0x1FBB0]  }
0x46c: {  	v35 =	vld [tilespmem:$0x1FBA0];
	[tilespmem:$0x1FB20] =	vst v23;
	v23 =	vpop (erf)  }
0x46d: {  	v31 =	vmax.f32 v2, v3;
	v26 =	vpop (erf);
	v53 =	vld [tilespmem:s20+$0x7000]  }
0x46e: {  	v52 =	vpop (erf);
	v28 =	vmax.f32 v31, v43;
	v31 =	vadd.f32 v26, v23;
	[tilespmem:$0x1FB40] =	vst v0;
	v0 =	vld [tilespmem:s20+$0x6060]  }
0x46f: {  	v54 =	vpop (erf);
	v60 =	vmul.f32 v52, v61;
	v61 =	vmov v62;
	v62 =	vld.idx.msk [tilespmem:v38+s19+$0x0], $0xffff  }
0x470: {  	v63 =	vmov v32;
	[tilespmem:s17+$0xD020] =	vst v22;
	v31 =	vadd.f32 v31, v54;
	v36 =	vld [tilespmem:s20+$0x7010];
	v32 =	vmul.f32 v20, v29;
	v29 =	vpop (erf)  }
0x471: {  	v22 =	vmul.f32 v20, v35;
	[tilespmem:s17+$0xC030] =	vst v12;
	v35 =	vld [tilespmem:s20+$0x7020];
	v57 =	vpop (erf)  }
0x472: {  	v41 =	vmax.f32 v47, v16;
	v12 =	vld [tilespmem:$0x1FBE0];
	[tilespmem:s17+$0xE020] =	vst v45;
	v45 =	vadd.f32 v31, v57  }
0x473: {  	v20 =	vmul.f32 v20, v59;
	v59 =	vmax.f32 v41, v0;
	v41 =	vld [tilespmem:s20+$0x7050]  }
0x474: {  	v13 =	vmax.f32 v4, v5;
	[tilespmem:s17+$0xF020] =	vst v24;
	v24 =	vld [tilespmem:$0x1FBD0];
	(erf) = vrcp.f32 v45  }
0x475: {  	v13 =	vmax.f32 v13, v44;
	[tilespmem:s17+$0xD030] =	vst v27;
	v27 =	vld [tilespmem:$0x1FC40]  }
0x476: {  	v48 =	vmax.f32 v56, v8;
	v13 =	vmax.f32 v13, v35;
	v31 =	vld [tilespmem:s20+$0x7040]  }
0x477: {  	v48 =	vmax.f32 v48, v25;
	[tilespmem:s17+$0xD040] =	vst v22;
	v22 =	vsub.f32 v44, v13;
	v44 =	vld [tilespmem:$0x1F990]  }
0x478: {  	v50 =	vadd.s32 $0x20, v50;
	v14 =	vmax.f32 v55, v1;
	[tilespmem:s17+$0xE030] =	vst v42;
	v45 =	vld.idx.msk [tilespmem:v37+s19+$0x0], $0xffff;
	v42 =	vmax.f32 v48, v41  }
0x479: {  	v14 =	vmax.f32 v14, v17;
	v37 =	vsub.f32 v56, v42;
	v56 =	vld [tilespmem:$0x1F9A0]  }
0x47a: {  	v58 =	vld.idx.msk [tilespmem:v33+s19+$0x0], $0xffff;
	v14 =	vmax.f32 v14, v53;
	v12 =	vmul.f32 v52, v12;
	v24 =	vmul.f32 v52, v24  }
0x47b: {  	v27 =	vmul.f32 v52, v27;
	v52 =	vsub.f32 v55, v14;
	v55 =	vld.idx.msk [tilespmem:v40+s19+$0x0], $0xffff;
	[tilespmem:s17+$0xF030] =	vst v15  }
0x47c: {  	v28 =	vmax.f32 v28, v36;
	[tilespmem:$0x1FA50] =	vst v29;
	v29 =	vld [tilespmem:s20+$0x7060]  }
0x47d: {  	v40 =	vmax.f32 v34, v30;
	v34 =	vld.idx.msk [tilespmem:v50+s19+$0x0], $0xffff;
	v15 =	vsub.f32 v17, v14;
	[tilespmem:s17+$0xC040] =	vst v32;
	v32 =	vpop (erf)  }
0x47e: {  	v17 =	vsub.f32 v43, v28;
	v43 =	vld [tilespmem:$0x1F980];
	v23 =	vmul.f32 v32, v23;
	v26 =	vmul.f32 v32, v26  }
0x47f: {  	v50 =	vmov v63;
	v63 =	vld.idx.msk [tilespmem:v44+s19+$0x0], $0xffff  }
0x480: {  	[tilespmem:s17+$0xE040] =	vst v19;
	v19 =	vmul.f32 $1.500000000e+01, v23;
	v23 =	vmul.f32 $1.500000000e+01, v26;
	v26 =	vld [tilespmem:$0x1F9B0]  }
0x481: {  	v48 =	vmax.f32 v59, v29;
	v56 =	vld.idx.msk [tilespmem:v56+s19+$0x0], $0xffff  }
0x482: {  	[tilespmem:s17+$0xC050] =	vst v24;
	v24 =	vsub.f32 v0, v48;
	v0 =	vld [tilespmem:$0x1F9D0];
	_ =	sdelay $0x4  }
0x483: {  	v59 =	vld.idx.msk [tilespmem:v43+s19+$0x0], $0xffff  }
0x484: {  	vm5 =	vlt.s32 v46, $0xE;
	v43 =	vmul.f32 v32, v54;
	v54 =	vld.idx.msk [tilespmem:v26+s19+$0x0], $0xffff  }
0x485: {  	v1 =	vsub.f32 v1, v14;
	v2 =	vsub.f32 v2, v28;
	v26 =	vmul.f32 v32, v57;
	v57 =	vld [tilespmem:$0x1F9C0]  }
0x486: {  	v46 =	vnsel vm5, $0xE, v46;
	v3 =	vsub.f32 v3, v28;
	v4 =	vsub.f32 v4, v13;
	v32 =	vld.idx.msk [tilespmem:v0+s19+$0x0], $0xffff  }
0x487: {  	v1 =	vmul.f32 $1.442695020e+00, v1;
	v2 =	vmul.f32 $1.442695020e+00, v2;
	v5 =	vsub.f32 v5, v13;
	v0 =	vld [tilespmem:$0x1F9E0]  }
0x488: {  	v46 =	vadd.s32 $0x30, v46;
	v3 =	vmul.f32 $1.442695020e+00, v3;
	v4 =	vmul.f32 $1.442695020e+00, v4  }
0x489: {  	v5 =	vmul.f32 $1.442695020e+00, v5;
	v6 =	vsub.f32 v6, v40;
	v7 =	vsub.f32 v7, v40  }
0x48a: {  	v18 =	vmax.f32 v9, v10;
	v38 =	vmul.f32 $1.442695020e+00, v52;
	v15 =	vmul.f32 $1.442695020e+00, v15  }
0x48b: {  	v18 =	vmax.f32 v18, v11;
	v6 =	vmul.f32 $1.442695020e+00, v6;
	v7 =	vmul.f32 $1.442695020e+00, v7  }
0x48c: {  	v8 =	vsub.f32 v8, v42;
	[tilespmem:s17+$0xF040] =	vst v20;
	v20 =	vsub.f32 v25, v42;
	v25 =	vmul.f32 $1.500000000e+01, v43  }
0x48d: {  	v18 =	vmax.f32 v18, v31;
	v19 =	vtrunc.f32 v19;
	v23 =	vtrunc.f32 v23  }
0x48e: {  	v44 =	vmovc v39;
	[tilespmem:s17+$0xD050] =	vst v12;
	v12 =	vsub.f32 v53, v14;
	v14 =	vcvt.f32.s32 v19;
	v39 =	vcvt.f32.s32 v23;
	v43 =	vld.idx.msk [tilespmem:v57+s19+$0x0], $0xffff  }
0x48f: {  	v16 =	vsub.f32 v16, v48;
	v9 =	vsub.f32 v9, v18;
	v25 =	vtrunc.f32 v25;
	v57 =	vld.idx.msk [tilespmem:v0+s19+$0x0], $0xffff  }
0x490: {  	vm5 =	vlt.s32 v14, $0xE;
	vm6 =	vlt.s32 v39, $0xE;
	v26 =	vmul.f32 $1.500000000e+01, v26;
	v0 =	vld [tilespmem:$0x1F9F0]  }
0x491: {  	v25 =	vcvt.f32.s32 v25;
	v14 =	vnsel vm5, $0xE, v14;
	v19 =	vnsel vm6, $0xE, v39  }
0x492: {  	v10 =	vsub.f32 v10, v18;
	v19 =	vadd.s32 $0x10, v19;
	v26 =	vtrunc.f32 v26  }
0x493: {  	v49 =	vld.idx.msk [tilespmem:v49+s19+$0x0], $0xffff;
	v8 =	vmul.f32 $1.442695020e+00, v8;
	vm7 =	vlt.s32 v25, $0xE;
	v26 =	vcvt.f32.s32 v26  }
0x494: {  	v16 =	vmul.f32 $1.442695020e+00, v16;
	v9 =	vmul.f32 $1.442695020e+00, v9;
	v25 =	vnsel vm7, $0xE, v25  }
0x495: {  	v33 =	vld [tilespmem:$0x1F970];
	v10 =	vmul.f32 $1.442695020e+00, v10;
	v25 =	vadd.s32 $0x20, v25;
	vm8 =	vlt.s32 v26, $0xE  }
0x496: {  	(erf) = vpow2.f32 v38;
	[tilespmem:s17+$0xF050] =	vst v27;
	v27 =	vmul.f32 $1.442695020e+00, v37;
	v37 =	vld.idx.msk [tilespmem:v14+s19+$0x0], $0xffff;
	v26 =	vnsel vm8, $0xE, v26  }
0x497: {  	(erf) = vpow2.f32 v1;
	v23 =	vsub.f32 v36, v28;
	v36 =	vld.idx.msk [tilespmem:v19+s19+$0x0], $0xffff;
	v14 =	vadd.s32 $0x30, v26  }
0x498: {  	v21 =	vsub.f32 v21, v40;
	v53 =	vmovc v49;
	v1 =	vmul.f32 $1.442695020e+00, v17;
	(erf) = vpow2.f32 v2;
	v49 =	vld.idx.msk [tilespmem:v0+s19+$0x0], $0xffff  }
0x499: {  	v11 =	vsub.f32 v11, v18;
	v2 =	vmul.f32 $1.442695020e+00, v22;
	(erf) = vpow2.f32 v3;
	v0 =	vld [tilespmem:$0x1FA00]  }
0x49a: {  	v13 =	vsub.f32 v35, v13;
	v3 =	vmul.f32 $1.442695020e+00, v21;
	v12 =	vmul.f32 $1.442695020e+00, v12;
	v38 =	vld.idx.msk [tilespmem:v25+s19+$0x0], $0xffff  }
0x49b: {  	v47 =	vsub.f32 v47, v48;
	(erf) = vpow2.f32 v4;
	v4 =	vmul.f32 $1.442695020e+00, v11  }
0x49c: {  	v17 =	vsub.f32 v31, v18;
	v11 =	vmul.f32 $1.442695020e+00, v20;
	(erf) = vpow2.f32 v5;
	v14 =	vld.idx.msk [tilespmem:v14+s19+$0x0], $0xffff  }
0x49d: {  	v5 =	vadd.f32 v61, v55;
	(erf) = vpow2.f32 v6;
	v35 =	vadd.f32 v36, v37  }
0x49e: {  	[tilespmem:$0x1FB80] =	vst v61;
	v28 =	vmul.f32 $1.442695020e+00, v47;
	v47 =	vsub.f32 v41, v42;
	(erf) = vpow2.f32 v7  }
0x49f: {  	[tilespmem:s17+$0xE050] =	vst v60;
	v60 =	vmovc v34;
	v61 =	vmovc v63;
	v6 =	vmul.f32 $1.442695020e+00, v24;
	(erf) = vpow2.f32 v9;
	v20 =	vadd.f32 v38, v35  }
0x4a0: {  	v52 =	vld.idx.msk [tilespmem:v33+s19+$0x0], $0xffff;
	v19 =	vsub.f32 v30, v40;
	v40 =	vpop (erf);
	(erf) = vpow2.f32 v10;
	v10 =	vmul.f32 $1.442695020e+00, v13  }
0x4a1: {  	v41 =	vpop (erf);
	(erf) = vpow2.f32 v27;
	v13 =	vadd.f32 v14, v20;
	v33 =	vld.idx.msk [tilespmem:v0+s19+$0x0], $0xffff;
	v0 =	vsub.f32 v29, v48  }
0x4a2: {  	v7 =	vadd.f32 v50, v62;
	v9 =	vadd.f32 v44, v58;
	v42 =	vpop (erf);
	(erf) = vpow2.f32 v8  }
0x4a3: {  	[tilespmem:$0x1FBA0] =	vst v50;
	v50 =	vld [tilespmem:$0x1FA30];
	vm9 =	veq.f32 v13, $0.0e+00;
	v29 =	vmov v43;
	v43 =	vpop (erf);
	(erf) = vpow2.f32 v28  }
0x4a4: {  	[tilespmem:$0x1FBE0] =	vst v44;
	v25 =	vld [tilespmem:$0x1FA40];
	v8 =	vmul.f32 $1.442695020e+00, v17;
	v13 =	vsel vm9, $0x3F800000, v13;
	v44 =	vpop (erf);
	(erf) = vpow2.f32 v16  }
0x4a5: {  	v63 =	vmov v52;
	v39 =	vmul.f32 $1.442695020e+00, v0;
	v0 =	vpop (erf);
	(erf) = vrcp.f32 v13  }
0x4a6: {  	[tilespmem:$0x1FBD0] =	vst v58;
	v58 =	vmov v32;
	v32 =	vld [tilespmem:$0x1FA10];
	v17 =	vmul.f32 $1.442695020e+00, v47;
	(erf) = vpow2.f32 v15;
	v47 =	vpop (erf)  }
0x4a7: {  	v21 =	vmul.f32 $1.442695020e+00, v23;
	v7 =	vadd.f32 v61, v7;
	(erf) = vpow2.f32 v1;
	v1 =	vpop (erf)  }
0x4a8: {  	v23 =	vadd.f32 v34, v50;
	v19 =	vmul.f32 $1.442695020e+00, v19;
	v48 =	vld [tilespmem:$0x1FA20];
	(erf) = vpow2.f32 v2;
	v2 =	vpop (erf)  }
0x4a9: {  	v25 =	vadd.f32 v52, v25;
	v26 =	vadd.f32 v59, v5;
	(erf) = vpow2.f32 v3;
	v3 =	vpop (erf)  }
0x4aa: {  	v51 =	vld.idx.msk [tilespmem:v51+s19+$0x0], $0xffff;
	v35 =	vmov v45;
	v20 =	vadd.f32 v41, v40;
	(erf) = vpow2.f32 v4;
	v5 =	vpop (erf)  }
0x4ab: {  	[tilespmem:$0x1FBC0] =	vst v59;
	v59 =	vmov v49;
	v15 =	vadd.f32 v32, v45;
	v45 =	vpop (erf);
	(erf) = vpow2.f32 v11  }
0x4ac: {  	v16 =	vadd.f32 v43, v42;
	v4 =	vadd.f32 v56, v9;
	v9 =	vpop (erf);
	(erf) = vpow2.f32 v6  }
0x4ad: {  	v13 =	vadd.f32 v0, v44;
	v22 =	vadd.f32 v53, v48;
	(erf) = vpow2.f32 v12;
	v49 =	vpop (erf)  }
0x4ae: {  	v24 =	vadd.f32 v1, v47;
	v15 =	vadd.f32 v54, v15;
	(erf) = vpow2.f32 v21;
	v21 =	vpop (erf)  }
0x4af: {  	v46 =	vld.idx.msk [tilespmem:v46+s19+$0x0], $0xffff;
	[tilespmem:$0x1FC10] =	vst v56;
	v56 =	vadd.f32 v51, v26;
	v26 =	vadd.f32 v59, v7;
	v7 =	vpop (erf);
	(erf) = vpow2.f32 v10  }
0x4b0: {  	v27 =	vadd.f32 v3, v2;
	v15 =	vadd.f32 v33, v15;
	v48 =	vpop (erf);
	(erf) = vpow2.f32 v19  }
0x4b1: {  	[tilespmem:$0x1FB90] =	vst v55;
	v11 =	vadd.f32 v29, v22;
	v55 =	vadd.f32 v45, v5;
	v50 =	vpop (erf);
	(erf) = vpow2.f32 v8  }
0x4b2: {  	v6 =	vadd.f32 v58, v23;
	vm13 =	veq.f32 v56, $0.0e+00;
	v8 =	vpop (erf);
	(erf) = vpow2.f32 v17  }
0x4b3: {  	vm14 =	veq.f32 v26, $0.0e+00;
	v12 =	vadd.f32 v57, v25;
	v25 =	vadd.f32 v49, v9;
	v19 =	vpop (erf)  }
0x4b4: {  	[tilespmem:$0x1FBB0] =	vst v62;
	v10 =	vadd.f32 v46, v4;
	v62 =	vadd.f32 v24, v8;
	(erf) = vpow2.f32 v39;
	v24 =	vpop (erf)  }
0x4b5: {  	vm6 =	veq.f32 v15, $0.0e+00;
	v20 =	vadd.f32 v20, v7;
	v34 =	vadd.f32 v27, v19;
	v27 =	vpop (erf)  }
0x4b6: {  	vm11 =	veq.f32 v6, $0.0e+00;
	v14 =	vmul.f32 v21, v14;
	v16 =	vadd.f32 v16, v48;
	v4 =	vpop (erf)  }
0x4b7: {  	[tilespmem:$0x1FC40] =	vst v46;
	v28 =	vsel vm11, $0x3F800000, v6;
	v13 =	vadd.f32 v13, v50;
	v20 =	vadd.f32 v20, v4;
	v6 =	vpop (erf)  }
0x4b8: {  	v23 =	vld [tilespmem:$0x1FC20];
	[tilespmem:s20+$0xF070] =	vst v14;
	vm15 =	veq.f32 v10, $0.0e+00;
	v14 =	vsel vm13, $0x3F800000, v56;
	v16 =	vadd.f32 v16, v6;
	v46 =	vpop (erf)  }
0x4b9: {  	v56 =	vld [tilespmem:$0x1FC00];
	v30 =	vsel vm15, $0x3F800000, v10;
	v13 =	vadd.f32 v13, v46;
	(erf) = vrcp.f32 v20;
	v10 =	vpop (erf)  }
0x4ba: {  	[tilespmem:$0x1FC30] =	vst v51;
	v22 =	vadd.f32 v55, v24;
	v39 =	vadd.f32 v62, v10;
	(erf) = vrcp.f32 v16;
	v51 =	vpop (erf);
	v62 =	vld [tilespmem:$0x1FA50]  }
0x4bb: {  	v31 =	vsel vm14, $0x3F800000, v26;
	v26 =	vadd.f32 v34, v51;
	(erf) = vrcp.f32 v13;
	v52 =	vpop (erf);
	v13 =	vld [tilespmem:$0x1FBF0]  }
0x4bc: {  	v25 =	vadd.f32 v25, v27;
	v34 =	vadd.f32 v22, v52;
	(erf) = vrcp.f32 v39  }
0x4bd: {  	[tilespmem:$0x1FAC0] =	vst v29;
	v29 =	vsel vm6, $0x3F800000, v15;
	v15 =	vpop (erf);
	(erf) = vrcp.f32 v26  }
0x4be: {  	vm10 =	veq.f32 v11, $0.0e+00;
	v55 =	vadd.f32 v25, v15;
	(erf) = vrcp.f32 v34  }
0x4bf: {  	v11 =	vsel vm10, $0x3F800000, v11;
	v16 =	vmul.f32 v62, v56;
	v23 =	vmul.f32 v62, v23  }
0x4c0: {  	(erf) = vrcp.f32 v55;
	v13 =	vmul.f32 v62, v13  }
0x4c1: {  	vm12 =	veq.f32 v12, $0.0e+00;
	v39 =	vmovc v62;
	v62 =	vmul.f32 v21, v37;
	(erf) = vrcp.f32 v11  }
0x4c2: {  	v12 =	vsel vm12, $0x3F800000, v12;
	v37 =	vmul.f32 v21, v36;
	(erf) = vrcp.f32 v28;
	v11 =	vpop (erf)  }
0x4c3: {  	(erf) = vrcp.f32 v12;
	v12 =	vmul.f32 v11, v40  }
0x4c4: {  	v18 =	vmov v54;
	[tilespmem:s17+$0xC060] =	vst v16;
	v16 =	vpop (erf);
	v7 =	vmul.f32 v11, v7;
	v4 =	vmul.f32 v11, v4  }
0x4c5: {  	v56 =	vmov v35;
	v17 =	vmul.f32 v16, v42;
	v54 =	vpop (erf);
	v6 =	vmul.f32 v16, v6  }
0x4c6: {  	v55 =	vmul.f32 v54, v44;
	v0 =	vmul.f32 v54, v0  }
0x4c7: {  	[tilespmem:s17+$0xD060] =	vst v13;
	v13 =	vld [tilespmem:$0x1FC50];
	v50 =	vmul.f32 v54, v50;
	v12 =	vmul.f32 $1.500000000e+01, v12  }
0x4c8: {  	[tilespmem:$0x1FC00] =	vst v56;
	v56 =	vpop (erf);
	v7 =	vmul.f32 $1.500000000e+01, v7;
	v54 =	vmul.f32 v54, v46  }
0x4c9: {  	v4 =	vmul.f32 $1.500000000e+01, v4;
	v1 =	vmul.f32 v56, v1  }
0x4ca: {  	v8 =	vmul.f32 v56, v8;
	v17 =	vmul.f32 $1.500000000e+01, v17  }
0x4cb: {  	v10 =	vmul.f32 v56, v10;
	v6 =	vmul.f32 $1.500000000e+01, v6  }
0x4cc: {  	v25 =	vpop (erf);
	v13 =	vmul.f32 v39, v13;
	v39 =	vmul.f32 v16, v43  }
0x4cd: {  	v2 =	vmul.f32 v25, v2;
	v3 =	vmul.f32 v25, v3  }
0x4ce: {  	v35 =	vmov v32;
	v0 =	vmul.f32 $1.500000000e+01, v0;
	v19 =	vmul.f32 v25, v19  }
0x4cf: {  	[tilespmem:$0x1FBF0] =	vst v35;
	v35 =	vmul.f32 $1.500000000e+01, v50;
	v12 =	vtrunc.f32 v12  }
0x4d0: {  	v26 =	vpop (erf);
	v7 =	vtrunc.f32 v7;
	v4 =	vtrunc.f32 v4  }
0x4d1: {  	v5 =	vmul.f32 v26, v5;
	v28 =	vmul.f32 v26, v45  }
0x4d2: {  	v1 =	vmul.f32 $1.500000000e+01, v1;
	v24 =	vmul.f32 v26, v24  }
0x4d3: {  	v8 =	vmul.f32 $1.500000000e+01, v8;
	v17 =	vtrunc.f32 v17  }
0x4d4: {  	v12 =	vcvt.f32.s32 v12;
	v10 =	vmul.f32 $1.500000000e+01, v10  }
0x4d5: {  	v45 =	vpop (erf);
	v7 =	vcvt.f32.s32 v7;
	v6 =	vtrunc.f32 v6  }
0x4d6: {  	[tilespmem:s17+$0xF060] =	vst v13;
	v13 =	vmul.f32 v21, v38;
	v9 =	vmul.f32 v45, v9  }
0x4d7: {  	[tilespmem:$0x1FC20] =	vst v18;
	v18 =	vmul.f32 $1.500000000e+01, v39;
	v3 =	vmul.f32 $1.500000000e+01, v3  }
0x4d8: {  	v27 =	vmul.f32 v45, v27;
	v21 =	vmul.f32 $1.500000000e+01, v55  }
0x4d9: {  	v2 =	vmul.f32 $1.500000000e+01, v2;
	v0 =	vtrunc.f32 v0  }
0x4da: {  	v19 =	vmul.f32 $1.500000000e+01, v19;
	v55 =	vmul.f32 v25, v51  }
0x4db: {  	[tilespmem:s17+$0xE060] =	vst v23;
	s17 =	smov.u32 s18;
	s18 =	smov.u32 s20;
	v15 =	vmul.f32 v45, v15;
	v17 =	vcvt.f32.s32 v17  }
0x4dc: {  	[tilespmem:s18+$0xC070] =	vst v62;
	v62 =	vmul.f32 v56, v47;
	v47 =	vmul.f32 v45, v49  }
0x4dd: {  	v28 =	vmul.f32 $1.500000000e+01, v28;
	v49 =	vmul.f32 v16, v48  }
0x4de: {  	v5 =	vmul.f32 $1.500000000e+01, v5;
	v1 =	vtrunc.f32 v1  }
0x4df: {  	v24 =	vmul.f32 $1.500000000e+01, v24;
	v56 =	vmul.f32 v26, v52  }
0x4e0: {  	v0 =	vcvt.f32.s32 v0;
	v8 =	vtrunc.f32 v8  }
0x4e1: {  	v16 =	vmul.f32 $1.500000000e+01, v54;
	v10 =	vtrunc.f32 v10  }
0x4e2: {  	[tilespmem:s18+$0xE070] =	vst v13;
	v13 =	vmul.f32 v11, v41;
	v9 =	vmul.f32 $1.500000000e+01, v9  }
0x4e3: {  	v18 =	vtrunc.f32 v18;
	v3 =	vtrunc.f32 v3  }
0x4e4: {  	v11 =	vmul.f32 $1.500000000e+01, v27;
	v1 =	vcvt.f32.s32 v1  }
0x4e5: {  	v21 =	vtrunc.f32 v21;
	v2 =	vtrunc.f32 v2  }
0x4e6: {  	v19 =	vtrunc.f32 v19;
	v20 =	vmul.f32 $1.500000000e+01, v55  }
0x4e7: {  	v15 =	vmul.f32 $1.500000000e+01, v15;
	v8 =	vcvt.f32.s32 v8  }
0x4e8: {  	v34 =	vmov v33;
	v33 =	vmul.f32 $1.500000000e+01, v47;
	v23 =	vmul.f32 $1.500000000e+01, v62  }
0x4e9: {  	[tilespmem:$0x1FC50] =	vst v34;
	v28 =	vtrunc.f32 v28;
	v34 =	vmul.f32 $1.500000000e+01, v49  }
0x4ea: {  	v18 =	vcvt.f32.s32 v18;
	v3 =	vcvt.f32.s32 v3  }
0x4eb: {  	v5 =	vtrunc.f32 v5;
	v21 =	vcvt.f32.s32 v21  }
0x4ec: {  	v2 =	vcvt.f32.s32 v2;
	v24 =	vtrunc.f32 v24  }
0x4ed: {  	v22 =	vmul.f32 $1.500000000e+01, v56;
	v19 =	vcvt.f32.s32 v19  }
0x4ee: {  	v16 =	vtrunc.f32 v16;
	v13 =	vmul.f32 $1.500000000e+01, v13  }
0x4ef: {  	v25 =	vcvt.f32.s32 v28;
	v9 =	vtrunc.f32 v9  }
0x4f0: {  	vm11 =	vlt.s32 v0, $0xE;
	v5 =	vcvt.f32.s32 v5;
	v28 =	vtrunc.f32 v35  }
0x4f1: {  	vm12 =	vlt.s32 v1, $0xE;
	v11 =	vtrunc.f32 v11;
	v24 =	vcvt.f32.s32 v24  }
0x4f2: {  	v0 =	vnsel vm11, $0xE, v0;
	v20 =	vtrunc.f32 v20;
	v15 =	vtrunc.f32 v15  }
0x4f3: {  	v33 =	vtrunc.f32 v33;
	vm10 =	vlt.s32 v18, $0xE;
	v23 =	vtrunc.f32 v23  }
0x4f4: {  	vm13 =	vlt.s32 v3, $0xE;
	v9 =	vcvt.f32.s32 v9;
	v27 =	vtrunc.f32 v34  }
0x4f5: {  	v1 =	vnsel vm12, $0xE, v1;
	v28 =	vcvt.f32.s32 v28;
	v11 =	vcvt.f32.s32 v11  }
0x4f6: {  	vm11 =	vlt.s32 v21, $0xE;
	v22 =	vtrunc.f32 v22;
	v45 =	vcvt.f32.s32 v15  }
0x4f7: {  	v62 =	vadd.s32 $0x10, v0;
	v13 =	vtrunc.f32 v13;
	v26 =	vcvt.f32.s32 v33  }
0x4f8: {  	vm14 =	vlt.s32 v25, $0xE;
	v23 =	vcvt.f32.s32 v23;
	v18 =	vnsel vm10, $0xE, v18  }
0x4f9: {  	v3 =	vnsel vm13, $0xE, v3;
	vm10 =	vlt.s32 v17, $0xE;
	v27 =	vcvt.f32.s32 v27  }
0x4fa: {  	vm13 =	vlt.s32 v2, $0xE;
	v1 =	vadd.s32 $0x10, v1;
	v0 =	vnsel vm11, $0xE, v21  }
0x4fb: {  	v46 =	vcvt.f32.s32 v22;
	v13 =	vcvt.f32.s32 v13;
	v25 =	vnsel vm14, $0xE, v25  }
0x4fc: {  	vm14 =	vlt.s32 v5, $0xE;
	v18 =	vadd.s32 $0x10, v18;
	v3 =	vadd.s32 $0x10, v3  }
0x4fd: {  	v17 =	vnsel vm10, $0xE, v17;
	v38 =	vnsel vm13, $0xE, v2;
	vm11 =	vlt.s32 v28, $0xE  }
0x4fe: {  	vm13 =	vlt.s32 v19, $0xE;
	v2 =	vcvt.f32.s32 v20;
	vm15 =	vlt.s32 v26, $0xE  }
0x4ff: {  	vm12 =	vlt.s32 v23, $0xE;
	v25 =	vadd.s32 $0x10, v25;
	v33 =	vnsel vm14, $0xE, v5  }
0x500: {  	vm10 =	vlt.s32 v27, $0xE;
	vm9 =	vlt.s32 v13, $0xE;
	v26 =	vnsel vm15, $0xE, v26;
	v41 =	vld.idx.msk [tilespmem:v62+s19+$0x0], $0xffff  }
0x501: {  	vm14 =	vlt.s32 v24, $0xE;
	v13 =	vnsel vm9, $0xE, v13;
	v26 =	vadd.s32 $0x10, v26;
	v62 =	vld.idx.msk [tilespmem:v1+s19+$0x0], $0xffff  }
0x502: {  	s7 =	sadd.s32 $0x80, s7;
	v5 =	vcvt.f32.s32 v6;
	vm9 =	vlt.s32 v12, $0xE;
	v13 =	vadd.s32 $0x10, v13;
	v44 =	vld.idx.msk [tilespmem:v18+s19+$0x0], $0xffff  }
0x503: {  	p0 =	slt.u32 s7, $0xF80;
	vm15 =	vlt.s32 v9, $0xE;
	v40 =	vnsel vm12, $0xE, v23;
	v12 =	vnsel vm9, $0xE, v12;
	v32 =	vld.idx.msk [tilespmem:v3+s19+$0x0], $0xffff  }
.Ltmp3:
0x504: {  	vm12 =	vlt.s32 v8, $0xE;
	v50 =	vnsel vm10, $0xE, v27;
	v6 =	vnsel vm14, $0xE, v24;
	v48 =	vld.idx.msk [tilespmem:v17+s19+$0x0], $0xffff;
	(pc) =	sbr.rel @p0 .LBB2_5-.Ltmp3, $4  }
0x505: {  	[tilespmem:s18+$0xD070] =	vst v37;
	v37 =	vnsel vm15, $0xE, v9;
	vm15 =	vlt.s32 v11, $0xE;
	v9 =	vnsel vm12, $0xE, v8;
	v27 =	vld.idx.msk [tilespmem:v25+s19+$0x0], $0xffff  }
0x506: {  	v43 =	vpop (erf);
	v8 =	vnsel vm13, $0xE, v19;
	vm9 =	vlt.s32 v7, $0xE;
	v1 =	vcvt.f32.s32 v10;
	v25 =	vld.idx.msk [tilespmem:v26+s19+$0x0], $0xffff  }
0x507: {  	v42 =	vpop (erf);
	v10 =	vnsel vm11, $0xE, v28;
	v3 =	vnsel vm15, $0xE, v11;
	v47 =	vld.idx.msk [tilespmem:v13+s19+$0x0], $0xffff;
	v13 =	vnsel vm9, $0xE, v7  }
0x508: {  	s12 =	sadd.s32 $0x200, s12;
	v39 =	vpop (erf);
	v7 =	vcvt.f32.s32 v4;
	v4 =	vcvt.f32.s32 v16;
	v56 =	vld.idx.msk [tilespmem:v12+s19+$0x0], $0xffff;
	v49 =	vadd.s32 $0x20, v13  }
0x509: {  	v11 =	vld [tilespmem:$0x1FAE0]  }
0x50a: {  	v12 =	vld [tilespmem:$0x1FAD0];
	_ =	sdelay $0x3  }
0x50b: {  	v11 =	vmul.f32 v43, v11  }
0x50c: {  	v12 =	vmul.f32 v43, v12  }
0x50d: {  	[tilespmem:s17+$0xC000] =	vst v11  }
0x50e: {  	[tilespmem:s17+$0xD000] =	vst v12  }
0x50f: {  	v12 =	vld [tilespmem:$0x1FAC0];
	_ =	sdelay $0x3  }
0x510: {  	v35 =	vmul.f32 v43, v53  }
0x511: {  	v12 =	vmul.f32 v43, v12  }
0x512: {  	[tilespmem:s17+$0xE000] =	vst v35  }
0x513: {  	v11 =	vld [tilespmem:$0x1FB20];
	[tilespmem:s17+$0xF000] =	vst v12  }
0x514: {  	v12 =	vld [tilespmem:$0x1FB10];
	_ =	sdelay $0x3  }
0x515: {  	v11 =	vmul.f32 v42, v11  }
0x516: {  	v12 =	vmul.f32 v42, v12  }
0x517: {  	[tilespmem:s17+$0xC010] =	vst v11  }
0x518: {  	[tilespmem:s17+$0xD010] =	vst v12  }
0x519: {  	v12 =	vld [tilespmem:$0x1FB40];
	_ =	sdelay $0x2  }
0x51a: {  	v13 =	vmul.f32 v42, v60  }
0x51b: {  	(erf) = vrcp.f32 v14;
	v36 =	vmul.f32 v42, v58;
	v15 =	vld [tilespmem:$0x1FB30]  }
0x51c: {  	[tilespmem:s17+$0xE010] =	vst v13;
	v12 =	vmul.f32 v39, v12  }
0x51d: {  	[tilespmem:s17+$0xF010] =	vst v36  }
0x51e: {  	[tilespmem:s17+$0xC020] =	vst v12  }
0x51f: {  	(erf) = vrcp.f32 v31;
	v14 =	vld [tilespmem:$0x1FB90]  }
0x520: {  	v15 =	vmul.f32 v39, v15;
	v19 =	vld [tilespmem:$0x1FB80]  }
0x521: {  	v17 =	vmul.f32 v39, v63;
	v20 =	vld [tilespmem:$0x1FBC0]  }
0x522: {  	v18 =	vmul.f32 v39, v57;
	v21 =	vld [tilespmem:$0x1FC30];
	[tilespmem:s17+$0xD020] =	vst v15  }
0x523: {  	vm4 =	vlt.s32 v5, $0xE;
	[tilespmem:s17+$0xE020] =	vst v17  }
0x524: {  	vm0 =	vlt.s32 v7, $0xE;
	v5 =	vnsel vm4, $0xE, v5;
	v43 =	vpop (erf);
	v17 =	vld [tilespmem:$0x1FBB0];
	[tilespmem:s17+$0xF020] =	vst v18  }
0x525: {  	v7 =	vnsel vm0, $0xE, v7;
	v5 =	vadd.s32 $0x30, v5;
	v18 =	vld [tilespmem:$0x1FBA0];
	v14 =	vmul.f32 v43, v14  }
0x526: {  	v7 =	vadd.s32 $0x30, v7;
	v19 =	vmul.f32 v43, v19  }
0x527: {  	v42 =	vadd.s32 $0x20, v50;
	v20 =	vmul.f32 v43, v20;
	[tilespmem:s17+$0xC030] =	vst v14  }
0x528: {  	v16 =	vld.idx.msk [tilespmem:v49+s19+$0x0], $0xffff;
	(erf) = vrcp.f32 v30;
	v50 =	vpop (erf);
	v13 =	vmul.f32 v43, v21;
	[tilespmem:s17+$0xD030] =	vst v19  }
0x529: {  	v0 =	vld.idx.msk [tilespmem:v0+s19+$0x0], $0xffff;
	v17 =	vmul.f32 v50, v17;
	[tilespmem:s17+$0xE030] =	vst v20  }
0x52a: {  	v5 =	vld.idx.msk [tilespmem:v5+s19+$0x0], $0xffff;
	v18 =	vmul.f32 v50, v18;
	[tilespmem:s17+$0xF030] =	vst v13  }
0x52b: {  	v7 =	vld.idx.msk [tilespmem:v7+s19+$0x0], $0xffff;
	[tilespmem:s17+$0xC040] =	vst v17  }
0x52c: {  	v10 =	vadd.s32 $0x20, v10;
	vm5 =	vlt.s32 v4, $0xE;
	v49 =	vadd.f32 v47, v56;
	v11 =	vld.idx.msk [tilespmem:v42+s19+$0x0], $0xffff;
	[tilespmem:s17+$0xD040] =	vst v18  }
0x52d: {  	v9 =	vadd.s32 $0x20, v9;
	v4 =	vnsel vm5, $0xE, v4;
	v18 =	vld [tilespmem:$0x1FBD0]  }
0x52e: {  	v8 =	vadd.s32 $0x20, v8;
	v4 =	vadd.s32 $0x30, v4;
	v12 =	vadd.f32 v16, v49;
	v19 =	vld [tilespmem:$0x1FBE0]  }
0x52f: {  	vm6 =	vlt.s32 v1, $0xE;
	v52 =	vadd.f32 v44, v48;
	vm1 =	vlt.s32 v2, $0xE;
	v20 =	vld [tilespmem:$0x1FC10]  }
0x530: {  	v1 =	vnsel vm6, $0xE, v1;
	v51 =	vmul.f32 v50, v61;
	v12 =	vadd.f32 v7, v12;
	v22 =	vld [tilespmem:$0x1FC40]  }
0x531: {  	v1 =	vadd.s32 $0x30, v1;
	(erf) = vrcp.f32 v29;
	v10 =	vld.idx.msk [tilespmem:v10+s19+$0x0], $0xffff;
	v55 =	vpop (erf);
	v15 =	vmul.f32 v50, v59  }
0x532: {  	v57 =	vld.idx.msk [tilespmem:v40+s19+$0x0], $0xffff;
	v53 =	vadd.f32 v11, v52;
	vm7 =	veq.f32 v12, $0.0e+00;
	[tilespmem:s17+$0xE040] =	vst v51;
	v18 =	vmul.f32 v55, v18  }
0x533: {  	v54 =	vadd.f32 v41, v0;
	v4 =	vld.idx.msk [tilespmem:v4+s19+$0x0], $0xffff;
	v12 =	vsel vm7, $0x3F800000, v12;
	[tilespmem:s17+$0xF040] =	vst v15;
	v19 =	vmul.f32 v55, v19  }
0x534: {  	v58 =	vld.idx.msk [tilespmem:v38+s19+$0x0], $0xffff;
	(erf) = vrcp.f32 v12;
	v13 =	vadd.f32 v5, v53;
	v20 =	vmul.f32 v55, v20;
	[tilespmem:s17+$0xC050] =	vst v18  }
0x535: {  	v2 =	vnsel vm1, $0xE, v2;
	v9 =	vld.idx.msk [tilespmem:v9+s19+$0x0], $0xffff;
	v12 =	vmul.f32 v55, v22;
	[tilespmem:s17+$0xD050] =	vst v19  }
0x536: {  	v2 =	vadd.s32 $0x30, v2;
	v1 =	vld.idx.msk [tilespmem:v1+s19+$0x0], $0xffff;
	v14 =	vadd.f32 v10, v54;
	vm8 =	veq.f32 v13, $0.0e+00;
	[tilespmem:s17+$0xE050] =	vst v20  }
0x537: {  	v13 =	vsel vm8, $0x3F800000, v13;
	v19 =	vld [tilespmem:$0x1FC00];
	[tilespmem:s17+$0xF050] =	vst v12  }
0x538: {  	v60 =	vadd.f32 v62, v57;
	v14 =	vadd.f32 v4, v14;
	(erf) = vrcp.f32 v13;
	v20 =	vld [tilespmem:$0x1FBF0]  }
0x539: {  	v6 =	vadd.s32 $0x20, v6;
	vm9 =	vlt.s32 v46, $0xE;
	vm11 =	vlt.s32 v45, $0xE;
	v8 =	vld.idx.msk [tilespmem:v8+s19+$0x0], $0xffff  }
0x53a: {  	v59 =	vnsel vm9, $0xE, v46;
	vm10 =	veq.f32 v14, $0.0e+00;
	v13 =	vadd.f32 v9, v60  }
0x53b: {  	v24 =	vadd.f32 v32, v58;
	v2 =	vld.idx.msk [tilespmem:v2+s19+$0x0], $0xffff;
	v61 =	vpop (erf);
	v15 =	vadd.s32 $0x30, v59;
	v14 =	vsel vm10, $0x3F800000, v14  }
0x53c: {  	v63 =	vld.idx.msk [tilespmem:v33+s19+$0x0], $0xffff;
	(erf) = vrcp.f32 v14;
	v13 =	vadd.f32 v1, v13;
	v19 =	vmul.f32 v61, v19  }
0x53d: {  	v3 =	vadd.s32 $0x20, v3;
	v26 =	vnsel vm11, $0xE, v45;
	v31 =	vld.idx.msk [tilespmem:v37+s19+$0x0], $0xffff;
	v29 =	vpop (erf);
	v20 =	vmul.f32 v61, v20  }
0x53e: {  	v6 =	vld.idx.msk [tilespmem:v6+s19+$0x0], $0xffff;
	v14 =	vadd.f32 v8, v24;
	vm12 =	veq.f32 v13, $0.0e+00;
	v23 =	vmul.f32 v29, v56;
	[tilespmem:s17+$0xC060] =	vst v19  }
0x53f: {  	v30 =	vadd.s32 $0x30, v26;
	v33 =	vmul.f32 v29, v47;
	v13 =	vsel vm12, $0x3F800000, v13;
	v19 =	vld [tilespmem:$0x1FC20];
	[tilespmem:s17+$0xD060] =	vst v20  }
0x540: {  	v14 =	vadd.f32 v2, v14;
	v16 =	vmul.f32 v29, v16;
	(erf) = vrcp.f32 v13;
	v28 =	vld [tilespmem:$0x1FC50];
	[tilespmem:s18+$0xC000] =	vst v23  }
0x541: {  	v15 =	vld.idx.msk [tilespmem:v15+s19+$0x0], $0xffff;
	v7 =	vmul.f32 v29, v7;
	v35 =	vpop (erf);
	[tilespmem:s18+$0xD000] =	vst v33  }
0x542: {  	v34 =	vadd.f32 v27, v63;
	vm13 =	veq.f32 v14, $0.0e+00;
	v36 =	vmul.f32 v35, v48;
	[tilespmem:s18+$0xE000] =	vst v16  }
0x543: {  	v3 =	vld.idx.msk [tilespmem:v3+s19+$0x0], $0xffff;
	v14 =	vsel vm13, $0x3F800000, v14;
	v38 =	vmul.f32 v35, v44;
	[tilespmem:s18+$0xF000] =	vst v7  }
0x544: {  	v13 =	vadd.f32 v6, v34;
	(erf) = vrcp.f32 v14;
	v11 =	vmul.f32 v35, v11;
	[tilespmem:s18+$0xC010] =	vst v36  }
0x545: {  	v37 =	vld.idx.msk [tilespmem:v30+s19+$0x0], $0xffff;
	v5 =	vmul.f32 v35, v5;
	v40 =	vpop (erf);
	[tilespmem:s18+$0xD010] =	vst v38  }
0x546: {  	v39 =	vadd.f32 v25, v31;
	v13 =	vadd.f32 v15, v13;
	v0 =	vmul.f32 v40, v0;
	[tilespmem:s18+$0xE010] =	vst v11  }
0x547: {  	v44 =	vmul.f32 v40, v41;
	[tilespmem:s18+$0xF010] =	vst v5  }
0x548: {  	v42 =	vadd.f32 v3, v39;
	vm14 =	veq.f32 v13, $0.0e+00;
	v46 =	vmul.f32 v40, v10;
	[tilespmem:s18+$0xC020] =	vst v0  }
0x549: {  	v43 =	vsel vm14, $0x3F800000, v13;
	v4 =	vmul.f32 v40, v4;
	v47 =	vpop (erf);
	[tilespmem:s18+$0xD020] =	vst v44  }
0x54a: {  	v45 =	vadd.f32 v37, v42;
	(erf) = vrcp.f32 v43;
	[tilespmem:s18+$0xE020] =	vst v46;
	v48 =	vmul.f32 v47, v57  }
0x54b: {  	[tilespmem:s18+$0xF020] =	vst v4;
	v49 =	vmul.f32 v47, v62  }
0x54c: {  	vm15 =	veq.f32 v45, $0.0e+00;
	v50 =	vmul.f32 v47, v9;
	[tilespmem:s18+$0xC030] =	vst v48  }
0x54d: {  	v0 =	vsel vm15, $0x3F800000, v45;
	v1 =	vmul.f32 v47, v1;
	[tilespmem:s18+$0xD030] =	vst v49;
	v51 =	vpop (erf)  }
0x54e: {  	(erf) = vrcp.f32 v0;
	[tilespmem:s18+$0xE030] =	vst v50;
	v52 =	vmul.f32 v51, v58  }
0x54f: {  	[tilespmem:s18+$0xF030] =	vst v1;
	v53 =	vmul.f32 v51, v32  }
0x550: {  	v54 =	vmul.f32 v51, v8;
	[tilespmem:s18+$0xC040] =	vst v52  }
0x551: {  	v2 =	vmul.f32 v51, v2;
	[tilespmem:s18+$0xD040] =	vst v53  }
0x552: {  	v19 =	vmul.f32 v61, v19;
	[tilespmem:s18+$0xE040] =	vst v54  }
0x553: {  	v18 =	vmul.f32 v61, v28;
	[tilespmem:s18+$0xF040] =	vst v2;
	v55 =	vpop (erf)  }
0x554: {  	[tilespmem:s17+$0xE060] =	vst v19;
	v56 =	vmul.f32 v55, v63  }
0x555: {  	[tilespmem:s17+$0xF060] =	vst v18;
	v57 =	vmul.f32 v55, v27  }
0x556: {  	v58 =	vmul.f32 v55, v6;
	[tilespmem:s18+$0xC050] =	vst v56  }
0x557: {  	v1 =	vmul.f32 v55, v15;
	[tilespmem:s18+$0xD050] =	vst v57;
	v59 =	vpop (erf)  }
0x558: {  	[tilespmem:s18+$0xE050] =	vst v58;
	v60 =	vmul.f32 v59, v31  }
0x559: {  	[tilespmem:s18+$0xF050] =	vst v1;
	v61 =	vmul.f32 v59, v25  }
0x55a: {  	s7 =	sor.u32 $0x1000, s16;
	v62 =	vmul.f32 v59, v3;
	[tilespmem:s18+$0xC060] =	vst v60  }
0x55b: {  	s12 =	sor.u32 s4, s7;
	v63 =	vmul.f32 v59, v37;
	[tilespmem:s18+$0xD060] =	vst v61  }
0x55c: {  	s12 =	sshrl.u32 s12, $0x3;
	[tilespmem:s18+$0xE060] =	vst v62  }
0x55d: {  	s12 =	sadd.s32 s6, s12;
	[tilespmem:s18+$0xF060] =	vst v63;
	s18 =	sor.u32 s8, s7  }
0x55e: {  	[hbm4b:s12+s3] =	stream.linear.scatter [tilespmem:s22], [sflag:$0x4], $0x1000, $0x38;
	[tilespmem:$0x10080] =	vst v63  }
0x55f: {  	s12 =	sshrl.u32 s18, $0x3  }
0x560: {  	s20 =	sor.u32 s9, s7;
	s12 =	sadd.s32 s6, s12  }
0x561: {  	[hbm4b:s12+s3] =	stream.linear.scatter [tilespmem:s23], [sflag:$0x4], $0x1000, $0x38;
	[tilespmem:$0x10080] =	vst v63  }
.Ltmp4:
0x562: {  	s7 =	sor.u32 s10, s7;
	s12 =	sshrl.u32 s20, $0x3;
	(pc) =	sbr.rel @p1 .LBB2_8-.Ltmp4, $4  }
0x563: {  	s7 =	sshrl.u32 s7, $0x3;
	s12 =	sadd.s32 s6, s12  }
0x564: {  	[hbm4b:s12+s3] =	stream.linear.scatter [tilespmem:s5], [sflag:$0x4], $0x1000, $0x38;
	[tilespmem:$0x10080] =	vst v63  }
0x565: {  	s7 =	sadd.s32 s6, s7  }
0x566: {  	[hbm4b:s7+s3] =	stream.linear.scatter [tilespmem:s11], [sflag:$0x4], $0x1000, $0x38;
	[tilespmem:$0x10080] =	vst v63  }
0x567: {  	s7 =	sadd.s32 $0x3000, s16  }
0x568: {  	s12 =	sadd.s32 s4, s7  }
0x569: {  	s12 =	sshrl.u32 s12, $0x3  }
0x56a: {  	s18 =	sadd.s32 s8, s7;
	s12 =	sadd.s32 s2, s12  }
0x56b: {  	[tilespmem:s24], [sflag:$0x2] =	stream.linear.gather [hbm4b:s12+s3], $0x1000, $0x38;
	[tilespmem:$0x10080] =	vst v63  }
0x56c: {  	s12 =	sshrl.u32 s18, $0x3  }
0x56d: {  	s20 =	sadd.s32 s9, s7;
	s12 =	sadd.s32 s2, s12  }
0x56e: {  	[tilespmem:s25], [sflag:$0x2] =	stream.linear.gather [hbm4b:s12+s3], $0x1000, $0x38;
	[tilespmem:$0x10080] =	vst v63  }
.Ltmp5:
0x56f: {  	s7 =	sadd.s32 s10, s7;
	s12 =	sshrl.u32 s20, $0x3;
	(pc) =	sbr.rel .LBB2_2-.Ltmp5, $4  }
0x570: {  	s7 =	sshrl.u32 s7, $0x3;
	s12 =	sadd.s32 s2, s12  }
0x571: {  	[tilespmem:s26], [sflag:$0x2] =	stream.linear.gather [hbm4b:s12+s3], $0x1000, $0x38;
	[tilespmem:$0x10080] =	vst v63  }
0x572: {  	s15 =	sadd.s32 $0x1, s15;
	s7 =	sadd.s32 s2, s7  }
0x573: {  	[tilespmem:s28], [sflag:$0x2] =	stream.linear.gather [hbm4b:s7+s3], $0x1000, $0x38;
	[tilespmem:$0x10080] =	vst v63  }
.LBB2_9:
0x574: {  	_ =	sfence.sel $0x180000  }
0x575: {  	[bflag:$0x0] =	sbarrier.arrive $0xFFFF  }
0x576: {  	_ =	strace $0x9000004A  }
0x577: {  	s0 =	stileid.u32;
	[bflag:$0x2] =	sbarrier.arrive $0xFFFF  }
0x578: {  	p0 =	sne.s32 s0, $0x0;
	s0 =	rddreg [dreg:$0x2]  }
0x579: {  	s0 =	sadd.s32 @!p0 $0x100000, s0  }
0x57a: {  	[sflag:s0] =	ssyncadd.tile.s32 @!p0 $0x1;
	_ =	shalt  }
.Lfunc_end2:
_tile_overlayer_lowered:
.L_overlay_start_2:
0x57b: {  	(tag) =	ssettag $0x2  }
0x57c: {  	s0 =	rddreg [dreg:$0x0];
	s2 =	stileid.u32  }
0x57d: {  	s1 =	rddreg [dreg:$0x1];
	p0 =	sne.s32 s2, $0x0  }
0x57e: {  	s3 =	rddreg [dreg:$0x2];
	[bflag:$0x3] =	sbarrier.arrive $0xFFFF;
	s2 =	simm.s32 @!p0 $0x1C05  }
0x57f: {  	[timem:s3], [sflag:s2] =	dma.local @!p0 [hbm:s0], s1  }
0x580: {  	s0 =	simm.s32 @!p0 $0x5  }
0x581: {  	_ =	swait.ge @!p0 [sflag:s0], s1  }
0x582: {  	s1 =	ssub.s32 @!p0 $0x0, s1;
	[sflag:s0] =	ssyncset.done @!p0 $0x0  }
0x583: {  	[sflag:s0] =	ssyncadd.s32 @!p0 s1  }
0x584: {  	[bflag:$0x3] =	sbarrier.arrive $0xFFFF  }
0x585: {  	_ =	shalt  }

// kernel: sparse-core-data-format-call.cloned.1.call-start
scs
called_computation_lowered:
.L_overlay_start_0:
0x0: {  	s2 =	sld [smem:$0x3FD9]  }
0x1: {  	s3 =	sld [smem:$0x3FFE];
	_ =	sdelay $0x1  }
0x2: {  	s1 =	srdreg.scid  }
0x3: {  	s0 =	sand.u32 $0x1, s1  }
0x4: {  	s19 =	sshll.u32 s0, $0xA;
	s2 =	sadd.s32 s3, s2  }
0x5: {  	s2 =	sadd.s32 s2, s19  }
0x6: {  	[smem:$0x3FC6] =	sst s2  }
0x7: {  	_ = 	snop  }
0x8: {  	s2 =	sld [smem:$0x3FC9]  }
0x9: {  	s20 =	sld [smem:$0x3FD0];
	(tm) =	ssettm $0x1  }
0xa: {  	s4 =	sld [smem:$0x3FFB];
	_ =	sdelay $0x3  }
0xb: {  	_ =	strace s4  }
0xc: {  	s4 =	sld [smem:$0x3FFC];
	_ =	sdelay $0x3  }
0xd: {  	_ =	strace s4  }
0xe: {  	s4 =	sld [smem:$0x3FFD];
	_ =	sdelay $0x3  }
0xf: {  	_ =	strace s4  }
0x10: {  	_ =	strace $0x8FFFFFFF  }
0x11: {  	s21 =	sld [smem:$0x3FDB];
	_ =	sdelay $0x1  }
0x12: {  	s5 =	simm.s32 $_scs_section_size  }
0x13: {  	s6 =	simm.s32 $_size__tile_overlayer_lowered;
	s7 =	simm.s32 $_tile_overlayer_lowered  }
0x14: {  	s24 =	simm.s32 $0x1BFF;
	s23 =	sshll.u32 s7, $0x1;
	s4 =	sadd.s32 s5, s21  }
0x15: {  	s8 =	simm.s32 $0x0;
	s22 =	sshll.u32 s6, $0x1;
	s6 =	sadd.s32 s23, s4  }
0x16: {  	[timem:s8], [sflag:s24] =	dma.local [hbm:s6], s22  }
0x17: {  	_ =	swait.ge [sflag:s24], s22  }
0x18: {  	s5 =	ssub.s32 $0x0, s22;
	[sflag:s24] =	ssyncset.done $0x0  }
0x19: {  	[sflag:s24] =	ssyncadd.s32 s5;
	_ =	sdelay $0x1  }
0x1a: {  	s25 =	simm.s32 $0x1B8B  }
0x1b: {  	_ =	swait.ge [sflag:s25], $0x1  }
0x1c: {  	[sflag:s25] =	ssyncset.done $0x0  }
0x1d: {  	s26 =	simm.s32 $0x1B8E;
	[sflag:s25] =	ssyncadd.s32 $0xFFFFFFFF  }
0x1e: {  	s27 =	simm.s32 $execute0_lowered;
	[smem:$0x3FD2] =	sst s26  }
0x1f: {  	s5 =	sshll.u32 s27, $0x1;
	_ =	strace $0x80000046;
	[dreg:$0x1] =	wrdreg $0xFFFFFFFF  }
0x20: {  	s28 =	simm.s32 $_size_execute0_lowered;
	s4 =	sadd.s32 s4, s5;
	[dreg:$0x0] =	wrdreg $0x0  }
0x21: {  	s5 =	sshll.u32 s28, $0x1;
	[dreg:$0x2] =	wrdreg s4  }
0x22: {  	[dreg:$0x3] =	wrdreg s5  }
0x23: {  	[dreg:$0x4] =	wrdreg $0xC0  }
0x24: {  	_ =	task [dreg:s8], $0x5FFFF  }
0x25: {  	[dreg:$0x1] =	wrdreg $0xFFFFFFFF  }
0x26: {  	[dreg:$0x0] =	wrdreg $0x60  }
0x27: {  	[dreg:$0x2] =	wrdreg s2  }
0x28: {  	[dreg:$0x3] =	wrdreg s20  }
0x29: {  	[dreg:$0x4] =	wrdreg $0x9  }
0x2a: {  	_ =	task.clear_ibuf [dreg:s8], $0x5FFFF;
	_ =	strace $0x90000046  }
0x2b: {  	s29 =	simm.s32 $0x9;
	_ =	strace $0x80000048  }
0x2c: {  	_ =	swait.ge [sflag:s29], $0x1  }
0x2d: {  	[sflag:s29] =	ssyncadd.s32 $0xFFFFFFFF  }
0x2e: {  	_ =	strace $0x90000048  }
0x2f: {  	_ =	sfence  }
0x30: {  	s30 =	sld [smem:$0x0];
	_ =	sdelay $0x2  }
0x31: {  	s31 =	sshll.u32 s1, $0xD;
	s1 =	sshrl.u32 s1, $0x2  }
0x32: {  	s3 =	sand.u32 $0x4000, s31;
	s1 =	sadd.s32 s1, s30  }
0x33: {  	s0 =	sor.u32 s3, s0;
	s1 =	sshll.u32 s1, $0x11  }
0x34: {  	s0 =	sor.u32 s1, s0  }
0x35: {  	s0 =	sadd.s32 $0x8F2B, s0  }
0x36: {  	[sflag:s0] =	ssyncadd.remote.s32 $0x1  }
0x37: {  	_ =	sfence.sel $0xFFFF  }
0x38: {  	[dreg:$0x0] =	wrdreg $0xFFFFFFFF;
	(pc) =	sbr.abs _section_cstart, $3  }
0x39: {  	[dreg:$0x1] =	wrdreg $0xFFFFFFFF  }
0x3a: {  	_ =	task.clear_ibuf [dreg:s8], $0x2FFFF;
	_ =	strace $0x9FFFFFFF  }
0x3b: {  	(tm) =	ssettm $0x7FFFFFFF  }
tec
execute0_lowered:
.L_overlay_start_1:
0x0: {  	(tag) =	ssettag $0x1  }
0x1: {  	s0 =	srdreg.scid  }
0x2: {  	s1 =	sshll.u32 s0, $0x4  }
0x3: {  	s2 =	rddreg [dreg:$0x0];
	s0 =	stileid.u32;
	s1 =	sand.u32 $0x10, s1  }
0x4: {  	s4 =	rddreg [dreg:$0x1];
	s1 =	sor.u32 s0, s1  }
0x5: {  	s7 =	simm.s32 $0x1;
	s8 =	simm.s32 $0x2;
	s3 =	sshll.u32 s1, $0x2  }
0x6: {  	s9 =	simm.s32 $0x0;
	s12 =	simm.s32 $0x0;
	s6 =	ssub.s32 $0x800, s3  }
.Ltmp0:
0x7: {  	s11 =	simm.s32 $0x0;
	s5 =	sand.u32 $0x7C, s6;
	(pc) =	sbr.rel .LBB1_1-.Ltmp0, $4  }
0x8: {  	s1 =	rddreg [dreg:$0x2];
	_ =	strace $0x80000047;
	p0 =	sne.s32 s5, $0x0  }
0x9: {  	s6 =	sshrl.u32 s6, $0x7;
	s5 =	simm.s32 $0x1;
	s7 =	simm.s32 @!p0 $0x0  }
0xa: {  	s10 =	smov.u32 s3;
	[sflag:s5] =	ssyncpa.u1 $0x0;
	s6 =	sadd.s32 s7, s6  }
0xb: {  	[sflag:s8] =	ssyncpa.u1 $0x0;
	s8 =	simm.s32 $0x0;
	s7 =	sadd.s32 $0x1, s6  }
.LBB1_9:
0xc: {  	s14 =	sadd.s32 $0x80, s10  }
0xd: {  	p1 =	sgt.s32 s14, $0x7FF  }
0xe: {  	s14 =	smov.u32 @p1 s3;
	p1 =	sne.s32 s11, s7  }
.Ltmp1:
0xf: {  	p0 =	slt.u32 s11, $0x2;
	(pc) =	sbr.rel @!p1 .LBB1_10-.Ltmp1, $4  }
0x10: {  	s13 =	simm.s32 @!p0 $0x2  }
0x11: {  	s15 =	sadd.s32 $0x1, s11;
	_ =	swait.ge @!p0 [sflag:s13], $0x4000  }
0x12: {  	s12 =	smov.u32 s10;
	s9 =	sadd.s32 $0x4000, s9;
	[sflag:s13] =	ssyncset.done @!p0 $0x0  }
0x13: {  	s11 =	smov.u32 s15;
	s10 =	smov.u32 s14;
	[sflag:s13] =	ssyncadd.s32 @!p0 $0xFFFFC000  }
.LBB1_1:
0x14: {  	p0 =	sge.u32 s11, s6  }
0x15: {  	s13 =	sxor.u32 @!p0 $0xFFFFFFFF, s11  }
0x16: {  	s31 =	sadd.s32 $0xFFFFFFFF, s11;
	s14 =	sshll.u32 @!p0 s10, $0x9;
	s13 =	sshll.u32 @!p0 s13, $0xE  }
0x17: {  	s15 =	simm.s32 @!p0 $0x0;
	s14 =	sadd.s32 @!p0 s2, s14;
	s13 =	sand.u32 @!p0 $0x4000, s13  }
0x18: {  	[tilespmem:s13], [sflag:$0x1] =	stream.linear.gather @!p0 [hbm4b:s14+s15], $0x4000, $0x38;
	[tilespmem:$0x10000] =	vst v63  }
0x19: {  	p0 =	sge.u32 s31, s6  }
.Ltmp2:
0x1a: {  	_ = 	snop;
	(pc) =	sbr.rel @p0 .LBB1_9-.Ltmp2, $1  }
0x1b: {  	_ =	sdelay $0x3  }
0x1c: {  	s14 =	sand.u32 $0x4000, s9  }
0x1d: {  	_ =	swait.ge [sflag:s5], $0x4000;
	s15 =	sshll.u32 s11, $0xE;
	s16 =	simm.s32 $0x0  }
0x1e: {  	s13 =	sor.u32 $0x40, s14;
	[sflag:s5] =	ssyncset.done $0x0;
	s15 =	sand.u32 $0x4000, s15  }
0x1f: {  	s14 =	sor.u32 $0x8040, s14;
	[sflag:s5] =	ssyncadd.s32 $0xFFFFC000;
	s15 =	sor.u32 $0x8000, s15  }
.LBB1_3:
0x20: {  	s17 =	smov.u32 s14;
	s18 =	smov.u32 s13;
	s19 =	simm.s32 $0x0  }
.LBB1_4:
0x21: {  	v0 =	vmov s17;
	v2 =	vld [tilespmem:s18+$0x30]  }
0x22: {  	v4 =	vld [tilespmem:s18+$0xFFFFFFD0]  }
0x23: {  	v6 =	vld [tilespmem:s18+$0xFFFFFFE0]  }
0x24: {  	v7 =	vld [tilespmem:s18+$0xFFFFFFF0]  }
0x25: {  	s20 =	simm.s32 $0x0;
	v1 =	vld [tilespmem:s18+$0x0]  }
0x26: {  	v3 =	vld [tilespmem:s18+$0x10];
	[tilespmem:v0+s20+$0x30 ss:$0x1] =	vst.idx.msk $0xffff, v2  }
0x27: {  	v5 =	vld [tilespmem:s18+$0x20];
	[tilespmem:v0+s20+$0xFFFFFFD0 ss:$0x1] =	vst.idx.msk $0xffff, v4  }
0x28: {  	s21 =	sadd.s32 $0x80, s18;
	v2 =	vld [tilespmem:s18+$0xFFFFFFC0];
	[tilespmem:v0+s20+$0xFFFFFFE0 ss:$0x1] =	vst.idx.msk $0xffff, v6  }
0x29: {  	s22 =	simm.s32 $0x800;
	s23 =	simm.s32 $0x1000;
	v4 =	vld [tilespmem:s21+$0x30];
	[tilespmem:v0+s20+$0xFFFFFFF0 ss:$0x1] =	vst.idx.msk $0xffff, v7  }
.LBB1_5:
0x2a: {  	p0 =	sne.s32 s23, $0x3800;
	v6 =	vld [tilespmem:s21+$0xFFFFFFD0];
	[tilespmem:v0+s20+$0x0 ss:$0x1] =	vst.idx.msk $0xffff, v1  }
0x2b: {  	v7 =	vld [tilespmem:s21+$0xFFFFFFE0];
	[tilespmem:v0+s20+$0x10 ss:$0x1] =	vst.idx.msk $0xffff, v3  }
0x2c: {  	v8 =	vld [tilespmem:s21+$0xFFFFFFF0];
	[tilespmem:v0+s20+$0x20 ss:$0x1] =	vst.idx.msk $0xffff, v5  }
.Ltmp3:
0x2d: {  	v1 =	vld [tilespmem:s21+$0x0];
	[tilespmem:v0+s20+$0xFFFFFFC0 ss:$0x1] =	vst.idx.msk $0xffff, v2;
	s20 =	sshra.s32 s22, $0x2;
	s22 =	smov.u32 s23;
	(pc) =	sbr.rel @p0 .LBB1_5-.Ltmp3, $4  }
0x2e: {  	v3 =	vld [tilespmem:s21+$0x10];
	[tilespmem:v0+s20+$0x30 ss:$0x1] =	vst.idx.msk $0xffff, v4  }
0x2f: {  	[tilespmem:v0+s20+$0xFFFFFFD0 ss:$0x1] =	vst.idx.msk $0xffff, v6;
	v5 =	vld [tilespmem:s21+$0x20]  }
0x30: {  	v2 =	vld [tilespmem:s21+$0xFFFFFFC0];
	[tilespmem:v0+s20+$0xFFFFFFE0 ss:$0x1] =	vst.idx.msk $0xffff, v7;
	s21 =	sadd.s32 $0x80, s21  }
0x31: {  	s23 =	sadd.s32 $0x800, s23;
	v4 =	vld [tilespmem:s21+$0x30];
	[tilespmem:v0+s20+$0xFFFFFFF0 ss:$0x1] =	vst.idx.msk $0xffff, v8  }
0x32: {  	_ =	sdelay $0x3  }
0x33: {  	v6 =	vld [tilespmem:s21+$0xFFFFFFD0];
	[tilespmem:v0+s20+$0x0 ss:$0x1] =	vst.idx.msk $0xffff, v1  }
0x34: {  	v58 =	vld [tilespmem:s21+$0xFFFFFFE0];
	[tilespmem:v0+s20+$0x10 ss:$0x1] =	vst.idx.msk $0xffff, v3  }
0x35: {  	v59 =	vld [tilespmem:s21+$0xFFFFFFF0];
	[tilespmem:v0+s20+$0x20 ss:$0x1] =	vst.idx.msk $0xffff, v5  }
0x36: {  	s22 =	sshra.s32 s22, $0x2;
	v60 =	vld [tilespmem:s21+$0x0];
	[tilespmem:v0+s20+$0xFFFFFFC0 ss:$0x1] =	vst.idx.msk $0xffff, v2  }
0x37: {  	v61 =	vld [tilespmem:s21+$0x10];
	[tilespmem:v0+s22+$0x30 ss:$0x1] =	vst.idx.msk $0xffff, v4  }
0x38: {  	v62 =	vld [tilespmem:s21+$0x20];
	s19 =	sadd.s32 $0x1, s19;
	[tilespmem:v0+s22+$0xFFFFFFD0 ss:$0x1] =	vst.idx.msk $0xffff, v6  }
0x39: {  	v63 =	vld [tilespmem:s21+$0xFFFFFFC0];
	p0 =	sne.s32 s19, $0x4;
	[tilespmem:v0+s22+$0xFFFFFFE0 ss:$0x1] =	vst.idx.msk $0xffff, v58  }
.Ltmp4:
0x3a: {  	[tilespmem:v0+s22+$0xFFFFFFF0 ss:$0x1] =	vst.idx.msk $0xffff, v59;
	(pc) =	sbr.rel @p0 .LBB1_4-.Ltmp4, $4  }
0x3b: {  	[tilespmem:v0+s22+$0x0 ss:$0x1] =	vst.idx.msk $0xffff, v60  }
0x3c: {  	[tilespmem:v0+s22+$0x10 ss:$0x1] =	vst.idx.msk $0xffff, v61  }
0x3d: {  	[tilespmem:v0+s22+$0x20 ss:$0x1] =	vst.idx.msk $0xffff, v62  }
0x3e: {  	s18 =	sadd.s32 $0x400, s18;
	s17 =	sadd.s32 $0x80, s17;
	[tilespmem:v0+s22+$0xFFFFFFC0 ss:$0x1] =	vst.idx.msk $0xffff, v63  }
0x3f: {  	s16 =	sadd.s32 $0x1, s16  }
0x40: {  	p0 =	sne.s32 s16, $0x4  }
.Ltmp5:
0x41: {  	_ = 	snop;
	(pc) =	sbr.rel @p0 .LBB1_3-.Ltmp5, $2  }
0x42: {  	_ =	sdelay $0x2  }
0x43: {  	s13 =	sadd.s32 $0x1000, s13;
	s14 =	sadd.s32 $0x1000, s14  }
.Ltmp6:
0x44: {  	(pc) =	sbr.rel .LBB1_9-.Ltmp6, $4  }
0x45: {  	_ = 	snop  }
0x46: {  	s12 =	sshll.u32 s12, $0x9  }
0x47: {  	s12 =	sadd.s32 s4, s12  }
0x48: {  	[hbm4b:s12+s8] =	stream.linear.scatter [tilespmem:s15], [sflag:$0x2], $0x4000, $0x38;
	[tilespmem:$0x10000] =	vst v63  }
.LBB1_10:
0x49: {  	_ =	sfence.sel $0x180000  }
0x4a: {  	s2 =	simm.s32 $0x1;
	[bflag:$0x0] =	sbarrier.arrive $0xFFFF  }
0x4b: {  	s31 =	simm.s32 $0x2;
	[sflag:s2] =	ssyncpa.u1 $0x1  }
0x4c: {  	[sflag:s31] =	ssyncpa.u1 $0x1  }
0x4d: {  	p0 =	sne.s32 s0, $0x0;
	_ =	strace $0x90000047  }
0x4e: {  	s0 =	sadd.s32 @!p0 $0x100000, s1;
	[bflag:$0x2] =	sbarrier.arrive $0xFFFF  }
0x4f: {  	[sflag:s0] =	ssyncadd.tile.s32 @!p0 $0x1;
	_ =	shalt  }
.Lfunc_end1:
_tile_overlayer_lowered:
.L_overlay_start_2:
0x50: {  	(tag) =	ssettag $0x2  }
0x51: {  	s0 =	rddreg [dreg:$0x0];
	s2 =	stileid.u32  }
0x52: {  	s1 =	rddreg [dreg:$0x1];
	p0 =	sne.s32 s2, $0x0  }
0x53: {  	s3 =	rddreg [dreg:$0x2];
	[bflag:$0x3] =	sbarrier.arrive $0xFFFF;
	s2 =	simm.s32 @!p0 $0x1C01  }
0x54: {  	[timem:s3], [sflag:s2] =	dma.local @!p0 [hbm:s0], s1  }
0x55: {  	s0 =	simm.s32 @!p0 $0x1  }
0x56: {  	_ =	swait.ge @!p0 [sflag:s0], s1  }
0x57: {  	s1 =	ssub.s32 @!p0 $0x0, s1;
	[sflag:s0] =	ssyncset.done @!p0 $0x0  }
0x58: {  	[sflag:s0] =	ssyncadd.s32 @!p0 s1  }
0x59: {  	[bflag:$0x3] =	sbarrier.arrive $0xFFFF  }
0x5a: {  	_ =	shalt  }

</sc_bundles>
